<compile_context>
chip_gen: v7x
topology: tpu7x:2x2x1
jax: 0.10.2.dev20260603
libtpu: 0.0.44.dev20260713+nightly
codegen_flags: <defaults>
</compile_context>

<pallas_src>
import functools

import jax
import jax.numpy as jnp
from jax import lax
from jax.experimental import pallas as pl
from jax.experimental.pallas import tpu as pltpu
from jax.experimental.pallas import tpu_sc as plsc


@functools.cache
def _build(Bb, H, V, D):
    info = plsc.get_sparse_core_info()
    NC, NS, L = info.num_cores, info.num_subcores, info.num_lanes
    NW = NC * NS
    BCOL = Bb // NW
    assert BCOL == 128
    W = 4 * D
    CH = 2
    n_ch = H // CH
    CR = CH * BCOL
    mesh = plsc.VectorSubcoreMesh(core_axis_name="c", subcore_axis_name="s")

    @functools.partial(
        pl.kernel,
        out_type=jax.ShapeDtypeStruct((H * D, Bb), jnp.float32),
        mesh=mesh,
        scratch_types=[
            pltpu.VMEM((H, BCOL), jnp.int32),
            pltpu.VMEM((H * BCOL,), jnp.int32),
            pltpu.VMEM((2, CR, W), jnp.float32),
            pltpu.VMEM((2, CH * D, BCOL), jnp.float32),
        ]
        + [pltpu.SemaphoreType.DMA] * 4,
        compiler_params=pltpu.CompilerParams(needs_layout_passes=False),
    )
    def k(idxT_hbm, table_hbm, out_hbm, idxT_v, idxS_v, rows_v, out_v, *sems):
        gsems, osems = sems[:2], sems[2:]
        wid = lax.axis_index("s") * NC + lax.axis_index("c")
        col0 = wid * BCOL
        pltpu.sync_copy(idxT_hbm.at[:, pl.ds(col0, BCOL)], idxT_v)

        @pl.loop(0, H)
        def _shift(r):
            for g in range(BCOL // L):
                idxS_v[pl.ds(r * BCOL + g * L, L)] = (
                    idxT_v[r, pl.ds(g * L, L)] & (VP - 1))

        def fire_gather(c, b):
            return pltpu.async_copy(
                table_hbm.at[idxS_v.at[pl.ds(c * CR, CR)]], rows_v.at[b], gsems[b])

        def fire_out(c, b):
            return pltpu.async_copy(
                out_v.at[b],
                out_hbm.at[pl.ds(c * (CH * D), CH * D), pl.ds(col0, BCOL)],
                osems[b])

        def wait_gather(b):
            pltpu.make_async_copy(
                table_hbm.at[idxS_v.at[pl.ds(0, CR)]], rows_v.at[b], gsems[b]).wait()

        def wait_out(b):
            pltpu.make_async_copy(
                out_v.at[b],
                out_hbm.at[pl.ds(0, CH * D), pl.ds(col0, BCOL)],
                osems[b]).wait()

        def extract(c, b):
            rows2d = rows_v.at[b]
            outb = out_v.at[b]
            lvec = lax.iota(jnp.int32, L)
            rsel = lvec >> 2
            qsel = lvec & 3
            for d in range(CH):
                h = c * CH + d
                hvec = jnp.full((L,), h, jnp.int32)

                @pl.loop(0, BCOL // 4)
                def _b4(b4, d=d, hvec=hvec):
                    bv = (b4 * 4) + rsel
                    rowv = (d * BCOL) + bv
                    mbv = (plsc.load_gather(idxT_v, [hvec, bv]) >> 18) * D
                    for j0 in range(0, D, 4):
                        v = plsc.load_gather(rows2d, [rowv, mbv + (j0 + qsel)])
                        plsc.store_scatter(outb, [(d * D + j0) + qsel, bv], v)

        fire_gather(0, 0)
        fire_gather(1, 1)

        @pl.loop(0, n_ch // 2)
        def _grp(gg):
            for db in range(2):
                c = gg * 2 + db
                wait_gather(db)

                @pl.when(gg > 0)
                def _():
                    wait_out(db)

                extract(c, db)
                fire_out(c, db)

                if db == 0:
                    fire_gather(c + 2, db)
                else:
                    @pl.when(gg < n_ch // 2 - 1)
                    def _():
                        fire_gather(c + 2, db)

        c_last = n_ch - 1
        wait_gather(0)
        wait_out(0)
        extract(c_last, 0)
        fire_out(c_last, 0)
        wait_out(0)
        wait_out(1)

    return k


VP = 1 << 18


@functools.cache
def _tc_relayout(V, D):
    BL = 8192
    n_rb = VP // BL

    def body(t0, t1, t2, t3, o_ref):
        for m, t in enumerate((t0, t1, t2, t3)):
            o_ref[:, m * D:(m + 1) * D] = t[...].T

    def mk_spec(m, V):
        last = (V - 1) // BL

        def imap(rb, m=m, last=last):
            return (0, jnp.minimum(m * n_rb + rb, last))

        return pl.BlockSpec((D, BL), imap)

    return pl.pallas_call(
        body,
        grid=(n_rb,),
        in_specs=[mk_spec(m, V) for m in range(4)],
        out_specs=pl.BlockSpec((BL, 4 * D), lambda rb: (rb, 0)),
        out_shape=jax.ShapeDtypeStruct((VP, 4 * D), jnp.float32),
    )


def kernel(inputs, table):
    Bb, H = inputs.shape
    V, D = table.shape
    tt = table.T
    table4 = _tc_relayout(V, D)(tt, tt, tt, tt)
    out2d = _build(Bb, H, V, D)(inputs.T, table4)
    return out2d.reshape(H, D, Bb).transpose(2, 0, 1)

# --- scband reference (transcript-rebuilt; emitter-appended) ---
"""Pipeline reference for scband-embedder1-78048145703303 (READ-ONLY COPY).

The authoritative reference and input builder live on the scoring server;
editing this copy changes nothing except your own understanding.
"""

import jax, jax.numpy as jnp
import numpy as np

VOCAB = 1000000
EMBED_DIM = 32
BATCH = 4096
HIST = 50

def setup_inputs(seed: int = 0) -> dict:
    key = jax.random.key(seed)
    k_idx, k_tab = jax.random.split(key)
    inputs = jax.random.randint(k_idx, (BATCH, HIST), 0, VOCAB, dtype=jnp.int64 if jax.config.jax_enable_x64 else jnp.int32)
    table = jax.random.normal(k_tab, (VOCAB, EMBED_DIM), dtype=jnp.float32)
    return {"inputs": inputs, "table": table}

def reference(inputs, table):
    # nn.Embedding forward: gather rows of the embedding table by index
    embeds = jnp.take(table, inputs, axis=0)
    return embeds

if __name__ == "__main__":
    import jax
    _d = setup_inputs()
    print(jax.jit(kernel)(*tuple(_d.values())))

</pallas_src>

<mosaic_0001>
#map = affine_map<(d0, d1) -> (0, 0)>
module attributes {stable_mosaic.version = 14 : i64} {
  func.func @k(%arg0: i32, %arg1: i32, %arg2: memref<50x4096xi32, #tpu.memory_space<hbm>>, %arg3: memref<262144x128xf32, #tpu.memory_space<hbm>>, %arg4: memref<1600x4096xf32, #tpu.memory_space<hbm>>, %arg5: memref<50x128xi32, #tpu.memory_space<vmem>>, %arg6: memref<6400xi32, #tpu.memory_space<vmem>>, %arg7: memref<2x256x128xf32, #tpu.memory_space<vmem>>, %arg8: memref<2x64x128xf32, #tpu.memory_space<vmem>>, %arg9: memref<!tpu.dma_semaphore, #tpu.memory_space<semaphore_mem>>, %arg10: memref<!tpu.dma_semaphore, #tpu.memory_space<semaphore_mem>>, %arg11: memref<!tpu.dma_semaphore, #tpu.memory_space<semaphore_mem>>, %arg12: memref<!tpu.dma_semaphore, #tpu.memory_space<semaphore_mem>>) attributes {dimension_semantics = [#tpu.dimension_semantics<core_parallel>, #tpu.dimension_semantics<subcore_parallel>], iteration_bounds = array<i64: 2, 16>, scalar_prefetch = 0 : i64, scratch_operands = 8 : i64, tpu.core_type = #tpu.core_type<sc_vector_subcore>, window_params = [{transform_indices = #map}, {transform_indices = #map}, {transform_indices = #map}]} {
    %mul3A = arith.constant 2 : i32
    %mul3A_0 = arith.muli %arg1, %mul3A : i32
    %add3A = arith.addi %mul3A_0, %arg0 : i32
    %mul3A_1 = arith.constant 128 : i32
    %mul3A_2 = arith.muli %add3A, %mul3A_1 : i32
    "tpu.region"() ({
      %run_scoped3A = tpu.sem_alloc : memref<!tpu.dma_semaphore, #tpu.memory_space<semaphore_mem>>
      %dma_start3A_113 = arith.constant 0 : i32
      %dma_start3A_114 = tpu.memref_slice %arg2[%dma_start3A_113, %mul3A_2] : memref<50x4096xi32, #tpu.memory_space<hbm>> -> memref<50x128xi32, #tpu.memory_space<hbm>>
      %dma_start3A_115 = arith.constant 0 : i32
      %dma_start3A_116 = tpu.memref_slice %arg2[%dma_start3A_115, %mul3A_2] : memref<50x4096xi32, #tpu.memory_space<hbm>> -> memref<50x128xi32, #tpu.memory_space<hbm>>
      tpu.enqueue_dma source(%dma_start3A_116 : memref<50x128xi32, #tpu.memory_space<hbm>>) target(%arg5 : memref<50x128xi32, #tpu.memory_space<vmem>>) target_semaphore(%run_scoped3A : memref<!tpu.dma_semaphore, #tpu.memory_space<semaphore_mem>>)
      %dma_wait3A_117 = arith.constant 0 : i32
      %dma_wait3A_118 = tpu.memref_slice %arg2[%dma_wait3A_117, %mul3A_2] : memref<50x4096xi32, #tpu.memory_space<hbm>> -> memref<50x128xi32, #tpu.memory_space<hbm>>
      %dma_wait3A_119 = arith.constant 0 : i32
      %dma_wait3A_120 = tpu.memref_slice %arg2[%dma_wait3A_119, %mul3A_2] : memref<50x4096xi32, #tpu.memory_space<hbm>> -> memref<50x128xi32, #tpu.memory_space<hbm>>
      tpu.wait_dma2 semaphore(%run_scoped3A : memref<!tpu.dma_semaphore, #tpu.memory_space<semaphore_mem>>) src(%dma_wait3A_120 : memref<50x128xi32, #tpu.memory_space<hbm>>) dst(%arg5 : memref<50x128xi32, #tpu.memory_space<vmem>>)
      tpu.yield
    }) : () -> ()
    %scan3A = arith.constant 0 : i32
    %scan3A_3 = arith.constant 50 : i32
    %scan3A_4 = arith.addi %scan3A, %scan3A_3 : i32
    %scan3A_5 = arith.constant 1 : i32
    scf.for %scan3A_113 = %scan3A to %scan3A_4 step %scan3A_5  : i32 {
      %mul3A_114 = arith.constant 1 : i32
      %mul3A_115 = arith.muli %scan3A_113, %mul3A_114 : i32
      %add3A_116 = arith.constant 0 : i32
      %add3A_117 = arith.addi %add3A_116, %mul3A_115 : i32
      %get3A = arith.index_cast %add3A_117 : i32 to index
      %get3A_118 = arith.constant 0 : index
      %get3A_119 = tpu.vector_load %arg5[%get3A, %get3A_118] {strides = array<i32>} : memref<50x128xi32, #tpu.memory_space<vmem>>, vector<16xi32>,
      %and3A_120 = arith.constant 262143 : i32
      %and3A_121 = vector.broadcast %and3A_120 : i32 to vector<16xi32>
      %and3A_122 = arith.andi %get3A_119, %and3A_121 : vector<16xi32>
      %mul3A_123 = arith.constant 128 : i32
      %mul3A_124 = arith.muli %add3A_117, %mul3A_123 : i32
      %add3A_125 = arith.constant 0 : i32
      %add3A_126 = arith.addi %mul3A_124, %add3A_125 : i32
      %swap3A = arith.index_cast %add3A_126 : i32 to index
      %swap3A_127 = tpu.vector_load %arg6[%swap3A] {strides = array<i32>} : memref<6400xi32, #tpu.memory_space<vmem>>, vector<16xi32>,
      tpu.vector_store %arg6[%swap3A], %and3A_122 {strides = array<i32>} : memref<6400xi32, #tpu.memory_space<vmem>>, vector<16xi32>,
      %get3A_128 = arith.index_cast %add3A_117 : i32 to index
      %get3A_129 = arith.constant 16 : index
      %get3A_130 = tpu.vector_load %arg5[%get3A_128, %get3A_129] {strides = array<i32>} : memref<50x128xi32, #tpu.memory_space<vmem>>, vector<16xi32>,
      %and3A_131 = arith.constant 262143 : i32
      %and3A_132 = vector.broadcast %and3A_131 : i32 to vector<16xi32>
      %and3A_133 = arith.andi %get3A_130, %and3A_132 : vector<16xi32>
      %mul3A_134 = arith.constant 128 : i32
      %mul3A_135 = arith.muli %add3A_117, %mul3A_134 : i32
      %add3A_136 = arith.constant 16 : i32
      %add3A_137 = arith.addi %mul3A_135, %add3A_136 : i32
      %swap3A_138 = arith.index_cast %add3A_137 : i32 to index
      %swap3A_139 = tpu.vector_load %arg6[%swap3A_138] {strides = array<i32>} : memref<6400xi32, #tpu.memory_space<vmem>>, vector<16xi32>,
      tpu.vector_store %arg6[%swap3A_138], %and3A_133 {strides = array<i32>} : memref<6400xi32, #tpu.memory_space<vmem>>, vector<16xi32>,
      %get3A_140 = arith.index_cast %add3A_117 : i32 to index
      %get3A_141 = arith.constant 32 : index
      %get3A_142 = tpu.vector_load %arg5[%get3A_140, %get3A_141] {strides = array<i32>} : memref<50x128xi32, #tpu.memory_space<vmem>>, vector<16xi32>,
      %and3A_143 = arith.constant 262143 : i32
      %and3A_144 = vector.broadcast %and3A_143 : i32 to vector<16xi32>
      %and3A_145 = arith.andi %get3A_142, %and3A_144 : vector<16xi32>
      %mul3A_146 = arith.constant 128 : i32
      %mul3A_147 = arith.muli %add3A_117, %mul3A_146 : i32
      %add3A_148 = arith.constant 32 : i32
      %add3A_149 = arith.addi %mul3A_147, %add3A_148 : i32
      %swap3A_150 = arith.index_cast %add3A_149 : i32 to index
      %swap3A_151 = tpu.vector_load %arg6[%swap3A_150] {strides = array<i32>} : memref<6400xi32, #tpu.memory_space<vmem>>, vector<16xi32>,
      tpu.vector_store %arg6[%swap3A_150], %and3A_145 {strides = array<i32>} : memref<6400xi32, #tpu.memory_space<vmem>>, vector<16xi32>,
      %get3A_152 = arith.index_cast %add3A_117 : i32 to index
      %get3A_153 = arith.constant 48 : index
      %get3A_154 = tpu.vector_load %arg5[%get3A_152, %get3A_153] {strides = array<i32>} : memref<50x128xi32, #tpu.memory_space<vmem>>, vector<16xi32>,
      %and3A_155 = arith.constant 262143 : i32
      %and3A_156 = vector.broadcast %and3A_155 : i32 to vector<16xi32>
      %and3A_157 = arith.andi %get3A_154, %and3A_156 : vector<16xi32>
      %mul3A_158 = arith.constant 128 : i32
      %mul3A_159 = arith.muli %add3A_117, %mul3A_158 : i32
      %add3A_160 = arith.constant 48 : i32
      %add3A_161 = arith.addi %mul3A_159, %add3A_160 : i32
      %swap3A_162 = arith.index_cast %add3A_161 : i32 to index
      %swap3A_163 = tpu.vector_load %arg6[%swap3A_162] {strides = array<i32>} : memref<6400xi32, #tpu.memory_space<vmem>>, vector<16xi32>,
      tpu.vector_store %arg6[%swap3A_162], %and3A_157 {strides = array<i32>} : memref<6400xi32, #tpu.memory_space<vmem>>, vector<16xi32>,
      %get3A_164 = arith.index_cast %add3A_117 : i32 to index
      %get3A_165 = arith.constant 64 : index
      %get3A_166 = tpu.vector_load %arg5[%get3A_164, %get3A_165] {strides = array<i32>} : memref<50x128xi32, #tpu.memory_space<vmem>>, vector<16xi32>,
      %and3A_167 = arith.constant 262143 : i32
      %and3A_168 = vector.broadcast %and3A_167 : i32 to vector<16xi32>
      %and3A_169 = arith.andi %get3A_166, %and3A_168 : vector<16xi32>
      %mul3A_170 = arith.constant 128 : i32
      %mul3A_171 = arith.muli %add3A_117, %mul3A_170 : i32
      %add3A_172 = arith.constant 64 : i32
      %add3A_173 = arith.addi %mul3A_171, %add3A_172 : i32
      %swap3A_174 = arith.index_cast %add3A_173 : i32 to index
      %swap3A_175 = tpu.vector_load %arg6[%swap3A_174] {strides = array<i32>} : memref<6400xi32, #tpu.memory_space<vmem>>, vector<16xi32>,
      tpu.vector_store %arg6[%swap3A_174], %and3A_169 {strides = array<i32>} : memref<6400xi32, #tpu.memory_space<vmem>>, vector<16xi32>,
      %get3A_176 = arith.index_cast %add3A_117 : i32 to index
      %get3A_177 = arith.constant 80 : index
      %get3A_178 = tpu.vector_load %arg5[%get3A_176, %get3A_177] {strides = array<i32>} : memref<50x128xi32, #tpu.memory_space<vmem>>, vector<16xi32>,
      %and3A_179 = arith.constant 262143 : i32
      %and3A_180 = vector.broadcast %and3A_179 : i32 to vector<16xi32>
      %and3A_181 = arith.andi %get3A_178, %and3A_180 : vector<16xi32>
      %mul3A_182 = arith.constant 128 : i32
      %mul3A_183 = arith.muli %add3A_117, %mul3A_182 : i32
      %add3A_184 = arith.constant 80 : i32
      %add3A_185 = arith.addi %mul3A_183, %add3A_184 : i32
      %swap3A_186 = arith.index_cast %add3A_185 : i32 to index
      %swap3A_187 = tpu.vector_load %arg6[%swap3A_186] {strides = array<i32>} : memref<6400xi32, #tpu.memory_space<vmem>>, vector<16xi32>,
      tpu.vector_store %arg6[%swap3A_186], %and3A_181 {strides = array<i32>} : memref<6400xi32, #tpu.memory_space<vmem>>, vector<16xi32>,
      %get3A_188 = arith.index_cast %add3A_117 : i32 to index
      %get3A_189 = arith.constant 96 : index
      %get3A_190 = tpu.vector_load %arg5[%get3A_188, %get3A_189] {strides = array<i32>} : memref<50x128xi32, #tpu.memory_space<vmem>>, vector<16xi32>,
      %and3A_191 = arith.constant 262143 : i32
      %and3A_192 = vector.broadcast %and3A_191 : i32 to vector<16xi32>
      %and3A_193 = arith.andi %get3A_190, %and3A_192 : vector<16xi32>
      %mul3A_194 = arith.constant 128 : i32
      %mul3A_195 = arith.muli %add3A_117, %mul3A_194 : i32
      %add3A_196 = arith.constant 96 : i32
      %add3A_197 = arith.addi %mul3A_195, %add3A_196 : i32
      %swap3A_198 = arith.index_cast %add3A_197 : i32 to index
      %swap3A_199 = tpu.vector_load %arg6[%swap3A_198] {strides = array<i32>} : memref<6400xi32, #tpu.memory_space<vmem>>, vector<16xi32>,
      tpu.vector_store %arg6[%swap3A_198], %and3A_193 {strides = array<i32>} : memref<6400xi32, #tpu.memory_space<vmem>>, vector<16xi32>,
      %get3A_200 = arith.index_cast %add3A_117 : i32 to index
      %get3A_201 = arith.constant 112 : index
      %get3A_202 = tpu.vector_load %arg5[%get3A_200, %get3A_201] {strides = array<i32>} : memref<50x128xi32, #tpu.memory_space<vmem>>, vector<16xi32>,
      %and3A_203 = arith.constant 262143 : i32
      %and3A_204 = vector.broadcast %and3A_203 : i32 to vector<16xi32>
      %and3A_205 = arith.andi %get3A_202, %and3A_204 : vector<16xi32>
      %mul3A_206 = arith.constant 128 : i32
      %mul3A_207 = arith.muli %add3A_117, %mul3A_206 : i32
      %add3A_208 = arith.constant 112 : i32
      %add3A_209 = arith.addi %mul3A_207, %add3A_208 : i32
      %swap3A_210 = arith.index_cast %add3A_209 : i32 to index
      %swap3A_211 = tpu.vector_load %arg6[%swap3A_210] {strides = array<i32>} : memref<6400xi32, #tpu.memory_space<vmem>>, vector<16xi32>,
      tpu.vector_store %arg6[%swap3A_210], %and3A_205 {strides = array<i32>} : memref<6400xi32, #tpu.memory_space<vmem>>, vector<16xi32>,
    }
    %scan3A_6 = arith.constant 50 : i32
    %dma_start3A = arith.constant 0 : i32
    %dma_start3A_7 = arith.constant 0 : i32
    %dma_start3A_8 = arith.constant 0 : i32
    %dma_start3A_9 = tpu.memref_slice %arg7[%dma_start3A, %dma_start3A_7, %dma_start3A_8] : memref<2x256x128xf32, #tpu.memory_space<vmem>> -> memref<1x256x128xf32, #tpu.memory_space<vmem>>
    %dma_start3A_10 = tpu.memref_squeeze %dma_start3A_9 : memref<1x256x128xf32, #tpu.memory_space<vmem>> -> memref<256x128xf32, #tpu.memory_space<vmem>>
    %dma_start3A_11 = arith.constant 0 : i32
    %dma_start3A_12 = tpu.memref_slice %arg6[%dma_start3A_11] : memref<6400xi32, #tpu.memory_space<vmem>> -> memref<256xi32, #tpu.memory_space<vmem>>
    %dma_start3A_13 = arith.constant 0 : i32
    %dma_start3A_14 = arith.constant 0 : i32
    %dma_start3A_15 = tpu.memref_slice %arg3[%dma_start3A_13, %dma_start3A_14] : memref<262144x128xf32, #tpu.memory_space<hbm>> -> memref<262144x128xf32, #tpu.memory_space<hbm>>
    tpu.enqueue_indirect_dma source(%dma_start3A_15 : memref<262144x128xf32, #tpu.memory_space<hbm>>) target(%dma_start3A_10 : memref<256x128xf32, #tpu.memory_space<vmem>>) offsets(%dma_start3A_12 : memref<256xi32, #tpu.memory_space<vmem>>) semaphore(%arg9 : memref<!tpu.dma_semaphore, #tpu.memory_space<semaphore_mem>>)
    %dma_start3A_16 = arith.constant 1 : i32
    %dma_start3A_17 = arith.constant 0 : i32
    %dma_start3A_18 = arith.constant 0 : i32
    %dma_start3A_19 = tpu.memref_slice %arg7[%dma_start3A_16, %dma_start3A_17, %dma_start3A_18] : memref<2x256x128xf32, #tpu.memory_space<vmem>> -> memref<1x256x128xf32, #tpu.memory_space<vmem>>
    %dma_start3A_20 = tpu.memref_squeeze %dma_start3A_19 : memref<1x256x128xf32, #tpu.memory_space<vmem>> -> memref<256x128xf32, #tpu.memory_space<vmem>>
    %dma_start3A_21 = arith.constant 256 : i32
    %dma_start3A_22 = tpu.memref_slice %arg6[%dma_start3A_21] : memref<6400xi32, #tpu.memory_space<vmem>> -> memref<256xi32, #tpu.memory_space<vmem>>
    %dma_start3A_23 = arith.constant 0 : i32
    %dma_start3A_24 = arith.constant 0 : i32
    %dma_start3A_25 = tpu.memref_slice %arg3[%dma_start3A_23, %dma_start3A_24] : memref<262144x128xf32, #tpu.memory_space<hbm>> -> memref<262144x128xf32, #tpu.memory_space<hbm>>
    tpu.enqueue_indirect_dma source(%dma_start3A_25 : memref<262144x128xf32, #tpu.memory_space<hbm>>) target(%dma_start3A_20 : memref<256x128xf32, #tpu.memory_space<vmem>>) offsets(%dma_start3A_22 : memref<256xi32, #tpu.memory_space<vmem>>) semaphore(%arg10 : memref<!tpu.dma_semaphore, #tpu.memory_space<semaphore_mem>>)
    %scan3A_26 = arith.constant 0 : i32
    %scan3A_27 = arith.constant 12 : i32
    %scan3A_28 = arith.addi %scan3A_26, %scan3A_27 : i32
    %scan3A_29 = arith.constant 1 : i32
    scf.for %scan3A_113 = %scan3A_26 to %scan3A_28 step %scan3A_29  : i32 {
      %mul3A_114 = arith.constant 1 : i32
      %mul3A_115 = arith.muli %scan3A_113, %mul3A_114 : i32
      %add3A_116 = arith.constant 0 : i32
      %add3A_117 = arith.addi %add3A_116, %mul3A_115 : i32
      %mul3A_118 = arith.constant 2 : i32
      %mul3A_119 = arith.muli %add3A_117, %mul3A_118 : i32
      %add3A_120 = arith.constant 0 : i32
      %add3A_121 = arith.addi %mul3A_119, %add3A_120 : i32
      %dma_wait3A_122 = arith.constant 0 : i32
      %dma_wait3A_123 = arith.constant 0 : i32
      %dma_wait3A_124 = arith.constant 0 : i32
      %dma_wait3A_125 = tpu.memref_slice %arg7[%dma_wait3A_122, %dma_wait3A_123, %dma_wait3A_124] : memref<2x256x128xf32, #tpu.memory_space<vmem>> -> memref<1x256x128xf32, #tpu.memory_space<vmem>>
      %dma_wait3A_126 = tpu.memref_squeeze %dma_wait3A_125 : memref<1x256x128xf32, #tpu.memory_space<vmem>> -> memref<256x128xf32, #tpu.memory_space<vmem>>
      %dma_wait3A_127 = arith.constant 0 : i32
      %dma_wait3A_128 = tpu.memref_slice %arg6[%dma_wait3A_127] : memref<6400xi32, #tpu.memory_space<vmem>> -> memref<256xi32, #tpu.memory_space<vmem>>
      %dma_wait3A_129 = arith.constant 0 : i32
      %dma_wait3A_130 = arith.constant 0 : i32
      %dma_wait3A_131 = tpu.memref_slice %arg3[%dma_wait3A_129, %dma_wait3A_130] : memref<262144x128xf32, #tpu.memory_space<hbm>> -> memref<262144x128xf32, #tpu.memory_space<hbm>>
      tpu.wait_indirect_dma semaphore(%arg9 : memref<!tpu.dma_semaphore, #tpu.memory_space<semaphore_mem>>) src(%dma_wait3A_131 : memref<262144x128xf32, #tpu.memory_space<hbm>>) dst(%dma_wait3A_126 : memref<256x128xf32, #tpu.memory_space<vmem>>)
      %gt3A = arith.constant 0 : i32
      %gt3A_132 = arith.cmpi sgt, %add3A_117, %gt3A : i32
      %convert_element_type3A = arith.extui %gt3A_132 : i1 to i32
      %cond3A = arith.constant 0 : i32
      %cond3A_133 = arith.cmpi ne, %convert_element_type3A, %cond3A : i32
      scf.if %cond3A_133 {
        %dma_wait3A_258 = arith.constant 0 : i32
        %dma_wait3A_259 = arith.constant 0 : i32
        %dma_wait3A_260 = arith.constant 0 : i32
        %dma_wait3A_261 = tpu.memref_slice %arg8[%dma_wait3A_258, %dma_wait3A_259, %dma_wait3A_260] : memref<2x64x128xf32, #tpu.memory_space<vmem>> -> memref<1x64x128xf32, #tpu.memory_space<vmem>>
        %dma_wait3A_262 = tpu.memref_squeeze %dma_wait3A_261 : memref<1x64x128xf32, #tpu.memory_space<vmem>> -> memref<64x128xf32, #tpu.memory_space<vmem>>
        %dma_wait3A_263 = arith.constant 0 : i32
        %dma_wait3A_264 = tpu.memref_slice %arg4[%dma_wait3A_263, %mul3A_2] : memref<1600x4096xf32, #tpu.memory_space<hbm>> -> memref<64x128xf32, #tpu.memory_space<hbm>>
        %dma_wait3A_265 = arith.constant 0 : i32
        %dma_wait3A_266 = tpu.memref_slice %arg4[%dma_wait3A_265, %mul3A_2] : memref<1600x4096xf32, #tpu.memory_space<hbm>> -> memref<64x128xf32, #tpu.memory_space<hbm>>
        %dma_wait3A_267 = arith.constant 0 : i32
        %dma_wait3A_268 = arith.constant 0 : i32
        %dma_wait3A_269 = tpu.memref_slice %arg8[%dma_wait3A_258, %dma_wait3A_267, %dma_wait3A_268] : memref<2x64x128xf32, #tpu.memory_space<vmem>> -> memref<1x64x128xf32, #tpu.memory_space<vmem>>
        %dma_wait3A_270 = tpu.memref_squeeze %dma_wait3A_269 : memref<1x64x128xf32, #tpu.memory_space<vmem>> -> memref<64x128xf32, #tpu.memory_space<vmem>>
        tpu.wait_dma2 semaphore(%arg11 : memref<!tpu.dma_semaphore, #tpu.memory_space<semaphore_mem>>) src(%dma_wait3A_270 : memref<64x128xf32, #tpu.memory_space<vmem>>) dst(%dma_wait3A_266 : memref<64x128xf32, #tpu.memory_space<hbm>>)
      } else {
      }
      %iota3A_134 = tpu.iota {dimensions = array<i32: 0>} : vector<16xi32>
      %shift_right_arithmetic3A_135 = arith.constant 2 : i32
      %shift_right_arithmetic3A_136 = vector.broadcast %shift_right_arithmetic3A_135 : i32 to vector<16xi32>
      %shift_right_arithmetic3A_137 = arith.shrsi %iota3A_134, %shift_right_arithmetic3A_136 : vector<16xi32>
      %and3A_138 = arith.constant 3 : i32
      %and3A_139 = vector.broadcast %and3A_138 : i32 to vector<16xi32>
      %and3A_140 = arith.andi %iota3A_134, %and3A_139 : vector<16xi32>
      %mul3A_141 = arith.constant 2 : i32
      %mul3A_142 = arith.muli %add3A_121, %mul3A_141 : i32
      %add3A_143 = arith.constant 0 : i32
      %add3A_144 = arith.addi %mul3A_142, %add3A_143 : i32
      %broadcast_in_dim3A_145 = vector.broadcast %add3A_144 : i32 to vector<16xi32>
      %scan3A_146 = arith.constant 0 : i32
      %scan3A_147 = arith.constant 0 : i32
      %scan3A_148 = arith.constant 0 : i32
      %scan3A_149 = arith.constant 32 : i32
      %scan3A_150 = arith.addi %scan3A_148, %scan3A_149 : i32
      %scan3A_151 = arith.constant 1 : i32
      scf.for %scan3A_258 = %scan3A_148 to %scan3A_150 step %scan3A_151  : i32 {
        %mul3A_259 = arith.constant 1 : i32
        %mul3A_260 = arith.muli %scan3A_258, %mul3A_259 : i32
        %add3A_261 = arith.constant 0 : i32
        %add3A_262 = arith.addi %add3A_261, %mul3A_260 : i32
        %mul3A_263 = arith.constant 4 : i32
        %mul3A_264 = arith.muli %add3A_262, %mul3A_263 : i32
        %add3A_265 = vector.broadcast %mul3A_264 : i32 to vector<16xi32>
        %add3A_266 = arith.addi %add3A_265, %shift_right_arithmetic3A_137 : vector<16xi32>
        %add3A_267 = arith.constant 0 : i32
        %add3A_268 = vector.broadcast %add3A_267 : i32 to vector<16xi32>
        %add3A_269 = arith.addi %add3A_268, %add3A_266 : vector<16xi32>
        %gather3A = tpu.vector_load_idx %arg5[%broadcast_in_dim3A_145, %add3A_266] : memref<50x128xi32, #tpu.memory_space<vmem>>[vector<16xi32>, vector<16xi32>], vector<16xi32>,
        %shift_right_arithmetic3A_270 = arith.constant 18 : i32
        %shift_right_arithmetic3A_271 = vector.broadcast %shift_right_arithmetic3A_270 : i32 to vector<16xi32>
        %shift_right_arithmetic3A_272 = arith.shrsi %gather3A, %shift_right_arithmetic3A_271 : vector<16xi32>
        %mul3A_273 = arith.constant 32 : i32
        %mul3A_274 = vector.broadcast %mul3A_273 : i32 to vector<16xi32>
        %mul3A_275 = arith.muli %shift_right_arithmetic3A_272, %mul3A_274 : vector<16xi32>
        %add3A_276 = arith.constant 0 : i32
        %add3A_277 = vector.broadcast %add3A_276 : i32 to vector<16xi32>
        %add3A_278 = arith.addi %add3A_277, %and3A_140 : vector<16xi32>
        %add3A_279 = arith.addi %mul3A_275, %add3A_278 : vector<16xi32>
        %gather3A_280 = arith.constant 0 : i32
        %gather3A_281 = arith.constant 0 : i32
        %gather3A_282 = tpu.memref_slice %arg7[%scan3A_146, %gather3A_280, %gather3A_281] : memref<2x256x128xf32, #tpu.memory_space<vmem>> -> memref<1x256x128xf32, #tpu.memory_space<vmem>>
        %gather3A_283 = tpu.memref_squeeze %gather3A_282 : memref<1x256x128xf32, #tpu.memory_space<vmem>> -> memref<256x128xf32, #tpu.memory_space<vmem>>
        %gather3A_284 = tpu.vector_load_idx %gather3A_283[%add3A_269, %add3A_279] : memref<256x128xf32, #tpu.memory_space<vmem>>[vector<16xi32>, vector<16xi32>], vector<16xf32>,
        %add3A_285 = arith.constant 0 : i32
        %add3A_286 = vector.broadcast %add3A_285 : i32 to vector<16xi32>
        %add3A_287 = arith.addi %add3A_286, %and3A_140 : vector<16xi32>
        %scatter3A = arith.constant 0 : i32
        %scatter3A_288 = arith.constant 0 : i32
        %scatter3A_289 = tpu.memref_slice %arg8[%scan3A_147, %scatter3A, %scatter3A_288] : memref<2x64x128xf32, #tpu.memory_space<vmem>> -> memref<1x64x128xf32, #tpu.memory_space<vmem>>
        %scatter3A_290 = tpu.memref_squeeze %scatter3A_289 : memref<1x64x128xf32, #tpu.memory_space<vmem>> -> memref<64x128xf32, #tpu.memory_space<vmem>>
        tpu.vector_store_idx %scatter3A_290[%add3A_287, %add3A_266], %gather3A_284 : memref<64x128xf32, #tpu.memory_space<vmem>>[vector<16xi32>, vector<16xi32>], vector<16xf32>,
        %add3A_291 = arith.constant 4 : i32
        %add3A_292 = vector.broadcast %add3A_291 : i32 to vector<16xi32>
        %add3A_293 = arith.addi %add3A_292, %and3A_140 : vector<16xi32>
        %add3A_294 = arith.addi %mul3A_275, %add3A_293 : vector<16xi32>
        %gather3A_295 = arith.constant 0 : i32
        %gather3A_296 = arith.constant 0 : i32
        %gather3A_297 = tpu.memref_slice %arg7[%scan3A_146, %gather3A_295, %gather3A_296] : memref<2x256x128xf32, #tpu.memory_space<vmem>> -> memref<1x256x128xf32, #tpu.memory_space<vmem>>
        %gather3A_298 = tpu.memref_squeeze %gather3A_297 : memref<1x256x128xf32, #tpu.memory_space<vmem>> -> memref<256x128xf32, #tpu.memory_space<vmem>>
        %gather3A_299 = tpu.vector_load_idx %gather3A_298[%add3A_269, %add3A_294] : memref<256x128xf32, #tpu.memory_space<vmem>>[vector<16xi32>, vector<16xi32>], vector<16xf32>,
        %add3A_300 = arith.constant 4 : i32
        %add3A_301 = vector.broadcast %add3A_300 : i32 to vector<16xi32>
        %add3A_302 = arith.addi %add3A_301, %and3A_140 : vector<16xi32>
        %scatter3A_303 = arith.constant 0 : i32
        %scatter3A_304 = arith.constant 0 : i32
        %scatter3A_305 = tpu.memref_slice %arg8[%scan3A_147, %scatter3A_303, %scatter3A_304] : memref<2x64x128xf32, #tpu.memory_space<vmem>> -> memref<1x64x128xf32, #tpu.memory_space<vmem>>
        %scatter3A_306 = tpu.memref_squeeze %scatter3A_305 : memref<1x64x128xf32, #tpu.memory_space<vmem>> -> memref<64x128xf32, #tpu.memory_space<vmem>>
        tpu.vector_store_idx %scatter3A_306[%add3A_302, %add3A_266], %gather3A_299 : memref<64x128xf32, #tpu.memory_space<vmem>>[vector<16xi32>, vector<16xi32>], vector<16xf32>,
        %add3A_307 = arith.constant 8 : i32
        %add3A_308 = vector.broadcast %add3A_307 : i32 to vector<16xi32>
        %add3A_309 = arith.addi %add3A_308, %and3A_140 : vector<16xi32>
        %add3A_310 = arith.addi %mul3A_275, %add3A_309 : vector<16xi32>
        %gather3A_311 = arith.constant 0 : i32
        %gather3A_312 = arith.constant 0 : i32
        %gather3A_313 = tpu.memref_slice %arg7[%scan3A_146, %gather3A_311, %gather3A_312] : memref<2x256x128xf32, #tpu.memory_space<vmem>> -> memref<1x256x128xf32, #tpu.memory_space<vmem>>
        %gather3A_314 = tpu.memref_squeeze %gather3A_313 : memref<1x256x128xf32, #tpu.memory_space<vmem>> -> memref<256x128xf32, #tpu.memory_space<vmem>>
        %gather3A_315 = tpu.vector_load_idx %gather3A_314[%add3A_269, %add3A_310] : memref<256x128xf32, #tpu.memory_space<vmem>>[vector<16xi32>, vector<16xi32>], vector<16xf32>,
        %add3A_316 = arith.constant 8 : i32
        %add3A_317 = vector.broadcast %add3A_316 : i32 to vector<16xi32>
        %add3A_318 = arith.addi %add3A_317, %and3A_140 : vector<16xi32>
        %scatter3A_319 = arith.constant 0 : i32
        %scatter3A_320 = arith.constant 0 : i32
        %scatter3A_321 = tpu.memref_slice %arg8[%scan3A_147, %scatter3A_319, %scatter3A_320] : memref<2x64x128xf32, #tpu.memory_space<vmem>> -> memref<1x64x128xf32, #tpu.memory_space<vmem>>
        %scatter3A_322 = tpu.memref_squeeze %scatter3A_321 : memref<1x64x128xf32, #tpu.memory_space<vmem>> -> memref<64x128xf32, #tpu.memory_space<vmem>>
        tpu.vector_store_idx %scatter3A_322[%add3A_318, %add3A_266], %gather3A_315 : memref<64x128xf32, #tpu.memory_space<vmem>>[vector<16xi32>, vector<16xi32>], vector<16xf32>,
        %add3A_323 = arith.constant 12 : i32
        %add3A_324 = vector.broadcast %add3A_323 : i32 to vector<16xi32>
        %add3A_325 = arith.addi %add3A_324, %and3A_140 : vector<16xi32>
        %add3A_326 = arith.addi %mul3A_275, %add3A_325 : vector<16xi32>
        %gather3A_327 = arith.constant 0 : i32
        %gather3A_328 = arith.constant 0 : i32
        %gather3A_329 = tpu.memref_slice %arg7[%scan3A_146, %gather3A_327, %gather3A_328] : memref<2x256x128xf32, #tpu.memory_space<vmem>> -> memref<1x256x128xf32, #tpu.memory_space<vmem>>
        %gather3A_330 = tpu.memref_squeeze %gather3A_329 : memref<1x256x128xf32, #tpu.memory_space<vmem>> -> memref<256x128xf32, #tpu.memory_space<vmem>>
        %gather3A_331 = tpu.vector_load_idx %gather3A_330[%add3A_269, %add3A_326] : memref<256x128xf32, #tpu.memory_space<vmem>>[vector<16xi32>, vector<16xi32>], vector<16xf32>,
        %add3A_332 = arith.constant 12 : i32
        %add3A_333 = vector.broadcast %add3A_332 : i32 to vector<16xi32>
        %add3A_334 = arith.addi %add3A_333, %and3A_140 : vector<16xi32>
        %scatter3A_335 = arith.constant 0 : i32
        %scatter3A_336 = arith.constant 0 : i32
        %scatter3A_337 = tpu.memref_slice %arg8[%scan3A_147, %scatter3A_335, %scatter3A_336] : memref<2x64x128xf32, #tpu.memory_space<vmem>> -> memref<1x64x128xf32, #tpu.memory_space<vmem>>
        %scatter3A_338 = tpu.memref_squeeze %scatter3A_337 : memref<1x64x128xf32, #tpu.memory_space<vmem>> -> memref<64x128xf32, #tpu.memory_space<vmem>>
        tpu.vector_store_idx %scatter3A_338[%add3A_334, %add3A_266], %gather3A_331 : memref<64x128xf32, #tpu.memory_space<vmem>>[vector<16xi32>, vector<16xi32>], vector<16xf32>,
        %add3A_339 = arith.constant 16 : i32
        %add3A_340 = vector.broadcast %add3A_339 : i32 to vector<16xi32>
        %add3A_341 = arith.addi %add3A_340, %and3A_140 : vector<16xi32>
        %add3A_342 = arith.addi %mul3A_275, %add3A_341 : vector<16xi32>
        %gather3A_343 = arith.constant 0 : i32
        %gather3A_344 = arith.constant 0 : i32
        %gather3A_345 = tpu.memref_slice %arg7[%scan3A_146, %gather3A_343, %gather3A_344] : memref<2x256x128xf32, #tpu.memory_space<vmem>> -> memref<1x256x128xf32, #tpu.memory_space<vmem>>
        %gather3A_346 = tpu.memref_squeeze %gather3A_345 : memref<1x256x128xf32, #tpu.memory_space<vmem>> -> memref<256x128xf32, #tpu.memory_space<vmem>>
        %gather3A_347 = tpu.vector_load_idx %gather3A_346[%add3A_269, %add3A_342] : memref<256x128xf32, #tpu.memory_space<vmem>>[vector<16xi32>, vector<16xi32>], vector<16xf32>,
        %add3A_348 = arith.constant 16 : i32
        %add3A_349 = vector.broadcast %add3A_348 : i32 to vector<16xi32>
        %add3A_350 = arith.addi %add3A_349, %and3A_140 : vector<16xi32>
        %scatter3A_351 = arith.constant 0 : i32
        %scatter3A_352 = arith.constant 0 : i32
        %scatter3A_353 = tpu.memref_slice %arg8[%scan3A_147, %scatter3A_351, %scatter3A_352] : memref<2x64x128xf32, #tpu.memory_space<vmem>> -> memref<1x64x128xf32, #tpu.memory_space<vmem>>
        %scatter3A_354 = tpu.memref_squeeze %scatter3A_353 : memref<1x64x128xf32, #tpu.memory_space<vmem>> -> memref<64x128xf32, #tpu.memory_space<vmem>>
        tpu.vector_store_idx %scatter3A_354[%add3A_350, %add3A_266], %gather3A_347 : memref<64x128xf32, #tpu.memory_space<vmem>>[vector<16xi32>, vector<16xi32>], vector<16xf32>,
        %add3A_355 = arith.constant 20 : i32
        %add3A_356 = vector.broadcast %add3A_355 : i32 to vector<16xi32>
        %add3A_357 = arith.addi %add3A_356, %and3A_140 : vector<16xi32>
        %add3A_358 = arith.addi %mul3A_275, %add3A_357 : vector<16xi32>
        %gather3A_359 = arith.constant 0 : i32
        %gather3A_360 = arith.constant 0 : i32
        %gather3A_361 = tpu.memref_slice %arg7[%scan3A_146, %gather3A_359, %gather3A_360] : memref<2x256x128xf32, #tpu.memory_space<vmem>> -> memref<1x256x128xf32, #tpu.memory_space<vmem>>
        %gather3A_362 = tpu.memref_squeeze %gather3A_361 : memref<1x256x128xf32, #tpu.memory_space<vmem>> -> memref<256x128xf32, #tpu.memory_space<vmem>>
        %gather3A_363 = tpu.vector_load_idx %gather3A_362[%add3A_269, %add3A_358] : memref<256x128xf32, #tpu.memory_space<vmem>>[vector<16xi32>, vector<16xi32>], vector<16xf32>,
        %add3A_364 = arith.constant 20 : i32
        %add3A_365 = vector.broadcast %add3A_364 : i32 to vector<16xi32>
        %add3A_366 = arith.addi %add3A_365, %and3A_140 : vector<16xi32>
        %scatter3A_367 = arith.constant 0 : i32
        %scatter3A_368 = arith.constant 0 : i32
        %scatter3A_369 = tpu.memref_slice %arg8[%scan3A_147, %scatter3A_367, %scatter3A_368] : memref<2x64x128xf32, #tpu.memory_space<vmem>> -> memref<1x64x128xf32, #tpu.memory_space<vmem>>
        %scatter3A_370 = tpu.memref_squeeze %scatter3A_369 : memref<1x64x128xf32, #tpu.memory_space<vmem>> -> memref<64x128xf32, #tpu.memory_space<vmem>>
        tpu.vector_store_idx %scatter3A_370[%add3A_366, %add3A_266], %gather3A_363 : memref<64x128xf32, #tpu.memory_space<vmem>>[vector<16xi32>, vector<16xi32>], vector<16xf32>,
        %add3A_371 = arith.constant 24 : i32
        %add3A_372 = vector.broadcast %add3A_371 : i32 to vector<16xi32>
        %add3A_373 = arith.addi %add3A_372, %and3A_140 : vector<16xi32>
        %add3A_374 = arith.addi %mul3A_275, %add3A_373 : vector<16xi32>
        %gather3A_375 = arith.constant 0 : i32
        %gather3A_376 = arith.constant 0 : i32
        %gather3A_377 = tpu.memref_slice %arg7[%scan3A_146, %gather3A_375, %gather3A_376] : memref<2x256x128xf32, #tpu.memory_space<vmem>> -> memref<1x256x128xf32, #tpu.memory_space<vmem>>
        %gather3A_378 = tpu.memref_squeeze %gather3A_377 : memref<1x256x128xf32, #tpu.memory_space<vmem>> -> memref<256x128xf32, #tpu.memory_space<vmem>>
        %gather3A_379 = tpu.vector_load_idx %gather3A_378[%add3A_269, %add3A_374] : memref<256x128xf32, #tpu.memory_space<vmem>>[vector<16xi32>, vector<16xi32>], vector<16xf32>,
        %add3A_380 = arith.constant 24 : i32
        %add3A_381 = vector.broadcast %add3A_380 : i32 to vector<16xi32>
        %add3A_382 = arith.addi %add3A_381, %and3A_140 : vector<16xi32>
        %scatter3A_383 = arith.constant 0 : i32
        %scatter3A_384 = arith.constant 0 : i32
        %scatter3A_385 = tpu.memref_slice %arg8[%scan3A_147, %scatter3A_383, %scatter3A_384] : memref<2x64x128xf32, #tpu.memory_space<vmem>> -> memref<1x64x128xf32, #tpu.memory_space<vmem>>
        %scatter3A_386 = tpu.memref_squeeze %scatter3A_385 : memref<1x64x128xf32, #tpu.memory_space<vmem>> -> memref<64x128xf32, #tpu.memory_space<vmem>>
        tpu.vector_store_idx %scatter3A_386[%add3A_382, %add3A_266], %gather3A_379 : memref<64x128xf32, #tpu.memory_space<vmem>>[vector<16xi32>, vector<16xi32>], vector<16xf32>,
        %add3A_387 = arith.constant 28 : i32
        %add3A_388 = vector.broadcast %add3A_387 : i32 to vector<16xi32>
        %add3A_389 = arith.addi %add3A_388, %and3A_140 : vector<16xi32>
        %add3A_390 = arith.addi %mul3A_275, %add3A_389 : vector<16xi32>
        %gather3A_391 = arith.constant 0 : i32
        %gather3A_392 = arith.constant 0 : i32
        %gather3A_393 = tpu.memref_slice %arg7[%scan3A_146, %gather3A_391, %gather3A_392] : memref<2x256x128xf32, #tpu.memory_space<vmem>> -> memref<1x256x128xf32, #tpu.memory_space<vmem>>
        %gather3A_394 = tpu.memref_squeeze %gather3A_393 : memref<1x256x128xf32, #tpu.memory_space<vmem>> -> memref<256x128xf32, #tpu.memory_space<vmem>>
        %gather3A_395 = tpu.vector_load_idx %gather3A_394[%add3A_269, %add3A_390] : memref<256x128xf32, #tpu.memory_space<vmem>>[vector<16xi32>, vector<16xi32>], vector<16xf32>,
        %add3A_396 = arith.constant 28 : i32
        %add3A_397 = vector.broadcast %add3A_396 : i32 to vector<16xi32>
        %add3A_398 = arith.addi %add3A_397, %and3A_140 : vector<16xi32>
        %scatter3A_399 = arith.constant 0 : i32
        %scatter3A_400 = arith.constant 0 : i32
        %scatter3A_401 = tpu.memref_slice %arg8[%scan3A_147, %scatter3A_399, %scatter3A_400] : memref<2x64x128xf32, #tpu.memory_space<vmem>> -> memref<1x64x128xf32, #tpu.memory_space<vmem>>
        %scatter3A_402 = tpu.memref_squeeze %scatter3A_401 : memref<1x64x128xf32, #tpu.memory_space<vmem>> -> memref<64x128xf32, #tpu.memory_space<vmem>>
        tpu.vector_store_idx %scatter3A_402[%add3A_398, %add3A_266], %gather3A_395 : memref<64x128xf32, #tpu.memory_space<vmem>>[vector<16xi32>, vector<16xi32>], vector<16xf32>,
      }
      %scan3A_152 = arith.constant 32 : i32
      %mul3A_153 = arith.constant 2 : i32
      %mul3A_154 = arith.muli %add3A_121, %mul3A_153 : i32
      %add3A_155 = arith.constant 1 : i32
      %add3A_156 = arith.addi %mul3A_154, %add3A_155 : i32
      %broadcast_in_dim3A_157 = vector.broadcast %add3A_156 : i32 to vector<16xi32>
      %scan3A_158 = arith.constant 0 : i32
      %scan3A_159 = arith.constant 0 : i32
      %scan3A_160 = arith.constant 0 : i32
      %scan3A_161 = arith.constant 32 : i32
      %scan3A_162 = arith.addi %scan3A_160, %scan3A_161 : i32
      %scan3A_163 = arith.constant 1 : i32
      scf.for %scan3A_258 = %scan3A_160 to %scan3A_162 step %scan3A_163  : i32 {
        %mul3A_259 = arith.constant 1 : i32
        %mul3A_260 = arith.muli %scan3A_258, %mul3A_259 : i32
        %add3A_261 = arith.constant 0 : i32
        %add3A_262 = arith.addi %add3A_261, %mul3A_260 : i32
        %mul3A_263 = arith.constant 4 : i32
        %mul3A_264 = arith.muli %add3A_262, %mul3A_263 : i32
        %add3A_265 = vector.broadcast %mul3A_264 : i32 to vector<16xi32>
        %add3A_266 = arith.addi %add3A_265, %shift_right_arithmetic3A_137 : vector<16xi32>
        %add3A_267 = arith.constant 128 : i32
        %add3A_268 = vector.broadcast %add3A_267 : i32 to vector<16xi32>
        %add3A_269 = arith.addi %add3A_268, %add3A_266 : vector<16xi32>
        %gather3A = tpu.vector_load_idx %arg5[%broadcast_in_dim3A_157, %add3A_266] : memref<50x128xi32, #tpu.memory_space<vmem>>[vector<16xi32>, vector<16xi32>], vector<16xi32>,
        %shift_right_arithmetic3A_270 = arith.constant 18 : i32
        %shift_right_arithmetic3A_271 = vector.broadcast %shift_right_arithmetic3A_270 : i32 to vector<16xi32>
        %shift_right_arithmetic3A_272 = arith.shrsi %gather3A, %shift_right_arithmetic3A_271 : vector<16xi32>
        %mul3A_273 = arith.constant 32 : i32
        %mul3A_274 = vector.broadcast %mul3A_273 : i32 to vector<16xi32>
        %mul3A_275 = arith.muli %shift_right_arithmetic3A_272, %mul3A_274 : vector<16xi32>
        %add3A_276 = arith.constant 0 : i32
        %add3A_277 = vector.broadcast %add3A_276 : i32 to vector<16xi32>
        %add3A_278 = arith.addi %add3A_277, %and3A_140 : vector<16xi32>
        %add3A_279 = arith.addi %mul3A_275, %add3A_278 : vector<16xi32>
        %gather3A_280 = arith.constant 0 : i32
        %gather3A_281 = arith.constant 0 : i32
        %gather3A_282 = tpu.memref_slice %arg7[%scan3A_158, %gather3A_280, %gather3A_281] : memref<2x256x128xf32, #tpu.memory_space<vmem>> -> memref<1x256x128xf32, #tpu.memory_space<vmem>>
        %gather3A_283 = tpu.memref_squeeze %gather3A_282 : memref<1x256x128xf32, #tpu.memory_space<vmem>> -> memref<256x128xf32, #tpu.memory_space<vmem>>
        %gather3A_284 = tpu.vector_load_idx %gather3A_283[%add3A_269, %add3A_279] : memref<256x128xf32, #tpu.memory_space<vmem>>[vector<16xi32>, vector<16xi32>], vector<16xf32>,
        %add3A_285 = arith.constant 32 : i32
        %add3A_286 = vector.broadcast %add3A_285 : i32 to vector<16xi32>
        %add3A_287 = arith.addi %add3A_286, %and3A_140 : vector<16xi32>
        %scatter3A = arith.constant 0 : i32
        %scatter3A_288 = arith.constant 0 : i32
        %scatter3A_289 = tpu.memref_slice %arg8[%scan3A_159, %scatter3A, %scatter3A_288] : memref<2x64x128xf32, #tpu.memory_space<vmem>> -> memref<1x64x128xf32, #tpu.memory_space<vmem>>
        %scatter3A_290 = tpu.memref_squeeze %scatter3A_289 : memref<1x64x128xf32, #tpu.memory_space<vmem>> -> memref<64x128xf32, #tpu.memory_space<vmem>>
        tpu.vector_store_idx %scatter3A_290[%add3A_287, %add3A_266], %gather3A_284 : memref<64x128xf32, #tpu.memory_space<vmem>>[vector<16xi32>, vector<16xi32>], vector<16xf32>,
        %add3A_291 = arith.constant 4 : i32
        %add3A_292 = vector.broadcast %add3A_291 : i32 to vector<16xi32>
        %add3A_293 = arith.addi %add3A_292, %and3A_140 : vector<16xi32>
        %add3A_294 = arith.addi %mul3A_275, %add3A_293 : vector<16xi32>
        %gather3A_295 = arith.constant 0 : i32
        %gather3A_296 = arith.constant 0 : i32
        %gather3A_297 = tpu.memref_slice %arg7[%scan3A_158, %gather3A_295, %gather3A_296] : memref<2x256x128xf32, #tpu.memory_space<vmem>> -> memref<1x256x128xf32, #tpu.memory_space<vmem>>
        %gather3A_298 = tpu.memref_squeeze %gather3A_297 : memref<1x256x128xf32, #tpu.memory_space<vmem>> -> memref<256x128xf32, #tpu.memory_space<vmem>>
        %gather3A_299 = tpu.vector_load_idx %gather3A_298[%add3A_269, %add3A_294] : memref<256x128xf32, #tpu.memory_space<vmem>>[vector<16xi32>, vector<16xi32>], vector<16xf32>,
        %add3A_300 = arith.constant 36 : i32
        %add3A_301 = vector.broadcast %add3A_300 : i32 to vector<16xi32>
        %add3A_302 = arith.addi %add3A_301, %and3A_140 : vector<16xi32>
        %scatter3A_303 = arith.constant 0 : i32
        %scatter3A_304 = arith.constant 0 : i32
        %scatter3A_305 = tpu.memref_slice %arg8[%scan3A_159, %scatter3A_303, %scatter3A_304] : memref<2x64x128xf32, #tpu.memory_space<vmem>> -> memref<1x64x128xf32, #tpu.memory_space<vmem>>
        %scatter3A_306 = tpu.memref_squeeze %scatter3A_305 : memref<1x64x128xf32, #tpu.memory_space<vmem>> -> memref<64x128xf32, #tpu.memory_space<vmem>>
        tpu.vector_store_idx %scatter3A_306[%add3A_302, %add3A_266], %gather3A_299 : memref<64x128xf32, #tpu.memory_space<vmem>>[vector<16xi32>, vector<16xi32>], vector<16xf32>,
        %add3A_307 = arith.constant 8 : i32
        %add3A_308 = vector.broadcast %add3A_307 : i32 to vector<16xi32>
        %add3A_309 = arith.addi %add3A_308, %and3A_140 : vector<16xi32>
        %add3A_310 = arith.addi %mul3A_275, %add3A_309 : vector<16xi32>
        %gather3A_311 = arith.constant 0 : i32
        %gather3A_312 = arith.constant 0 : i32
        %gather3A_313 = tpu.memref_slice %arg7[%scan3A_158, %gather3A_311, %gather3A_312] : memref<2x256x128xf32, #tpu.memory_space<vmem>> -> memref<1x256x128xf32, #tpu.memory_space<vmem>>
        %gather3A_314 = tpu.memref_squeeze %gather3A_313 : memref<1x256x128xf32, #tpu.memory_space<vmem>> -> memref<256x128xf32, #tpu.memory_space<vmem>>
        %gather3A_315 = tpu.vector_load_idx %gather3A_314[%add3A_269, %add3A_310] : memref<256x128xf32, #tpu.memory_space<vmem>>[vector<16xi32>, vector<16xi32>], vector<16xf32>,
        %add3A_316 = arith.constant 40 : i32
        %add3A_317 = vector.broadcast %add3A_316 : i32 to vector<16xi32>
        %add3A_318 = arith.addi %add3A_317, %and3A_140 : vector<16xi32>
        %scatter3A_319 = arith.constant 0 : i32
        %scatter3A_320 = arith.constant 0 : i32
        %scatter3A_321 = tpu.memref_slice %arg8[%scan3A_159, %scatter3A_319, %scatter3A_320] : memref<2x64x128xf32, #tpu.memory_space<vmem>> -> memref<1x64x128xf32, #tpu.memory_space<vmem>>
        %scatter3A_322 = tpu.memref_squeeze %scatter3A_321 : memref<1x64x128xf32, #tpu.memory_space<vmem>> -> memref<64x128xf32, #tpu.memory_space<vmem>>
        tpu.vector_store_idx %scatter3A_322[%add3A_318, %add3A_266], %gather3A_315 : memref<64x128xf32, #tpu.memory_space<vmem>>[vector<16xi32>, vector<16xi32>], vector<16xf32>,
        %add3A_323 = arith.constant 12 : i32
        %add3A_324 = vector.broadcast %add3A_323 : i32 to vector<16xi32>
        %add3A_325 = arith.addi %add3A_324, %and3A_140 : vector<16xi32>
        %add3A_326 = arith.addi %mul3A_275, %add3A_325 : vector<16xi32>
        %gather3A_327 = arith.constant 0 : i32
        %gather3A_328 = arith.constant 0 : i32
        %gather3A_329 = tpu.memref_slice %arg7[%scan3A_158, %gather3A_327, %gather3A_328] : memref<2x256x128xf32, #tpu.memory_space<vmem>> -> memref<1x256x128xf32, #tpu.memory_space<vmem>>
        %gather3A_330 = tpu.memref_squeeze %gather3A_329 : memref<1x256x128xf32, #tpu.memory_space<vmem>> -> memref<256x128xf32, #tpu.memory_space<vmem>>
        %gather3A_331 = tpu.vector_load_idx %gather3A_330[%add3A_269, %add3A_326] : memref<256x128xf32, #tpu.memory_space<vmem>>[vector<16xi32>, vector<16xi32>], vector<16xf32>,
        %add3A_332 = arith.constant 44 : i32
        %add3A_333 = vector.broadcast %add3A_332 : i32 to vector<16xi32>
        %add3A_334 = arith.addi %add3A_333, %and3A_140 : vector<16xi32>
        %scatter3A_335 = arith.constant 0 : i32
        %scatter3A_336 = arith.constant 0 : i32
        %scatter3A_337 = tpu.memref_slice %arg8[%scan3A_159, %scatter3A_335, %scatter3A_336] : memref<2x64x128xf32, #tpu.memory_space<vmem>> -> memref<1x64x128xf32, #tpu.memory_space<vmem>>
        %scatter3A_338 = tpu.memref_squeeze %scatter3A_337 : memref<1x64x128xf32, #tpu.memory_space<vmem>> -> memref<64x128xf32, #tpu.memory_space<vmem>>
        tpu.vector_store_idx %scatter3A_338[%add3A_334, %add3A_266], %gather3A_331 : memref<64x128xf32, #tpu.memory_space<vmem>>[vector<16xi32>, vector<16xi32>], vector<16xf32>,
        %add3A_339 = arith.constant 16 : i32
        %add3A_340 = vector.broadcast %add3A_339 : i32 to vector<16xi32>
        %add3A_341 = arith.addi %add3A_340, %and3A_140 : vector<16xi32>
        %add3A_342 = arith.addi %mul3A_275, %add3A_341 : vector<16xi32>
        %gather3A_343 = arith.constant 0 : i32
        %gather3A_344 = arith.constant 0 : i32
        %gather3A_345 = tpu.memref_slice %arg7[%scan3A_158, %gather3A_343, %gather3A_344] : memref<2x256x128xf32, #tpu.memory_space<vmem>> -> memref<1x256x128xf32, #tpu.memory_space<vmem>>
        %gather3A_346 = tpu.memref_squeeze %gather3A_345 : memref<1x256x128xf32, #tpu.memory_space<vmem>> -> memref<256x128xf32, #tpu.memory_space<vmem>>
        %gather3A_347 = tpu.vector_load_idx %gather3A_346[%add3A_269, %add3A_342] : memref<256x128xf32, #tpu.memory_space<vmem>>[vector<16xi32>, vector<16xi32>], vector<16xf32>,
        %add3A_348 = arith.constant 48 : i32
        %add3A_349 = vector.broadcast %add3A_348 : i32 to vector<16xi32>
        %add3A_350 = arith.addi %add3A_349, %and3A_140 : vector<16xi32>
        %scatter3A_351 = arith.constant 0 : i32
        %scatter3A_352 = arith.constant 0 : i32
        %scatter3A_353 = tpu.memref_slice %arg8[%scan3A_159, %scatter3A_351, %scatter3A_352] : memref<2x64x128xf32, #tpu.memory_space<vmem>> -> memref<1x64x128xf32, #tpu.memory_space<vmem>>
        %scatter3A_354 = tpu.memref_squeeze %scatter3A_353 : memref<1x64x128xf32, #tpu.memory_space<vmem>> -> memref<64x128xf32, #tpu.memory_space<vmem>>
        tpu.vector_store_idx %scatter3A_354[%add3A_350, %add3A_266], %gather3A_347 : memref<64x128xf32, #tpu.memory_space<vmem>>[vector<16xi32>, vector<16xi32>], vector<16xf32>,
        %add3A_355 = arith.constant 20 : i32
        %add3A_356 = vector.broadcast %add3A_355 : i32 to vector<16xi32>
        %add3A_357 = arith.addi %add3A_356, %and3A_140 : vector<16xi32>
        %add3A_358 = arith.addi %mul3A_275, %add3A_357 : vector<16xi32>
        %gather3A_359 = arith.constant 0 : i32
        %gather3A_360 = arith.constant 0 : i32
        %gather3A_361 = tpu.memref_slice %arg7[%scan3A_158, %gather3A_359, %gather3A_360] : memref<2x256x128xf32, #tpu.memory_space<vmem>> -> memref<1x256x128xf32, #tpu.memory_space<vmem>>
        %gather3A_362 = tpu.memref_squeeze %gather3A_361 : memref<1x256x128xf32, #tpu.memory_space<vmem>> -> memref<256x128xf32, #tpu.memory_space<vmem>>
        %gather3A_363 = tpu.vector_load_idx %gather3A_362[%add3A_269, %add3A_358] : memref<256x128xf32, #tpu.memory_space<vmem>>[vector<16xi32>, vector<16xi32>], vector<16xf32>,
        %add3A_364 = arith.constant 52 : i32
        %add3A_365 = vector.broadcast %add3A_364 : i32 to vector<16xi32>
        %add3A_366 = arith.addi %add3A_365, %and3A_140 : vector<16xi32>
        %scatter3A_367 = arith.constant 0 : i32
        %scatter3A_368 = arith.constant 0 : i32
        %scatter3A_369 = tpu.memref_slice %arg8[%scan3A_159, %scatter3A_367, %scatter3A_368] : memref<2x64x128xf32, #tpu.memory_space<vmem>> -> memref<1x64x128xf32, #tpu.memory_space<vmem>>
        %scatter3A_370 = tpu.memref_squeeze %scatter3A_369 : memref<1x64x128xf32, #tpu.memory_space<vmem>> -> memref<64x128xf32, #tpu.memory_space<vmem>>
        tpu.vector_store_idx %scatter3A_370[%add3A_366, %add3A_266], %gather3A_363 : memref<64x128xf32, #tpu.memory_space<vmem>>[vector<16xi32>, vector<16xi32>], vector<16xf32>,
        %add3A_371 = arith.constant 24 : i32
        %add3A_372 = vector.broadcast %add3A_371 : i32 to vector<16xi32>
        %add3A_373 = arith.addi %add3A_372, %and3A_140 : vector<16xi32>
        %add3A_374 = arith.addi %mul3A_275, %add3A_373 : vector<16xi32>
        %gather3A_375 = arith.constant 0 : i32
        %gather3A_376 = arith.constant 0 : i32
        %gather3A_377 = tpu.memref_slice %arg7[%scan3A_158, %gather3A_375, %gather3A_376] : memref<2x256x128xf32, #tpu.memory_space<vmem>> -> memref<1x256x128xf32, #tpu.memory_space<vmem>>
        %gather3A_378 = tpu.memref_squeeze %gather3A_377 : memref<1x256x128xf32, #tpu.memory_space<vmem>> -> memref<256x128xf32, #tpu.memory_space<vmem>>
        %gather3A_379 = tpu.vector_load_idx %gather3A_378[%add3A_269, %add3A_374] : memref<256x128xf32, #tpu.memory_space<vmem>>[vector<16xi32>, vector<16xi32>], vector<16xf32>,
        %add3A_380 = arith.constant 56 : i32
        %add3A_381 = vector.broadcast %add3A_380 : i32 to vector<16xi32>
        %add3A_382 = arith.addi %add3A_381, %and3A_140 : vector<16xi32>
        %scatter3A_383 = arith.constant 0 : i32
        %scatter3A_384 = arith.constant 0 : i32
        %scatter3A_385 = tpu.memref_slice %arg8[%scan3A_159, %scatter3A_383, %scatter3A_384] : memref<2x64x128xf32, #tpu.memory_space<vmem>> -> memref<1x64x128xf32, #tpu.memory_space<vmem>>
        %scatter3A_386 = tpu.memref_squeeze %scatter3A_385 : memref<1x64x128xf32, #tpu.memory_space<vmem>> -> memref<64x128xf32, #tpu.memory_space<vmem>>
        tpu.vector_store_idx %scatter3A_386[%add3A_382, %add3A_266], %gather3A_379 : memref<64x128xf32, #tpu.memory_space<vmem>>[vector<16xi32>, vector<16xi32>], vector<16xf32>,
        %add3A_387 = arith.constant 28 : i32
        %add3A_388 = vector.broadcast %add3A_387 : i32 to vector<16xi32>
        %add3A_389 = arith.addi %add3A_388, %and3A_140 : vector<16xi32>
        %add3A_390 = arith.addi %mul3A_275, %add3A_389 : vector<16xi32>
        %gather3A_391 = arith.constant 0 : i32
        %gather3A_392 = arith.constant 0 : i32
        %gather3A_393 = tpu.memref_slice %arg7[%scan3A_158, %gather3A_391, %gather3A_392] : memref<2x256x128xf32, #tpu.memory_space<vmem>> -> memref<1x256x128xf32, #tpu.memory_space<vmem>>
        %gather3A_394 = tpu.memref_squeeze %gather3A_393 : memref<1x256x128xf32, #tpu.memory_space<vmem>> -> memref<256x128xf32, #tpu.memory_space<vmem>>
        %gather3A_395 = tpu.vector_load_idx %gather3A_394[%add3A_269, %add3A_390] : memref<256x128xf32, #tpu.memory_space<vmem>>[vector<16xi32>, vector<16xi32>], vector<16xf32>,
        %add3A_396 = arith.constant 60 : i32
        %add3A_397 = vector.broadcast %add3A_396 : i32 to vector<16xi32>
        %add3A_398 = arith.addi %add3A_397, %and3A_140 : vector<16xi32>
        %scatter3A_399 = arith.constant 0 : i32
        %scatter3A_400 = arith.constant 0 : i32
        %scatter3A_401 = tpu.memref_slice %arg8[%scan3A_159, %scatter3A_399, %scatter3A_400] : memref<2x64x128xf32, #tpu.memory_space<vmem>> -> memref<1x64x128xf32, #tpu.memory_space<vmem>>
        %scatter3A_402 = tpu.memref_squeeze %scatter3A_401 : memref<1x64x128xf32, #tpu.memory_space<vmem>> -> memref<64x128xf32, #tpu.memory_space<vmem>>
        tpu.vector_store_idx %scatter3A_402[%add3A_398, %add3A_266], %gather3A_395 : memref<64x128xf32, #tpu.memory_space<vmem>>[vector<16xi32>, vector<16xi32>], vector<16xf32>,
      }
      %scan3A_164 = arith.constant 32 : i32
      %mul3A_165 = arith.constant 64 : i32
      %mul3A_166 = arith.muli %add3A_121, %mul3A_165 : i32
      %dma_start3A_167 = arith.constant 0 : i32
      %dma_start3A_168 = arith.constant 0 : i32
      %dma_start3A_169 = arith.constant 0 : i32
      %dma_start3A_170 = tpu.memref_slice %arg8[%dma_start3A_167, %dma_start3A_168, %dma_start3A_169] : memref<2x64x128xf32, #tpu.memory_space<vmem>> -> memref<1x64x128xf32, #tpu.memory_space<vmem>>
      %dma_start3A_171 = tpu.memref_squeeze %dma_start3A_170 : memref<1x64x128xf32, #tpu.memory_space<vmem>> -> memref<64x128xf32, #tpu.memory_space<vmem>>
      %dma_start3A_172 = tpu.memref_slice %arg4[%mul3A_166, %mul3A_2] : memref<1600x4096xf32, #tpu.memory_space<hbm>> -> memref<64x128xf32, #tpu.memory_space<hbm>>
      %dma_start3A_173 = tpu.memref_slice %arg4[%mul3A_166, %mul3A_2] : memref<1600x4096xf32, #tpu.memory_space<hbm>> -> memref<64x128xf32, #tpu.memory_space<hbm>>
      %dma_start3A_174 = arith.constant 0 : i32
      %dma_start3A_175 = arith.constant 0 : i32
      %dma_start3A_176 = tpu.memref_slice %arg8[%dma_start3A_167, %dma_start3A_174, %dma_start3A_175] : memref<2x64x128xf32, #tpu.memory_space<vmem>> -> memref<1x64x128xf32, #tpu.memory_space<vmem>>
      %dma_start3A_177 = tpu.memref_squeeze %dma_start3A_176 : memref<1x64x128xf32, #tpu.memory_space<vmem>> -> memref<64x128xf32, #tpu.memory_space<vmem>>
      tpu.enqueue_dma source(%dma_start3A_177 : memref<64x128xf32, #tpu.memory_space<vmem>>) target(%dma_start3A_173 : memref<64x128xf32, #tpu.memory_space<hbm>>) target_semaphore(%arg11 : memref<!tpu.dma_semaphore, #tpu.memory_space<semaphore_mem>>)
      %add3A_178 = arith.constant 2 : i32
      %add3A_179 = arith.addi %add3A_121, %add3A_178 : i32
      %mul3A_180 = arith.constant 256 : i32
      %mul3A_181 = arith.muli %add3A_179, %mul3A_180 : i32
      %dma_start3A_182 = arith.constant 0 : i32
      %dma_start3A_183 = arith.constant 0 : i32
      %dma_start3A_184 = arith.constant 0 : i32
      %dma_start3A_185 = tpu.memref_slice %arg7[%dma_start3A_182, %dma_start3A_183, %dma_start3A_184] : memref<2x256x128xf32, #tpu.memory_space<vmem>> -> memref<1x256x128xf32, #tpu.memory_space<vmem>>
      %dma_start3A_186 = tpu.memref_squeeze %dma_start3A_185 : memref<1x256x128xf32, #tpu.memory_space<vmem>> -> memref<256x128xf32, #tpu.memory_space<vmem>>
      %dma_start3A_187 = tpu.memref_slice %arg6[%mul3A_181] : memref<6400xi32, #tpu.memory_space<vmem>> -> memref<256xi32, #tpu.memory_space<vmem>>
      %dma_start3A_188 = arith.constant 0 : i32
      %dma_start3A_189 = arith.constant 0 : i32
      %dma_start3A_190 = tpu.memref_slice %arg3[%dma_start3A_188, %dma_start3A_189] : memref<262144x128xf32, #tpu.memory_space<hbm>> -> memref<262144x128xf32, #tpu.memory_space<hbm>>
      tpu.enqueue_indirect_dma source(%dma_start3A_190 : memref<262144x128xf32, #tpu.memory_space<hbm>>) target(%dma_start3A_186 : memref<256x128xf32, #tpu.memory_space<vmem>>) offsets(%dma_start3A_187 : memref<256xi32, #tpu.memory_space<vmem>>) semaphore(%arg9 : memref<!tpu.dma_semaphore, #tpu.memory_space<semaphore_mem>>)
      %mul3A_191 = arith.constant 2 : i32
      %mul3A_192 = arith.muli %add3A_117, %mul3A_191 : i32
      %add3A_193 = arith.constant 1 : i32
      %add3A_194 = arith.addi %mul3A_192, %add3A_193 : i32
      %dma_wait3A_195 = arith.constant 1 : i32
      %dma_wait3A_196 = arith.constant 0 : i32
      %dma_wait3A_197 = arith.constant 0 : i32
      %dma_wait3A_198 = tpu.memref_slice %arg7[%dma_wait3A_195, %dma_wait3A_196, %dma_wait3A_197] : memref<2x256x128xf32, #tpu.memory_space<vmem>> -> memref<1x256x128xf32, #tpu.memory_space<vmem>>
      %dma_wait3A_199 = tpu.memref_squeeze %dma_wait3A_198 : memref<1x256x128xf32, #tpu.memory_space<vmem>> -> memref<256x128xf32, #tpu.memory_space<vmem>>
      %dma_wait3A_200 = arith.constant 0 : i32
      %dma_wait3A_201 = tpu.memref_slice %arg6[%dma_wait3A_200] : memref<6400xi32, #tpu.memory_space<vmem>> -> memref<256xi32, #tpu.memory_space<vmem>>
      %dma_wait3A_202 = arith.constant 0 : i32
      %dma_wait3A_203 = arith.constant 0 : i32
      %dma_wait3A_204 = tpu.memref_slice %arg3[%dma_wait3A_202, %dma_wait3A_203] : memref<262144x128xf32, #tpu.memory_space<hbm>> -> memref<262144x128xf32, #tpu.memory_space<hbm>>
      tpu.wait_indirect_dma semaphore(%arg10 : memref<!tpu.dma_semaphore, #tpu.memory_space<semaphore_mem>>) src(%dma_wait3A_204 : memref<262144x128xf32, #tpu.memory_space<hbm>>) dst(%dma_wait3A_199 : memref<256x128xf32, #tpu.memory_space<vmem>>)
      %gt3A_205 = arith.constant 0 : i32
      %gt3A_206 = arith.cmpi sgt, %add3A_117, %gt3A_205 : i32
      %convert_element_type3A_207 = arith.extui %gt3A_206 : i1 to i32
      %cond3A_208 = arith.constant 0 : i32
      %cond3A_209 = arith.cmpi ne, %convert_element_type3A_207, %cond3A_208 : i32
      scf.if %cond3A_209 {
        %dma_wait3A_258 = arith.constant 1 : i32
        %dma_wait3A_259 = arith.constant 0 : i32
        %dma_wait3A_260 = arith.constant 0 : i32
        %dma_wait3A_261 = tpu.memref_slice %arg8[%dma_wait3A_258, %dma_wait3A_259, %dma_wait3A_260] : memref<2x64x128xf32, #tpu.memory_space<vmem>> -> memref<1x64x128xf32, #tpu.memory_space<vmem>>
        %dma_wait3A_262 = tpu.memref_squeeze %dma_wait3A_261 : memref<1x64x128xf32, #tpu.memory_space<vmem>> -> memref<64x128xf32, #tpu.memory_space<vmem>>
        %dma_wait3A_263 = arith.constant 0 : i32
        %dma_wait3A_264 = tpu.memref_slice %arg4[%dma_wait3A_263, %mul3A_2] : memref<1600x4096xf32, #tpu.memory_space<hbm>> -> memref<64x128xf32, #tpu.memory_space<hbm>>
        %dma_wait3A_265 = arith.constant 0 : i32
        %dma_wait3A_266 = tpu.memref_slice %arg4[%dma_wait3A_265, %mul3A_2] : memref<1600x4096xf32, #tpu.memory_space<hbm>> -> memref<64x128xf32, #tpu.memory_space<hbm>>
        %dma_wait3A_267 = arith.constant 0 : i32
        %dma_wait3A_268 = arith.constant 0 : i32
        %dma_wait3A_269 = tpu.memref_slice %arg8[%dma_wait3A_258, %dma_wait3A_267, %dma_wait3A_268] : memref<2x64x128xf32, #tpu.memory_space<vmem>> -> memref<1x64x128xf32, #tpu.memory_space<vmem>>
        %dma_wait3A_270 = tpu.memref_squeeze %dma_wait3A_269 : memref<1x64x128xf32, #tpu.memory_space<vmem>> -> memref<64x128xf32, #tpu.memory_space<vmem>>
        tpu.wait_dma2 semaphore(%arg12 : memref<!tpu.dma_semaphore, #tpu.memory_space<semaphore_mem>>) src(%dma_wait3A_270 : memref<64x128xf32, #tpu.memory_space<vmem>>) dst(%dma_wait3A_266 : memref<64x128xf32, #tpu.memory_space<hbm>>)
      } else {
      }
      %iota3A_210 = tpu.iota {dimensions = array<i32: 0>} : vector<16xi32>
      %shift_right_arithmetic3A_211 = arith.constant 2 : i32
      %shift_right_arithmetic3A_212 = vector.broadcast %shift_right_arithmetic3A_211 : i32 to vector<16xi32>
      %shift_right_arithmetic3A_213 = arith.shrsi %iota3A_210, %shift_right_arithmetic3A_212 : vector<16xi32>
      %and3A_214 = arith.constant 3 : i32
      %and3A_215 = vector.broadcast %and3A_214 : i32 to vector<16xi32>
      %and3A_216 = arith.andi %iota3A_210, %and3A_215 : vector<16xi32>
      %mul3A_217 = arith.constant 2 : i32
      %mul3A_218 = arith.muli %add3A_194, %mul3A_217 : i32
      %add3A_219 = arith.constant 0 : i32
      %add3A_220 = arith.addi %mul3A_218, %add3A_219 : i32
      %broadcast_in_dim3A_221 = vector.broadcast %add3A_220 : i32 to vector<16xi32>
      %scan3A_222 = arith.constant 1 : i32
      %scan3A_223 = arith.constant 1 : i32
      %scan3A_224 = arith.constant 0 : i32
      %scan3A_225 = arith.constant 32 : i32
      %scan3A_226 = arith.addi %scan3A_224, %scan3A_225 : i32
      %scan3A_227 = arith.constant 1 : i32
      scf.for %scan3A_258 = %scan3A_224 to %scan3A_226 step %scan3A_227  : i32 {
        %mul3A_259 = arith.constant 1 : i32
        %mul3A_260 = arith.muli %scan3A_258, %mul3A_259 : i32
        %add3A_261 = arith.constant 0 : i32
        %add3A_262 = arith.addi %add3A_261, %mul3A_260 : i32
        %mul3A_263 = arith.constant 4 : i32
        %mul3A_264 = arith.muli %add3A_262, %mul3A_263 : i32
        %add3A_265 = vector.broadcast %mul3A_264 : i32 to vector<16xi32>
        %add3A_266 = arith.addi %add3A_265, %shift_right_arithmetic3A_213 : vector<16xi32>
        %add3A_267 = arith.constant 0 : i32
        %add3A_268 = vector.broadcast %add3A_267 : i32 to vector<16xi32>
        %add3A_269 = arith.addi %add3A_268, %add3A_266 : vector<16xi32>
        %gather3A = tpu.vector_load_idx %arg5[%broadcast_in_dim3A_221, %add3A_266] : memref<50x128xi32, #tpu.memory_space<vmem>>[vector<16xi32>, vector<16xi32>], vector<16xi32>,
        %shift_right_arithmetic3A_270 = arith.constant 18 : i32
        %shift_right_arithmetic3A_271 = vector.broadcast %shift_right_arithmetic3A_270 : i32 to vector<16xi32>
        %shift_right_arithmetic3A_272 = arith.shrsi %gather3A, %shift_right_arithmetic3A_271 : vector<16xi32>
        %mul3A_273 = arith.constant 32 : i32
        %mul3A_274 = vector.broadcast %mul3A_273 : i32 to vector<16xi32>
        %mul3A_275 = arith.muli %shift_right_arithmetic3A_272, %mul3A_274 : vector<16xi32>
        %add3A_276 = arith.constant 0 : i32
        %add3A_277 = vector.broadcast %add3A_276 : i32 to vector<16xi32>
        %add3A_278 = arith.addi %add3A_277, %and3A_216 : vector<16xi32>
        %add3A_279 = arith.addi %mul3A_275, %add3A_278 : vector<16xi32>
        %gather3A_280 = arith.constant 0 : i32
        %gather3A_281 = arith.constant 0 : i32
        %gather3A_282 = tpu.memref_slice %arg7[%scan3A_222, %gather3A_280, %gather3A_281] : memref<2x256x128xf32, #tpu.memory_space<vmem>> -> memref<1x256x128xf32, #tpu.memory_space<vmem>>
        %gather3A_283 = tpu.memref_squeeze %gather3A_282 : memref<1x256x128xf32, #tpu.memory_space<vmem>> -> memref<256x128xf32, #tpu.memory_space<vmem>>
        %gather3A_284 = tpu.vector_load_idx %gather3A_283[%add3A_269, %add3A_279] : memref<256x128xf32, #tpu.memory_space<vmem>>[vector<16xi32>, vector<16xi32>], vector<16xf32>,
        %add3A_285 = arith.constant 0 : i32
        %add3A_286 = vector.broadcast %add3A_285 : i32 to vector<16xi32>
        %add3A_287 = arith.addi %add3A_286, %and3A_216 : vector<16xi32>
        %scatter3A = arith.constant 0 : i32
        %scatter3A_288 = arith.constant 0 : i32
        %scatter3A_289 = tpu.memref_slice %arg8[%scan3A_223, %scatter3A, %scatter3A_288] : memref<2x64x128xf32, #tpu.memory_space<vmem>> -> memref<1x64x128xf32, #tpu.memory_space<vmem>>
        %scatter3A_290 = tpu.memref_squeeze %scatter3A_289 : memref<1x64x128xf32, #tpu.memory_space<vmem>> -> memref<64x128xf32, #tpu.memory_space<vmem>>
        tpu.vector_store_idx %scatter3A_290[%add3A_287, %add3A_266], %gather3A_284 : memref<64x128xf32, #tpu.memory_space<vmem>>[vector<16xi32>, vector<16xi32>], vector<16xf32>,
        %add3A_291 = arith.constant 4 : i32
        %add3A_292 = vector.broadcast %add3A_291 : i32 to vector<16xi32>
        %add3A_293 = arith.addi %add3A_292, %and3A_216 : vector<16xi32>
        %add3A_294 = arith.addi %mul3A_275, %add3A_293 : vector<16xi32>
        %gather3A_295 = arith.constant 0 : i32
        %gather3A_296 = arith.constant 0 : i32
        %gather3A_297 = tpu.memref_slice %arg7[%scan3A_222, %gather3A_295, %gather3A_296] : memref<2x256x128xf32, #tpu.memory_space<vmem>> -> memref<1x256x128xf32, #tpu.memory_space<vmem>>
        %gather3A_298 = tpu.memref_squeeze %gather3A_297 : memref<1x256x128xf32, #tpu.memory_space<vmem>> -> memref<256x128xf32, #tpu.memory_space<vmem>>
        %gather3A_299 = tpu.vector_load_idx %gather3A_298[%add3A_269, %add3A_294] : memref<256x128xf32, #tpu.memory_space<vmem>>[vector<16xi32>, vector<16xi32>], vector<16xf32>,
        %add3A_300 = arith.constant 4 : i32
        %add3A_301 = vector.broadcast %add3A_300 : i32 to vector<16xi32>
        %add3A_302 = arith.addi %add3A_301, %and3A_216 : vector<16xi32>
        %scatter3A_303 = arith.constant 0 : i32
        %scatter3A_304 = arith.constant 0 : i32
        %scatter3A_305 = tpu.memref_slice %arg8[%scan3A_223, %scatter3A_303, %scatter3A_304] : memref<2x64x128xf32, #tpu.memory_space<vmem>> -> memref<1x64x128xf32, #tpu.memory_space<vmem>>
        %scatter3A_306 = tpu.memref_squeeze %scatter3A_305 : memref<1x64x128xf32, #tpu.memory_space<vmem>> -> memref<64x128xf32, #tpu.memory_space<vmem>>
        tpu.vector_store_idx %scatter3A_306[%add3A_302, %add3A_266], %gather3A_299 : memref<64x128xf32, #tpu.memory_space<vmem>>[vector<16xi32>, vector<16xi32>], vector<16xf32>,
        %add3A_307 = arith.constant 8 : i32
        %add3A_308 = vector.broadcast %add3A_307 : i32 to vector<16xi32>
        %add3A_309 = arith.addi %add3A_308, %and3A_216 : vector<16xi32>
        %add3A_310 = arith.addi %mul3A_275, %add3A_309 : vector<16xi32>
        %gather3A_311 = arith.constant 0 : i32
        %gather3A_312 = arith.constant 0 : i32
        %gather3A_313 = tpu.memref_slice %arg7[%scan3A_222, %gather3A_311, %gather3A_312] : memref<2x256x128xf32, #tpu.memory_space<vmem>> -> memref<1x256x128xf32, #tpu.memory_space<vmem>>
        %gather3A_314 = tpu.memref_squeeze %gather3A_313 : memref<1x256x128xf32, #tpu.memory_space<vmem>> -> memref<256x128xf32, #tpu.memory_space<vmem>>
        %gather3A_315 = tpu.vector_load_idx %gather3A_314[%add3A_269, %add3A_310] : memref<256x128xf32, #tpu.memory_space<vmem>>[vector<16xi32>, vector<16xi32>], vector<16xf32>,
        %add3A_316 = arith.constant 8 : i32
        %add3A_317 = vector.broadcast %add3A_316 : i32 to vector<16xi32>
        %add3A_318 = arith.addi %add3A_317, %and3A_216 : vector<16xi32>
        %scatter3A_319 = arith.constant 0 : i32
        %scatter3A_320 = arith.constant 0 : i32
        %scatter3A_321 = tpu.memref_slice %arg8[%scan3A_223, %scatter3A_319, %scatter3A_320] : memref<2x64x128xf32, #tpu.memory_space<vmem>> -> memref<1x64x128xf32, #tpu.memory_space<vmem>>
        %scatter3A_322 = tpu.memref_squeeze %scatter3A_321 : memref<1x64x128xf32, #tpu.memory_space<vmem>> -> memref<64x128xf32, #tpu.memory_space<vmem>>
        tpu.vector_store_idx %scatter3A_322[%add3A_318, %add3A_266], %gather3A_315 : memref<64x128xf32, #tpu.memory_space<vmem>>[vector<16xi32>, vector<16xi32>], vector<16xf32>,
        %add3A_323 = arith.constant 12 : i32
        %add3A_324 = vector.broadcast %add3A_323 : i32 to vector<16xi32>
        %add3A_325 = arith.addi %add3A_324, %and3A_216 : vector<16xi32>
        %add3A_326 = arith.addi %mul3A_275, %add3A_325 : vector<16xi32>
        %gather3A_327 = arith.constant 0 : i32
        %gather3A_328 = arith.constant 0 : i32
        %gather3A_329 = tpu.memref_slice %arg7[%scan3A_222, %gather3A_327, %gather3A_328] : memref<2x256x128xf32, #tpu.memory_space<vmem>> -> memref<1x256x128xf32, #tpu.memory_space<vmem>>
        %gather3A_330 = tpu.memref_squeeze %gather3A_329 : memref<1x256x128xf32, #tpu.memory_space<vmem>> -> memref<256x128xf32, #tpu.memory_space<vmem>>
        %gather3A_331 = tpu.vector_load_idx %gather3A_330[%add3A_269, %add3A_326] : memref<256x128xf32, #tpu.memory_space<vmem>>[vector<16xi32>, vector<16xi32>], vector<16xf32>,
        %add3A_332 = arith.constant 12 : i32
        %add3A_333 = vector.broadcast %add3A_332 : i32 to vector<16xi32>
        %add3A_334 = arith.addi %add3A_333, %and3A_216 : vector<16xi32>
        %scatter3A_335 = arith.constant 0 : i32
        %scatter3A_336 = arith.constant 0 : i32
        %scatter3A_337 = tpu.memref_slice %arg8[%scan3A_223, %scatter3A_335, %scatter3A_336] : memref<2x64x128xf32, #tpu.memory_space<vmem>> -> memref<1x64x128xf32, #tpu.memory_space<vmem>>
        %scatter3A_338 = tpu.memref_squeeze %scatter3A_337 : memref<1x64x128xf32, #tpu.memory_space<vmem>> -> memref<64x128xf32, #tpu.memory_space<vmem>>
        tpu.vector_store_idx %scatter3A_338[%add3A_334, %add3A_266], %gather3A_331 : memref<64x128xf32, #tpu.memory_space<vmem>>[vector<16xi32>, vector<16xi32>], vector<16xf32>,
        %add3A_339 = arith.constant 16 : i32
        %add3A_340 = vector.broadcast %add3A_339 : i32 to vector<16xi32>
        %add3A_341 = arith.addi %add3A_340, %and3A_216 : vector<16xi32>
        %add3A_342 = arith.addi %mul3A_275, %add3A_341 : vector<16xi32>
        %gather3A_343 = arith.constant 0 : i32
        %gather3A_344 = arith.constant 0 : i32
        %gather3A_345 = tpu.memref_slice %arg7[%scan3A_222, %gather3A_343, %gather3A_344] : memref<2x256x128xf32, #tpu.memory_space<vmem>> -> memref<1x256x128xf32, #tpu.memory_space<vmem>>
        %gather3A_346 = tpu.memref_squeeze %gather3A_345 : memref<1x256x128xf32, #tpu.memory_space<vmem>> -> memref<256x128xf32, #tpu.memory_space<vmem>>
        %gather3A_347 = tpu.vector_load_idx %gather3A_346[%add3A_269, %add3A_342] : memref<256x128xf32, #tpu.memory_space<vmem>>[vector<16xi32>, vector<16xi32>], vector<16xf32>,
        %add3A_348 = arith.constant 16 : i32
        %add3A_349 = vector.broadcast %add3A_348 : i32 to vector<16xi32>
        %add3A_350 = arith.addi %add3A_349, %and3A_216 : vector<16xi32>
        %scatter3A_351 = arith.constant 0 : i32
        %scatter3A_352 = arith.constant 0 : i32
        %scatter3A_353 = tpu.memref_slice %arg8[%scan3A_223, %scatter3A_351, %scatter3A_352] : memref<2x64x128xf32, #tpu.memory_space<vmem>> -> memref<1x64x128xf32, #tpu.memory_space<vmem>>
        %scatter3A_354 = tpu.memref_squeeze %scatter3A_353 : memref<1x64x128xf32, #tpu.memory_space<vmem>> -> memref<64x128xf32, #tpu.memory_space<vmem>>
        tpu.vector_store_idx %scatter3A_354[%add3A_350, %add3A_266], %gather3A_347 : memref<64x128xf32, #tpu.memory_space<vmem>>[vector<16xi32>, vector<16xi32>], vector<16xf32>,
        %add3A_355 = arith.constant 20 : i32
        %add3A_356 = vector.broadcast %add3A_355 : i32 to vector<16xi32>
        %add3A_357 = arith.addi %add3A_356, %and3A_216 : vector<16xi32>
        %add3A_358 = arith.addi %mul3A_275, %add3A_357 : vector<16xi32>
        %gather3A_359 = arith.constant 0 : i32
        %gather3A_360 = arith.constant 0 : i32
        %gather3A_361 = tpu.memref_slice %arg7[%scan3A_222, %gather3A_359, %gather3A_360] : memref<2x256x128xf32, #tpu.memory_space<vmem>> -> memref<1x256x128xf32, #tpu.memory_space<vmem>>
        %gather3A_362 = tpu.memref_squeeze %gather3A_361 : memref<1x256x128xf32, #tpu.memory_space<vmem>> -> memref<256x128xf32, #tpu.memory_space<vmem>>
        %gather3A_363 = tpu.vector_load_idx %gather3A_362[%add3A_269, %add3A_358] : memref<256x128xf32, #tpu.memory_space<vmem>>[vector<16xi32>, vector<16xi32>], vector<16xf32>,
        %add3A_364 = arith.constant 20 : i32
        %add3A_365 = vector.broadcast %add3A_364 : i32 to vector<16xi32>
        %add3A_366 = arith.addi %add3A_365, %and3A_216 : vector<16xi32>
        %scatter3A_367 = arith.constant 0 : i32
        %scatter3A_368 = arith.constant 0 : i32
        %scatter3A_369 = tpu.memref_slice %arg8[%scan3A_223, %scatter3A_367, %scatter3A_368] : memref<2x64x128xf32, #tpu.memory_space<vmem>> -> memref<1x64x128xf32, #tpu.memory_space<vmem>>
        %scatter3A_370 = tpu.memref_squeeze %scatter3A_369 : memref<1x64x128xf32, #tpu.memory_space<vmem>> -> memref<64x128xf32, #tpu.memory_space<vmem>>
        tpu.vector_store_idx %scatter3A_370[%add3A_366, %add3A_266], %gather3A_363 : memref<64x128xf32, #tpu.memory_space<vmem>>[vector<16xi32>, vector<16xi32>], vector<16xf32>,
        %add3A_371 = arith.constant 24 : i32
        %add3A_372 = vector.broadcast %add3A_371 : i32 to vector<16xi32>
        %add3A_373 = arith.addi %add3A_372, %and3A_216 : vector<16xi32>
        %add3A_374 = arith.addi %mul3A_275, %add3A_373 : vector<16xi32>
        %gather3A_375 = arith.constant 0 : i32
        %gather3A_376 = arith.constant 0 : i32
        %gather3A_377 = tpu.memref_slice %arg7[%scan3A_222, %gather3A_375, %gather3A_376] : memref<2x256x128xf32, #tpu.memory_space<vmem>> -> memref<1x256x128xf32, #tpu.memory_space<vmem>>
        %gather3A_378 = tpu.memref_squeeze %gather3A_377 : memref<1x256x128xf32, #tpu.memory_space<vmem>> -> memref<256x128xf32, #tpu.memory_space<vmem>>
        %gather3A_379 = tpu.vector_load_idx %gather3A_378[%add3A_269, %add3A_374] : memref<256x128xf32, #tpu.memory_space<vmem>>[vector<16xi32>, vector<16xi32>], vector<16xf32>,
        %add3A_380 = arith.constant 24 : i32
        %add3A_381 = vector.broadcast %add3A_380 : i32 to vector<16xi32>
        %add3A_382 = arith.addi %add3A_381, %and3A_216 : vector<16xi32>
        %scatter3A_383 = arith.constant 0 : i32
        %scatter3A_384 = arith.constant 0 : i32
        %scatter3A_385 = tpu.memref_slice %arg8[%scan3A_223, %scatter3A_383, %scatter3A_384] : memref<2x64x128xf32, #tpu.memory_space<vmem>> -> memref<1x64x128xf32, #tpu.memory_space<vmem>>
        %scatter3A_386 = tpu.memref_squeeze %scatter3A_385 : memref<1x64x128xf32, #tpu.memory_space<vmem>> -> memref<64x128xf32, #tpu.memory_space<vmem>>
        tpu.vector_store_idx %scatter3A_386[%add3A_382, %add3A_266], %gather3A_379 : memref<64x128xf32, #tpu.memory_space<vmem>>[vector<16xi32>, vector<16xi32>], vector<16xf32>,
        %add3A_387 = arith.constant 28 : i32
        %add3A_388 = vector.broadcast %add3A_387 : i32 to vector<16xi32>
        %add3A_389 = arith.addi %add3A_388, %and3A_216 : vector<16xi32>
        %add3A_390 = arith.addi %mul3A_275, %add3A_389 : vector<16xi32>
        %gather3A_391 = arith.constant 0 : i32
        %gather3A_392 = arith.constant 0 : i32
        %gather3A_393 = tpu.memref_slice %arg7[%scan3A_222, %gather3A_391, %gather3A_392] : memref<2x256x128xf32, #tpu.memory_space<vmem>> -> memref<1x256x128xf32, #tpu.memory_space<vmem>>
        %gather3A_394 = tpu.memref_squeeze %gather3A_393 : memref<1x256x128xf32, #tpu.memory_space<vmem>> -> memref<256x128xf32, #tpu.memory_space<vmem>>
        %gather3A_395 = tpu.vector_load_idx %gather3A_394[%add3A_269, %add3A_390] : memref<256x128xf32, #tpu.memory_space<vmem>>[vector<16xi32>, vector<16xi32>], vector<16xf32>,
        %add3A_396 = arith.constant 28 : i32
        %add3A_397 = vector.broadcast %add3A_396 : i32 to vector<16xi32>
        %add3A_398 = arith.addi %add3A_397, %and3A_216 : vector<16xi32>
        %scatter3A_399 = arith.constant 0 : i32
        %scatter3A_400 = arith.constant 0 : i32
        %scatter3A_401 = tpu.memref_slice %arg8[%scan3A_223, %scatter3A_399, %scatter3A_400] : memref<2x64x128xf32, #tpu.memory_space<vmem>> -> memref<1x64x128xf32, #tpu.memory_space<vmem>>
        %scatter3A_402 = tpu.memref_squeeze %scatter3A_401 : memref<1x64x128xf32, #tpu.memory_space<vmem>> -> memref<64x128xf32, #tpu.memory_space<vmem>>
        tpu.vector_store_idx %scatter3A_402[%add3A_398, %add3A_266], %gather3A_395 : memref<64x128xf32, #tpu.memory_space<vmem>>[vector<16xi32>, vector<16xi32>], vector<16xf32>,
      }
      %scan3A_228 = arith.constant 32 : i32
      %mul3A_229 = arith.constant 2 : i32
      %mul3A_230 = arith.muli %add3A_194, %mul3A_229 : i32
      %add3A_231 = arith.constant 1 : i32
      %add3A_232 = arith.addi %mul3A_230, %add3A_231 : i32
      %broadcast_in_dim3A_233 = vector.broadcast %add3A_232 : i32 to vector<16xi32>
      %scan3A_234 = arith.constant 1 : i32
      %scan3A_235 = arith.constant 1 : i32
      %scan3A_236 = arith.constant 0 : i32
      %scan3A_237 = arith.constant 32 : i32
      %scan3A_238 = arith.addi %scan3A_236, %scan3A_237 : i32
      %scan3A_239 = arith.constant 1 : i32
      scf.for %scan3A_258 = %scan3A_236 to %scan3A_238 step %scan3A_239  : i32 {
        %mul3A_259 = arith.constant 1 : i32
        %mul3A_260 = arith.muli %scan3A_258, %mul3A_259 : i32
        %add3A_261 = arith.constant 0 : i32
        %add3A_262 = arith.addi %add3A_261, %mul3A_260 : i32
        %mul3A_263 = arith.constant 4 : i32
        %mul3A_264 = arith.muli %add3A_262, %mul3A_263 : i32
        %add3A_265 = vector.broadcast %mul3A_264 : i32 to vector<16xi32>
        %add3A_266 = arith.addi %add3A_265, %shift_right_arithmetic3A_213 : vector<16xi32>
        %add3A_267 = arith.constant 128 : i32
        %add3A_268 = vector.broadcast %add3A_267 : i32 to vector<16xi32>
        %add3A_269 = arith.addi %add3A_268, %add3A_266 : vector<16xi32>
        %gather3A = tpu.vector_load_idx %arg5[%broadcast_in_dim3A_233, %add3A_266] : memref<50x128xi32, #tpu.memory_space<vmem>>[vector<16xi32>, vector<16xi32>], vector<16xi32>,
        %shift_right_arithmetic3A_270 = arith.constant 18 : i32
        %shift_right_arithmetic3A_271 = vector.broadcast %shift_right_arithmetic3A_270 : i32 to vector<16xi32>
        %shift_right_arithmetic3A_272 = arith.shrsi %gather3A, %shift_right_arithmetic3A_271 : vector<16xi32>
        %mul3A_273 = arith.constant 32 : i32
        %mul3A_274 = vector.broadcast %mul3A_273 : i32 to vector<16xi32>
        %mul3A_275 = arith.muli %shift_right_arithmetic3A_272, %mul3A_274 : vector<16xi32>
        %add3A_276 = arith.constant 0 : i32
        %add3A_277 = vector.broadcast %add3A_276 : i32 to vector<16xi32>
        %add3A_278 = arith.addi %add3A_277, %and3A_216 : vector<16xi32>
        %add3A_279 = arith.addi %mul3A_275, %add3A_278 : vector<16xi32>
        %gather3A_280 = arith.constant 0 : i32
        %gather3A_281 = arith.constant 0 : i32
        %gather3A_282 = tpu.memref_slice %arg7[%scan3A_234, %gather3A_280, %gather3A_281] : memref<2x256x128xf32, #tpu.memory_space<vmem>> -> memref<1x256x128xf32, #tpu.memory_space<vmem>>
        %gather3A_283 = tpu.memref_squeeze %gather3A_282 : memref<1x256x128xf32, #tpu.memory_space<vmem>> -> memref<256x128xf32, #tpu.memory_space<vmem>>
        %gather3A_284 = tpu.vector_load_idx %gather3A_283[%add3A_269, %add3A_279] : memref<256x128xf32, #tpu.memory_space<vmem>>[vector<16xi32>, vector<16xi32>], vector<16xf32>,
        %add3A_285 = arith.constant 32 : i32
        %add3A_286 = vector.broadcast %add3A_285 : i32 to vector<16xi32>
        %add3A_287 = arith.addi %add3A_286, %and3A_216 : vector<16xi32>
        %scatter3A = arith.constant 0 : i32
        %scatter3A_288 = arith.constant 0 : i32
        %scatter3A_289 = tpu.memref_slice %arg8[%scan3A_235, %scatter3A, %scatter3A_288] : memref<2x64x128xf32, #tpu.memory_space<vmem>> -> memref<1x64x128xf32, #tpu.memory_space<vmem>>
        %scatter3A_290 = tpu.memref_squeeze %scatter3A_289 : memref<1x64x128xf32, #tpu.memory_space<vmem>> -> memref<64x128xf32, #tpu.memory_space<vmem>>
        tpu.vector_store_idx %scatter3A_290[%add3A_287, %add3A_266], %gather3A_284 : memref<64x128xf32, #tpu.memory_space<vmem>>[vector<16xi32>, vector<16xi32>], vector<16xf32>,
        %add3A_291 = arith.constant 4 : i32
        %add3A_292 = vector.broadcast %add3A_291 : i32 to vector<16xi32>
        %add3A_293 = arith.addi %add3A_292, %and3A_216 : vector<16xi32>
        %add3A_294 = arith.addi %mul3A_275, %add3A_293 : vector<16xi32>
        %gather3A_295 = arith.constant 0 : i32
        %gather3A_296 = arith.constant 0 : i32
        %gather3A_297 = tpu.memref_slice %arg7[%scan3A_234, %gather3A_295, %gather3A_296] : memref<2x256x128xf32, #tpu.memory_space<vmem>> -> memref<1x256x128xf32, #tpu.memory_space<vmem>>
        %gather3A_298 = tpu.memref_squeeze %gather3A_297 : memref<1x256x128xf32, #tpu.memory_space<vmem>> -> memref<256x128xf32, #tpu.memory_space<vmem>>
        %gather3A_299 = tpu.vector_load_idx %gather3A_298[%add3A_269, %add3A_294] : memref<256x128xf32, #tpu.memory_space<vmem>>[vector<16xi32>, vector<16xi32>], vector<16xf32>,
        %add3A_300 = arith.constant 36 : i32
        %add3A_301 = vector.broadcast %add3A_300 : i32 to vector<16xi32>
        %add3A_302 = arith.addi %add3A_301, %and3A_216 : vector<16xi32>
        %scatter3A_303 = arith.constant 0 : i32
        %scatter3A_304 = arith.constant 0 : i32
        %scatter3A_305 = tpu.memref_slice %arg8[%scan3A_235, %scatter3A_303, %scatter3A_304] : memref<2x64x128xf32, #tpu.memory_space<vmem>> -> memref<1x64x128xf32, #tpu.memory_space<vmem>>
        %scatter3A_306 = tpu.memref_squeeze %scatter3A_305 : memref<1x64x128xf32, #tpu.memory_space<vmem>> -> memref<64x128xf32, #tpu.memory_space<vmem>>
        tpu.vector_store_idx %scatter3A_306[%add3A_302, %add3A_266], %gather3A_299 : memref<64x128xf32, #tpu.memory_space<vmem>>[vector<16xi32>, vector<16xi32>], vector<16xf32>,
        %add3A_307 = arith.constant 8 : i32
        %add3A_308 = vector.broadcast %add3A_307 : i32 to vector<16xi32>
        %add3A_309 = arith.addi %add3A_308, %and3A_216 : vector<16xi32>
        %add3A_310 = arith.addi %mul3A_275, %add3A_309 : vector<16xi32>
        %gather3A_311 = arith.constant 0 : i32
        %gather3A_312 = arith.constant 0 : i32
        %gather3A_313 = tpu.memref_slice %arg7[%scan3A_234, %gather3A_311, %gather3A_312] : memref<2x256x128xf32, #tpu.memory_space<vmem>> -> memref<1x256x128xf32, #tpu.memory_space<vmem>>
        %gather3A_314 = tpu.memref_squeeze %gather3A_313 : memref<1x256x128xf32, #tpu.memory_space<vmem>> -> memref<256x128xf32, #tpu.memory_space<vmem>>
        %gather3A_315 = tpu.vector_load_idx %gather3A_314[%add3A_269, %add3A_310] : memref<256x128xf32, #tpu.memory_space<vmem>>[vector<16xi32>, vector<16xi32>], vector<16xf32>,
        %add3A_316 = arith.constant 40 : i32
        %add3A_317 = vector.broadcast %add3A_316 : i32 to vector<16xi32>
        %add3A_318 = arith.addi %add3A_317, %and3A_216 : vector<16xi32>
        %scatter3A_319 = arith.constant 0 : i32
        %scatter3A_320 = arith.constant 0 : i32
        %scatter3A_321 = tpu.memref_slice %arg8[%scan3A_235, %scatter3A_319, %scatter3A_320] : memref<2x64x128xf32, #tpu.memory_space<vmem>> -> memref<1x64x128xf32, #tpu.memory_space<vmem>>
        %scatter3A_322 = tpu.memref_squeeze %scatter3A_321 : memref<1x64x128xf32, #tpu.memory_space<vmem>> -> memref<64x128xf32, #tpu.memory_space<vmem>>
        tpu.vector_store_idx %scatter3A_322[%add3A_318, %add3A_266], %gather3A_315 : memref<64x128xf32, #tpu.memory_space<vmem>>[vector<16xi32>, vector<16xi32>], vector<16xf32>,
        %add3A_323 = arith.constant 12 : i32
        %add3A_324 = vector.broadcast %add3A_323 : i32 to vector<16xi32>
        %add3A_325 = arith.addi %add3A_324, %and3A_216 : vector<16xi32>
        %add3A_326 = arith.addi %mul3A_275, %add3A_325 : vector<16xi32>
        %gather3A_327 = arith.constant 0 : i32
        %gather3A_328 = arith.constant 0 : i32
        %gather3A_329 = tpu.memref_slice %arg7[%scan3A_234, %gather3A_327, %gather3A_328] : memref<2x256x128xf32, #tpu.memory_space<vmem>> -> memref<1x256x128xf32, #tpu.memory_space<vmem>>
        %gather3A_330 = tpu.memref_squeeze %gather3A_329 : memref<1x256x128xf32, #tpu.memory_space<vmem>> -> memref<256x128xf32, #tpu.memory_space<vmem>>
        %gather3A_331 = tpu.vector_load_idx %gather3A_330[%add3A_269, %add3A_326] : memref<256x128xf32, #tpu.memory_space<vmem>>[vector<16xi32>, vector<16xi32>], vector<16xf32>,
        %add3A_332 = arith.constant 44 : i32
        %add3A_333 = vector.broadcast %add3A_332 : i32 to vector<16xi32>
        %add3A_334 = arith.addi %add3A_333, %and3A_216 : vector<16xi32>
        %scatter3A_335 = arith.constant 0 : i32
        %scatter3A_336 = arith.constant 0 : i32
        %scatter3A_337 = tpu.memref_slice %arg8[%scan3A_235, %scatter3A_335, %scatter3A_336] : memref<2x64x128xf32, #tpu.memory_space<vmem>> -> memref<1x64x128xf32, #tpu.memory_space<vmem>>
        %scatter3A_338 = tpu.memref_squeeze %scatter3A_337 : memref<1x64x128xf32, #tpu.memory_space<vmem>> -> memref<64x128xf32, #tpu.memory_space<vmem>>
        tpu.vector_store_idx %scatter3A_338[%add3A_334, %add3A_266], %gather3A_331 : memref<64x128xf32, #tpu.memory_space<vmem>>[vector<16xi32>, vector<16xi32>], vector<16xf32>,
        %add3A_339 = arith.constant 16 : i32
        %add3A_340 = vector.broadcast %add3A_339 : i32 to vector<16xi32>
        %add3A_341 = arith.addi %add3A_340, %and3A_216 : vector<16xi32>
        %add3A_342 = arith.addi %mul3A_275, %add3A_341 : vector<16xi32>
        %gather3A_343 = arith.constant 0 : i32
        %gather3A_344 = arith.constant 0 : i32
        %gather3A_345 = tpu.memref_slice %arg7[%scan3A_234, %gather3A_343, %gather3A_344] : memref<2x256x128xf32, #tpu.memory_space<vmem>> -> memref<1x256x128xf32, #tpu.memory_space<vmem>>
        %gather3A_346 = tpu.memref_squeeze %gather3A_345 : memref<1x256x128xf32, #tpu.memory_space<vmem>> -> memref<256x128xf32, #tpu.memory_space<vmem>>
        %gather3A_347 = tpu.vector_load_idx %gather3A_346[%add3A_269, %add3A_342] : memref<256x128xf32, #tpu.memory_space<vmem>>[vector<16xi32>, vector<16xi32>], vector<16xf32>,
        %add3A_348 = arith.constant 48 : i32
        %add3A_349 = vector.broadcast %add3A_348 : i32 to vector<16xi32>
        %add3A_350 = arith.addi %add3A_349, %and3A_216 : vector<16xi32>
        %scatter3A_351 = arith.constant 0 : i32
        %scatter3A_352 = arith.constant 0 : i32
        %scatter3A_353 = tpu.memref_slice %arg8[%scan3A_235, %scatter3A_351, %scatter3A_352] : memref<2x64x128xf32, #tpu.memory_space<vmem>> -> memref<1x64x128xf32, #tpu.memory_space<vmem>>
        %scatter3A_354 = tpu.memref_squeeze %scatter3A_353 : memref<1x64x128xf32, #tpu.memory_space<vmem>> -> memref<64x128xf32, #tpu.memory_space<vmem>>
        tpu.vector_store_idx %scatter3A_354[%add3A_350, %add3A_266], %gather3A_347 : memref<64x128xf32, #tpu.memory_space<vmem>>[vector<16xi32>, vector<16xi32>], vector<16xf32>,
        %add3A_355 = arith.constant 20 : i32
        %add3A_356 = vector.broadcast %add3A_355 : i32 to vector<16xi32>
        %add3A_357 = arith.addi %add3A_356, %and3A_216 : vector<16xi32>
        %add3A_358 = arith.addi %mul3A_275, %add3A_357 : vector<16xi32>
        %gather3A_359 = arith.constant 0 : i32
        %gather3A_360 = arith.constant 0 : i32
        %gather3A_361 = tpu.memref_slice %arg7[%scan3A_234, %gather3A_359, %gather3A_360] : memref<2x256x128xf32, #tpu.memory_space<vmem>> -> memref<1x256x128xf32, #tpu.memory_space<vmem>>
        %gather3A_362 = tpu.memref_squeeze %gather3A_361 : memref<1x256x128xf32, #tpu.memory_space<vmem>> -> memref<256x128xf32, #tpu.memory_space<vmem>>
        %gather3A_363 = tpu.vector_load_idx %gather3A_362[%add3A_269, %add3A_358] : memref<256x128xf32, #tpu.memory_space<vmem>>[vector<16xi32>, vector<16xi32>], vector<16xf32>,
        %add3A_364 = arith.constant 52 : i32
        %add3A_365 = vector.broadcast %add3A_364 : i32 to vector<16xi32>
        %add3A_366 = arith.addi %add3A_365, %and3A_216 : vector<16xi32>
        %scatter3A_367 = arith.constant 0 : i32
        %scatter3A_368 = arith.constant 0 : i32
        %scatter3A_369 = tpu.memref_slice %arg8[%scan3A_235, %scatter3A_367, %scatter3A_368] : memref<2x64x128xf32, #tpu.memory_space<vmem>> -> memref<1x64x128xf32, #tpu.memory_space<vmem>>
        %scatter3A_370 = tpu.memref_squeeze %scatter3A_369 : memref<1x64x128xf32, #tpu.memory_space<vmem>> -> memref<64x128xf32, #tpu.memory_space<vmem>>
        tpu.vector_store_idx %scatter3A_370[%add3A_366, %add3A_266], %gather3A_363 : memref<64x128xf32, #tpu.memory_space<vmem>>[vector<16xi32>, vector<16xi32>], vector<16xf32>,
        %add3A_371 = arith.constant 24 : i32
        %add3A_372 = vector.broadcast %add3A_371 : i32 to vector<16xi32>
        %add3A_373 = arith.addi %add3A_372, %and3A_216 : vector<16xi32>
        %add3A_374 = arith.addi %mul3A_275, %add3A_373 : vector<16xi32>
        %gather3A_375 = arith.constant 0 : i32
        %gather3A_376 = arith.constant 0 : i32
        %gather3A_377 = tpu.memref_slice %arg7[%scan3A_234, %gather3A_375, %gather3A_376] : memref<2x256x128xf32, #tpu.memory_space<vmem>> -> memref<1x256x128xf32, #tpu.memory_space<vmem>>
        %gather3A_378 = tpu.memref_squeeze %gather3A_377 : memref<1x256x128xf32, #tpu.memory_space<vmem>> -> memref<256x128xf32, #tpu.memory_space<vmem>>
        %gather3A_379 = tpu.vector_load_idx %gather3A_378[%add3A_269, %add3A_374] : memref<256x128xf32, #tpu.memory_space<vmem>>[vector<16xi32>, vector<16xi32>], vector<16xf32>,
        %add3A_380 = arith.constant 56 : i32
        %add3A_381 = vector.broadcast %add3A_380 : i32 to vector<16xi32>
        %add3A_382 = arith.addi %add3A_381, %and3A_216 : vector<16xi32>
        %scatter3A_383 = arith.constant 0 : i32
        %scatter3A_384 = arith.constant 0 : i32
        %scatter3A_385 = tpu.memref_slice %arg8[%scan3A_235, %scatter3A_383, %scatter3A_384] : memref<2x64x128xf32, #tpu.memory_space<vmem>> -> memref<1x64x128xf32, #tpu.memory_space<vmem>>
        %scatter3A_386 = tpu.memref_squeeze %scatter3A_385 : memref<1x64x128xf32, #tpu.memory_space<vmem>> -> memref<64x128xf32, #tpu.memory_space<vmem>>
        tpu.vector_store_idx %scatter3A_386[%add3A_382, %add3A_266], %gather3A_379 : memref<64x128xf32, #tpu.memory_space<vmem>>[vector<16xi32>, vector<16xi32>], vector<16xf32>,
        %add3A_387 = arith.constant 28 : i32
        %add3A_388 = vector.broadcast %add3A_387 : i32 to vector<16xi32>
        %add3A_389 = arith.addi %add3A_388, %and3A_216 : vector<16xi32>
        %add3A_390 = arith.addi %mul3A_275, %add3A_389 : vector<16xi32>
        %gather3A_391 = arith.constant 0 : i32
        %gather3A_392 = arith.constant 0 : i32
        %gather3A_393 = tpu.memref_slice %arg7[%scan3A_234, %gather3A_391, %gather3A_392] : memref<2x256x128xf32, #tpu.memory_space<vmem>> -> memref<1x256x128xf32, #tpu.memory_space<vmem>>
        %gather3A_394 = tpu.memref_squeeze %gather3A_393 : memref<1x256x128xf32, #tpu.memory_space<vmem>> -> memref<256x128xf32, #tpu.memory_space<vmem>>
        %gather3A_395 = tpu.vector_load_idx %gather3A_394[%add3A_269, %add3A_390] : memref<256x128xf32, #tpu.memory_space<vmem>>[vector<16xi32>, vector<16xi32>], vector<16xf32>,
        %add3A_396 = arith.constant 60 : i32
        %add3A_397 = vector.broadcast %add3A_396 : i32 to vector<16xi32>
        %add3A_398 = arith.addi %add3A_397, %and3A_216 : vector<16xi32>
        %scatter3A_399 = arith.constant 0 : i32
        %scatter3A_400 = arith.constant 0 : i32
        %scatter3A_401 = tpu.memref_slice %arg8[%scan3A_235, %scatter3A_399, %scatter3A_400] : memref<2x64x128xf32, #tpu.memory_space<vmem>> -> memref<1x64x128xf32, #tpu.memory_space<vmem>>
        %scatter3A_402 = tpu.memref_squeeze %scatter3A_401 : memref<1x64x128xf32, #tpu.memory_space<vmem>> -> memref<64x128xf32, #tpu.memory_space<vmem>>
        tpu.vector_store_idx %scatter3A_402[%add3A_398, %add3A_266], %gather3A_395 : memref<64x128xf32, #tpu.memory_space<vmem>>[vector<16xi32>, vector<16xi32>], vector<16xf32>,
      }
      %scan3A_240 = arith.constant 32 : i32
      %mul3A_241 = arith.constant 64 : i32
      %mul3A_242 = arith.muli %add3A_194, %mul3A_241 : i32
      %dma_start3A_243 = arith.constant 1 : i32
      %dma_start3A_244 = arith.constant 0 : i32
      %dma_start3A_245 = arith.constant 0 : i32
      %dma_start3A_246 = tpu.memref_slice %arg8[%dma_start3A_243, %dma_start3A_244, %dma_start3A_245] : memref<2x64x128xf32, #tpu.memory_space<vmem>> -> memref<1x64x128xf32, #tpu.memory_space<vmem>>
      %dma_start3A_247 = tpu.memref_squeeze %dma_start3A_246 : memref<1x64x128xf32, #tpu.memory_space<vmem>> -> memref<64x128xf32, #tpu.memory_space<vmem>>
      %dma_start3A_248 = tpu.memref_slice %arg4[%mul3A_242, %mul3A_2] : memref<1600x4096xf32, #tpu.memory_space<hbm>> -> memref<64x128xf32, #tpu.memory_space<hbm>>
      %dma_start3A_249 = tpu.memref_slice %arg4[%mul3A_242, %mul3A_2] : memref<1600x4096xf32, #tpu.memory_space<hbm>> -> memref<64x128xf32, #tpu.memory_space<hbm>>
      %dma_start3A_250 = arith.constant 0 : i32
      %dma_start3A_251 = arith.constant 0 : i32
      %dma_start3A_252 = tpu.memref_slice %arg8[%dma_start3A_243, %dma_start3A_250, %dma_start3A_251] : memref<2x64x128xf32, #tpu.memory_space<vmem>> -> memref<1x64x128xf32, #tpu.memory_space<vmem>>
      %dma_start3A_253 = tpu.memref_squeeze %dma_start3A_252 : memref<1x64x128xf32, #tpu.memory_space<vmem>> -> memref<64x128xf32, #tpu.memory_space<vmem>>
      tpu.enqueue_dma source(%dma_start3A_253 : memref<64x128xf32, #tpu.memory_space<vmem>>) target(%dma_start3A_249 : memref<64x128xf32, #tpu.memory_space<hbm>>) target_semaphore(%arg12 : memref<!tpu.dma_semaphore, #tpu.memory_space<semaphore_mem>>)
      %lt3A = arith.constant 11 : i32
      %lt3A_254 = arith.cmpi slt, %add3A_117, %lt3A : i32
      %convert_element_type3A_255 = arith.extui %lt3A_254 : i1 to i32
      %cond3A_256 = arith.constant 0 : i32
      %cond3A_257 = arith.cmpi ne, %convert_element_type3A_255, %cond3A_256 : i32
      scf.if %cond3A_257 {
        %add3A_258 = arith.constant 2 : i32
        %add3A_259 = arith.addi %add3A_194, %add3A_258 : i32
        %mul3A_260 = arith.constant 256 : i32
        %mul3A_261 = arith.muli %add3A_259, %mul3A_260 : i32
        %dma_start3A_262 = arith.constant 1 : i32
        %dma_start3A_263 = arith.constant 0 : i32
        %dma_start3A_264 = arith.constant 0 : i32
        %dma_start3A_265 = tpu.memref_slice %arg7[%dma_start3A_262, %dma_start3A_263, %dma_start3A_264] : memref<2x256x128xf32, #tpu.memory_space<vmem>> -> memref<1x256x128xf32, #tpu.memory_space<vmem>>
        %dma_start3A_266 = tpu.memref_squeeze %dma_start3A_265 : memref<1x256x128xf32, #tpu.memory_space<vmem>> -> memref<256x128xf32, #tpu.memory_space<vmem>>
        %dma_start3A_267 = tpu.memref_slice %arg6[%mul3A_261] : memref<6400xi32, #tpu.memory_space<vmem>> -> memref<256xi32, #tpu.memory_space<vmem>>
        %dma_start3A_268 = arith.constant 0 : i32
        %dma_start3A_269 = arith.constant 0 : i32
        %dma_start3A_270 = tpu.memref_slice %arg3[%dma_start3A_268, %dma_start3A_269] : memref<262144x128xf32, #tpu.memory_space<hbm>> -> memref<262144x128xf32, #tpu.memory_space<hbm>>
        tpu.enqueue_indirect_dma source(%dma_start3A_270 : memref<262144x128xf32, #tpu.memory_space<hbm>>) target(%dma_start3A_266 : memref<256x128xf32, #tpu.memory_space<vmem>>) offsets(%dma_start3A_267 : memref<256xi32, #tpu.memory_space<vmem>>) semaphore(%arg10 : memref<!tpu.dma_semaphore, #tpu.memory_space<semaphore_mem>>)
      } else {
      }
    }
    %scan3A_30 = arith.constant 12 : i32
    %dma_wait3A = arith.constant 0 : i32
    %dma_wait3A_31 = arith.constant 0 : i32
    %dma_wait3A_32 = arith.constant 0 : i32
    %dma_wait3A_33 = tpu.memref_slice %arg7[%dma_wait3A, %dma_wait3A_31, %dma_wait3A_32] : memref<2x256x128xf32, #tpu.memory_space<vmem>> -> memref<1x256x128xf32, #tpu.memory_space<vmem>>
    %dma_wait3A_34 = tpu.memref_squeeze %dma_wait3A_33 : memref<1x256x128xf32, #tpu.memory_space<vmem>> -> memref<256x128xf32, #tpu.memory_space<vmem>>
    %dma_wait3A_35 = arith.constant 0 : i32
    %dma_wait3A_36 = tpu.memref_slice %arg6[%dma_wait3A_35] : memref<6400xi32, #tpu.memory_space<vmem>> -> memref<256xi32, #tpu.memory_space<vmem>>
    %dma_wait3A_37 = arith.constant 0 : i32
    %dma_wait3A_38 = arith.constant 0 : i32
    %dma_wait3A_39 = tpu.memref_slice %arg3[%dma_wait3A_37, %dma_wait3A_38] : memref<262144x128xf32, #tpu.memory_space<hbm>> -> memref<262144x128xf32, #tpu.memory_space<hbm>>
    tpu.wait_indirect_dma semaphore(%arg9 : memref<!tpu.dma_semaphore, #tpu.memory_space<semaphore_mem>>) src(%dma_wait3A_39 : memref<262144x128xf32, #tpu.memory_space<hbm>>) dst(%dma_wait3A_34 : memref<256x128xf32, #tpu.memory_space<vmem>>)
    %dma_wait3A_40 = arith.constant 0 : i32
    %dma_wait3A_41 = arith.constant 0 : i32
    %dma_wait3A_42 = arith.constant 0 : i32
    %dma_wait3A_43 = tpu.memref_slice %arg8[%dma_wait3A_40, %dma_wait3A_41, %dma_wait3A_42] : memref<2x64x128xf32, #tpu.memory_space<vmem>> -> memref<1x64x128xf32, #tpu.memory_space<vmem>>
    %dma_wait3A_44 = tpu.memref_squeeze %dma_wait3A_43 : memref<1x64x128xf32, #tpu.memory_space<vmem>> -> memref<64x128xf32, #tpu.memory_space<vmem>>
    %dma_wait3A_45 = arith.constant 0 : i32
    %dma_wait3A_46 = tpu.memref_slice %arg4[%dma_wait3A_45, %mul3A_2] : memref<1600x4096xf32, #tpu.memory_space<hbm>> -> memref<64x128xf32, #tpu.memory_space<hbm>>
    %dma_wait3A_47 = arith.constant 0 : i32
    %dma_wait3A_48 = tpu.memref_slice %arg4[%dma_wait3A_47, %mul3A_2] : memref<1600x4096xf32, #tpu.memory_space<hbm>> -> memref<64x128xf32, #tpu.memory_space<hbm>>
    %dma_wait3A_49 = arith.constant 0 : i32
    %dma_wait3A_50 = arith.constant 0 : i32
    %dma_wait3A_51 = tpu.memref_slice %arg8[%dma_wait3A_40, %dma_wait3A_49, %dma_wait3A_50] : memref<2x64x128xf32, #tpu.memory_space<vmem>> -> memref<1x64x128xf32, #tpu.memory_space<vmem>>
    %dma_wait3A_52 = tpu.memref_squeeze %dma_wait3A_51 : memref<1x64x128xf32, #tpu.memory_space<vmem>> -> memref<64x128xf32, #tpu.memory_space<vmem>>
    tpu.wait_dma2 semaphore(%arg11 : memref<!tpu.dma_semaphore, #tpu.memory_space<semaphore_mem>>) src(%dma_wait3A_52 : memref<64x128xf32, #tpu.memory_space<vmem>>) dst(%dma_wait3A_48 : memref<64x128xf32, #tpu.memory_space<hbm>>)
    %iota3A = tpu.iota {dimensions = array<i32: 0>} : vector<16xi32>
    %shift_right_arithmetic3A = arith.constant 2 : i32
    %shift_right_arithmetic3A_53 = vector.broadcast %shift_right_arithmetic3A : i32 to vector<16xi32>
    %shift_right_arithmetic3A_54 = arith.shrsi %iota3A, %shift_right_arithmetic3A_53 : vector<16xi32>
    %and3A = arith.constant 3 : i32
    %and3A_55 = vector.broadcast %and3A : i32 to vector<16xi32>
    %and3A_56 = arith.andi %iota3A, %and3A_55 : vector<16xi32>
    %broadcast_in_dim3A = arith.constant 48 : i32
    %broadcast_in_dim3A_57 = vector.broadcast %broadcast_in_dim3A : i32 to vector<16xi32>
    %scan3A_58 = arith.constant 0 : i32
    %scan3A_59 = arith.constant 0 : i32
    %scan3A_60 = arith.constant 0 : i32
    %scan3A_61 = arith.constant 32 : i32
    %scan3A_62 = arith.addi %scan3A_60, %scan3A_61 : i32
    %scan3A_63 = arith.constant 1 : i32
    scf.for %scan3A_113 = %scan3A_60 to %scan3A_62 step %scan3A_63  : i32 {
      %mul3A_114 = arith.constant 1 : i32
      %mul3A_115 = arith.muli %scan3A_113, %mul3A_114 : i32
      %add3A_116 = arith.constant 0 : i32
      %add3A_117 = arith.addi %add3A_116, %mul3A_115 : i32
      %mul3A_118 = arith.constant 4 : i32
      %mul3A_119 = arith.muli %add3A_117, %mul3A_118 : i32
      %add3A_120 = vector.broadcast %mul3A_119 : i32 to vector<16xi32>
      %add3A_121 = arith.addi %add3A_120, %shift_right_arithmetic3A_54 : vector<16xi32>
      %add3A_122 = arith.constant 0 : i32
      %add3A_123 = vector.broadcast %add3A_122 : i32 to vector<16xi32>
      %add3A_124 = arith.addi %add3A_123, %add3A_121 : vector<16xi32>
      %gather3A = tpu.vector_load_idx %arg5[%broadcast_in_dim3A_57, %add3A_121] : memref<50x128xi32, #tpu.memory_space<vmem>>[vector<16xi32>, vector<16xi32>], vector<16xi32>,
      %shift_right_arithmetic3A_125 = arith.constant 18 : i32
      %shift_right_arithmetic3A_126 = vector.broadcast %shift_right_arithmetic3A_125 : i32 to vector<16xi32>
      %shift_right_arithmetic3A_127 = arith.shrsi %gather3A, %shift_right_arithmetic3A_126 : vector<16xi32>
      %mul3A_128 = arith.constant 32 : i32
      %mul3A_129 = vector.broadcast %mul3A_128 : i32 to vector<16xi32>
      %mul3A_130 = arith.muli %shift_right_arithmetic3A_127, %mul3A_129 : vector<16xi32>
      %add3A_131 = arith.constant 0 : i32
      %add3A_132 = vector.broadcast %add3A_131 : i32 to vector<16xi32>
      %add3A_133 = arith.addi %add3A_132, %and3A_56 : vector<16xi32>
      %add3A_134 = arith.addi %mul3A_130, %add3A_133 : vector<16xi32>
      %gather3A_135 = arith.constant 0 : i32
      %gather3A_136 = arith.constant 0 : i32
      %gather3A_137 = tpu.memref_slice %arg7[%scan3A_58, %gather3A_135, %gather3A_136] : memref<2x256x128xf32, #tpu.memory_space<vmem>> -> memref<1x256x128xf32, #tpu.memory_space<vmem>>
      %gather3A_138 = tpu.memref_squeeze %gather3A_137 : memref<1x256x128xf32, #tpu.memory_space<vmem>> -> memref<256x128xf32, #tpu.memory_space<vmem>>
      %gather3A_139 = tpu.vector_load_idx %gather3A_138[%add3A_124, %add3A_134] : memref<256x128xf32, #tpu.memory_space<vmem>>[vector<16xi32>, vector<16xi32>], vector<16xf32>,
      %add3A_140 = arith.constant 0 : i32
      %add3A_141 = vector.broadcast %add3A_140 : i32 to vector<16xi32>
      %add3A_142 = arith.addi %add3A_141, %and3A_56 : vector<16xi32>
      %scatter3A = arith.constant 0 : i32
      %scatter3A_143 = arith.constant 0 : i32
      %scatter3A_144 = tpu.memref_slice %arg8[%scan3A_59, %scatter3A, %scatter3A_143] : memref<2x64x128xf32, #tpu.memory_space<vmem>> -> memref<1x64x128xf32, #tpu.memory_space<vmem>>
      %scatter3A_145 = tpu.memref_squeeze %scatter3A_144 : memref<1x64x128xf32, #tpu.memory_space<vmem>> -> memref<64x128xf32, #tpu.memory_space<vmem>>
      tpu.vector_store_idx %scatter3A_145[%add3A_142, %add3A_121], %gather3A_139 : memref<64x128xf32, #tpu.memory_space<vmem>>[vector<16xi32>, vector<16xi32>], vector<16xf32>,
      %add3A_146 = arith.constant 4 : i32
      %add3A_147 = vector.broadcast %add3A_146 : i32 to vector<16xi32>
      %add3A_148 = arith.addi %add3A_147, %and3A_56 : vector<16xi32>
      %add3A_149 = arith.addi %mul3A_130, %add3A_148 : vector<16xi32>
      %gather3A_150 = arith.constant 0 : i32
      %gather3A_151 = arith.constant 0 : i32
      %gather3A_152 = tpu.memref_slice %arg7[%scan3A_58, %gather3A_150, %gather3A_151] : memref<2x256x128xf32, #tpu.memory_space<vmem>> -> memref<1x256x128xf32, #tpu.memory_space<vmem>>
      %gather3A_153 = tpu.memref_squeeze %gather3A_152 : memref<1x256x128xf32, #tpu.memory_space<vmem>> -> memref<256x128xf32, #tpu.memory_space<vmem>>
      %gather3A_154 = tpu.vector_load_idx %gather3A_153[%add3A_124, %add3A_149] : memref<256x128xf32, #tpu.memory_space<vmem>>[vector<16xi32>, vector<16xi32>], vector<16xf32>,
      %add3A_155 = arith.constant 4 : i32
      %add3A_156 = vector.broadcast %add3A_155 : i32 to vector<16xi32>
      %add3A_157 = arith.addi %add3A_156, %and3A_56 : vector<16xi32>
      %scatter3A_158 = arith.constant 0 : i32
      %scatter3A_159 = arith.constant 0 : i32
      %scatter3A_160 = tpu.memref_slice %arg8[%scan3A_59, %scatter3A_158, %scatter3A_159] : memref<2x64x128xf32, #tpu.memory_space<vmem>> -> memref<1x64x128xf32, #tpu.memory_space<vmem>>
      %scatter3A_161 = tpu.memref_squeeze %scatter3A_160 : memref<1x64x128xf32, #tpu.memory_space<vmem>> -> memref<64x128xf32, #tpu.memory_space<vmem>>
      tpu.vector_store_idx %scatter3A_161[%add3A_157, %add3A_121], %gather3A_154 : memref<64x128xf32, #tpu.memory_space<vmem>>[vector<16xi32>, vector<16xi32>], vector<16xf32>,
      %add3A_162 = arith.constant 8 : i32
      %add3A_163 = vector.broadcast %add3A_162 : i32 to vector<16xi32>
      %add3A_164 = arith.addi %add3A_163, %and3A_56 : vector<16xi32>
      %add3A_165 = arith.addi %mul3A_130, %add3A_164 : vector<16xi32>
      %gather3A_166 = arith.constant 0 : i32
      %gather3A_167 = arith.constant 0 : i32
      %gather3A_168 = tpu.memref_slice %arg7[%scan3A_58, %gather3A_166, %gather3A_167] : memref<2x256x128xf32, #tpu.memory_space<vmem>> -> memref<1x256x128xf32, #tpu.memory_space<vmem>>
      %gather3A_169 = tpu.memref_squeeze %gather3A_168 : memref<1x256x128xf32, #tpu.memory_space<vmem>> -> memref<256x128xf32, #tpu.memory_space<vmem>>
      %gather3A_170 = tpu.vector_load_idx %gather3A_169[%add3A_124, %add3A_165] : memref<256x128xf32, #tpu.memory_space<vmem>>[vector<16xi32>, vector<16xi32>], vector<16xf32>,
      %add3A_171 = arith.constant 8 : i32
      %add3A_172 = vector.broadcast %add3A_171 : i32 to vector<16xi32>
      %add3A_173 = arith.addi %add3A_172, %and3A_56 : vector<16xi32>
      %scatter3A_174 = arith.constant 0 : i32
      %scatter3A_175 = arith.constant 0 : i32
      %scatter3A_176 = tpu.memref_slice %arg8[%scan3A_59, %scatter3A_174, %scatter3A_175] : memref<2x64x128xf32, #tpu.memory_space<vmem>> -> memref<1x64x128xf32, #tpu.memory_space<vmem>>
      %scatter3A_177 = tpu.memref_squeeze %scatter3A_176 : memref<1x64x128xf32, #tpu.memory_space<vmem>> -> memref<64x128xf32, #tpu.memory_space<vmem>>
      tpu.vector_store_idx %scatter3A_177[%add3A_173, %add3A_121], %gather3A_170 : memref<64x128xf32, #tpu.memory_space<vmem>>[vector<16xi32>, vector<16xi32>], vector<16xf32>,
      %add3A_178 = arith.constant 12 : i32
      %add3A_179 = vector.broadcast %add3A_178 : i32 to vector<16xi32>
      %add3A_180 = arith.addi %add3A_179, %and3A_56 : vector<16xi32>
      %add3A_181 = arith.addi %mul3A_130, %add3A_180 : vector<16xi32>
      %gather3A_182 = arith.constant 0 : i32
      %gather3A_183 = arith.constant 0 : i32
      %gather3A_184 = tpu.memref_slice %arg7[%scan3A_58, %gather3A_182, %gather3A_183] : memref<2x256x128xf32, #tpu.memory_space<vmem>> -> memref<1x256x128xf32, #tpu.memory_space<vmem>>
      %gather3A_185 = tpu.memref_squeeze %gather3A_184 : memref<1x256x128xf32, #tpu.memory_space<vmem>> -> memref<256x128xf32, #tpu.memory_space<vmem>>
      %gather3A_186 = tpu.vector_load_idx %gather3A_185[%add3A_124, %add3A_181] : memref<256x128xf32, #tpu.memory_space<vmem>>[vector<16xi32>, vector<16xi32>], vector<16xf32>,
      %add3A_187 = arith.constant 12 : i32
      %add3A_188 = vector.broadcast %add3A_187 : i32 to vector<16xi32>
      %add3A_189 = arith.addi %add3A_188, %and3A_56 : vector<16xi32>
      %scatter3A_190 = arith.constant 0 : i32
      %scatter3A_191 = arith.constant 0 : i32
      %scatter3A_192 = tpu.memref_slice %arg8[%scan3A_59, %scatter3A_190, %scatter3A_191] : memref<2x64x128xf32, #tpu.memory_space<vmem>> -> memref<1x64x128xf32, #tpu.memory_space<vmem>>
      %scatter3A_193 = tpu.memref_squeeze %scatter3A_192 : memref<1x64x128xf32, #tpu.memory_space<vmem>> -> memref<64x128xf32, #tpu.memory_space<vmem>>
      tpu.vector_store_idx %scatter3A_193[%add3A_189, %add3A_121], %gather3A_186 : memref<64x128xf32, #tpu.memory_space<vmem>>[vector<16xi32>, vector<16xi32>], vector<16xf32>,
      %add3A_194 = arith.constant 16 : i32
      %add3A_195 = vector.broadcast %add3A_194 : i32 to vector<16xi32>
      %add3A_196 = arith.addi %add3A_195, %and3A_56 : vector<16xi32>
      %add3A_197 = arith.addi %mul3A_130, %add3A_196 : vector<16xi32>
      %gather3A_198 = arith.constant 0 : i32
      %gather3A_199 = arith.constant 0 : i32
      %gather3A_200 = tpu.memref_slice %arg7[%scan3A_58, %gather3A_198, %gather3A_199] : memref<2x256x128xf32, #tpu.memory_space<vmem>> -> memref<1x256x128xf32, #tpu.memory_space<vmem>>
      %gather3A_201 = tpu.memref_squeeze %gather3A_200 : memref<1x256x128xf32, #tpu.memory_space<vmem>> -> memref<256x128xf32, #tpu.memory_space<vmem>>
      %gather3A_202 = tpu.vector_load_idx %gather3A_201[%add3A_124, %add3A_197] : memref<256x128xf32, #tpu.memory_space<vmem>>[vector<16xi32>, vector<16xi32>], vector<16xf32>,
      %add3A_203 = arith.constant 16 : i32
      %add3A_204 = vector.broadcast %add3A_203 : i32 to vector<16xi32>
      %add3A_205 = arith.addi %add3A_204, %and3A_56 : vector<16xi32>
      %scatter3A_206 = arith.constant 0 : i32
      %scatter3A_207 = arith.constant 0 : i32
      %scatter3A_208 = tpu.memref_slice %arg8[%scan3A_59, %scatter3A_206, %scatter3A_207] : memref<2x64x128xf32, #tpu.memory_space<vmem>> -> memref<1x64x128xf32, #tpu.memory_space<vmem>>
      %scatter3A_209 = tpu.memref_squeeze %scatter3A_208 : memref<1x64x128xf32, #tpu.memory_space<vmem>> -> memref<64x128xf32, #tpu.memory_space<vmem>>
      tpu.vector_store_idx %scatter3A_209[%add3A_205, %add3A_121], %gather3A_202 : memref<64x128xf32, #tpu.memory_space<vmem>>[vector<16xi32>, vector<16xi32>], vector<16xf32>,
      %add3A_210 = arith.constant 20 : i32
      %add3A_211 = vector.broadcast %add3A_210 : i32 to vector<16xi32>
      %add3A_212 = arith.addi %add3A_211, %and3A_56 : vector<16xi32>
      %add3A_213 = arith.addi %mul3A_130, %add3A_212 : vector<16xi32>
      %gather3A_214 = arith.constant 0 : i32
      %gather3A_215 = arith.constant 0 : i32
      %gather3A_216 = tpu.memref_slice %arg7[%scan3A_58, %gather3A_214, %gather3A_215] : memref<2x256x128xf32, #tpu.memory_space<vmem>> -> memref<1x256x128xf32, #tpu.memory_space<vmem>>
      %gather3A_217 = tpu.memref_squeeze %gather3A_216 : memref<1x256x128xf32, #tpu.memory_space<vmem>> -> memref<256x128xf32, #tpu.memory_space<vmem>>
      %gather3A_218 = tpu.vector_load_idx %gather3A_217[%add3A_124, %add3A_213] : memref<256x128xf32, #tpu.memory_space<vmem>>[vector<16xi32>, vector<16xi32>], vector<16xf32>,
      %add3A_219 = arith.constant 20 : i32
      %add3A_220 = vector.broadcast %add3A_219 : i32 to vector<16xi32>
      %add3A_221 = arith.addi %add3A_220, %and3A_56 : vector<16xi32>
      %scatter3A_222 = arith.constant 0 : i32
      %scatter3A_223 = arith.constant 0 : i32
      %scatter3A_224 = tpu.memref_slice %arg8[%scan3A_59, %scatter3A_222, %scatter3A_223] : memref<2x64x128xf32, #tpu.memory_space<vmem>> -> memref<1x64x128xf32, #tpu.memory_space<vmem>>
      %scatter3A_225 = tpu.memref_squeeze %scatter3A_224 : memref<1x64x128xf32, #tpu.memory_space<vmem>> -> memref<64x128xf32, #tpu.memory_space<vmem>>
      tpu.vector_store_idx %scatter3A_225[%add3A_221, %add3A_121], %gather3A_218 : memref<64x128xf32, #tpu.memory_space<vmem>>[vector<16xi32>, vector<16xi32>], vector<16xf32>,
      %add3A_226 = arith.constant 24 : i32
      %add3A_227 = vector.broadcast %add3A_226 : i32 to vector<16xi32>
      %add3A_228 = arith.addi %add3A_227, %and3A_56 : vector<16xi32>
      %add3A_229 = arith.addi %mul3A_130, %add3A_228 : vector<16xi32>
      %gather3A_230 = arith.constant 0 : i32
      %gather3A_231 = arith.constant 0 : i32
      %gather3A_232 = tpu.memref_slice %arg7[%scan3A_58, %gather3A_230, %gather3A_231] : memref<2x256x128xf32, #tpu.memory_space<vmem>> -> memref<1x256x128xf32, #tpu.memory_space<vmem>>
      %gather3A_233 = tpu.memref_squeeze %gather3A_232 : memref<1x256x128xf32, #tpu.memory_space<vmem>> -> memref<256x128xf32, #tpu.memory_space<vmem>>
      %gather3A_234 = tpu.vector_load_idx %gather3A_233[%add3A_124, %add3A_229] : memref<256x128xf32, #tpu.memory_space<vmem>>[vector<16xi32>, vector<16xi32>], vector<16xf32>,
      %add3A_235 = arith.constant 24 : i32
      %add3A_236 = vector.broadcast %add3A_235 : i32 to vector<16xi32>
      %add3A_237 = arith.addi %add3A_236, %and3A_56 : vector<16xi32>
      %scatter3A_238 = arith.constant 0 : i32
      %scatter3A_239 = arith.constant 0 : i32
      %scatter3A_240 = tpu.memref_slice %arg8[%scan3A_59, %scatter3A_238, %scatter3A_239] : memref<2x64x128xf32, #tpu.memory_space<vmem>> -> memref<1x64x128xf32, #tpu.memory_space<vmem>>
      %scatter3A_241 = tpu.memref_squeeze %scatter3A_240 : memref<1x64x128xf32, #tpu.memory_space<vmem>> -> memref<64x128xf32, #tpu.memory_space<vmem>>
      tpu.vector_store_idx %scatter3A_241[%add3A_237, %add3A_121], %gather3A_234 : memref<64x128xf32, #tpu.memory_space<vmem>>[vector<16xi32>, vector<16xi32>], vector<16xf32>,
      %add3A_242 = arith.constant 28 : i32
      %add3A_243 = vector.broadcast %add3A_242 : i32 to vector<16xi32>
      %add3A_244 = arith.addi %add3A_243, %and3A_56 : vector<16xi32>
      %add3A_245 = arith.addi %mul3A_130, %add3A_244 : vector<16xi32>
      %gather3A_246 = arith.constant 0 : i32
      %gather3A_247 = arith.constant 0 : i32
      %gather3A_248 = tpu.memref_slice %arg7[%scan3A_58, %gather3A_246, %gather3A_247] : memref<2x256x128xf32, #tpu.memory_space<vmem>> -> memref<1x256x128xf32, #tpu.memory_space<vmem>>
      %gather3A_249 = tpu.memref_squeeze %gather3A_248 : memref<1x256x128xf32, #tpu.memory_space<vmem>> -> memref<256x128xf32, #tpu.memory_space<vmem>>
      %gather3A_250 = tpu.vector_load_idx %gather3A_249[%add3A_124, %add3A_245] : memref<256x128xf32, #tpu.memory_space<vmem>>[vector<16xi32>, vector<16xi32>], vector<16xf32>,
      %add3A_251 = arith.constant 28 : i32
      %add3A_252 = vector.broadcast %add3A_251 : i32 to vector<16xi32>
      %add3A_253 = arith.addi %add3A_252, %and3A_56 : vector<16xi32>
      %scatter3A_254 = arith.constant 0 : i32
      %scatter3A_255 = arith.constant 0 : i32
      %scatter3A_256 = tpu.memref_slice %arg8[%scan3A_59, %scatter3A_254, %scatter3A_255] : memref<2x64x128xf32, #tpu.memory_space<vmem>> -> memref<1x64x128xf32, #tpu.memory_space<vmem>>
      %scatter3A_257 = tpu.memref_squeeze %scatter3A_256 : memref<1x64x128xf32, #tpu.memory_space<vmem>> -> memref<64x128xf32, #tpu.memory_space<vmem>>
      tpu.vector_store_idx %scatter3A_257[%add3A_253, %add3A_121], %gather3A_250 : memref<64x128xf32, #tpu.memory_space<vmem>>[vector<16xi32>, vector<16xi32>], vector<16xf32>,
    }
    %scan3A_64 = arith.constant 32 : i32
    %broadcast_in_dim3A_65 = arith.constant 49 : i32
    %broadcast_in_dim3A_66 = vector.broadcast %broadcast_in_dim3A_65 : i32 to vector<16xi32>
    %scan3A_67 = arith.constant 0 : i32
    %scan3A_68 = arith.constant 0 : i32
    %scan3A_69 = arith.constant 0 : i32
    %scan3A_70 = arith.constant 32 : i32
    %scan3A_71 = arith.addi %scan3A_69, %scan3A_70 : i32
    %scan3A_72 = arith.constant 1 : i32
    scf.for %scan3A_113 = %scan3A_69 to %scan3A_71 step %scan3A_72  : i32 {
      %mul3A_114 = arith.constant 1 : i32
      %mul3A_115 = arith.muli %scan3A_113, %mul3A_114 : i32
      %add3A_116 = arith.constant 0 : i32
      %add3A_117 = arith.addi %add3A_116, %mul3A_115 : i32
      %mul3A_118 = arith.constant 4 : i32
      %mul3A_119 = arith.muli %add3A_117, %mul3A_118 : i32
      %add3A_120 = vector.broadcast %mul3A_119 : i32 to vector<16xi32>
      %add3A_121 = arith.addi %add3A_120, %shift_right_arithmetic3A_54 : vector<16xi32>
      %add3A_122 = arith.constant 128 : i32
      %add3A_123 = vector.broadcast %add3A_122 : i32 to vector<16xi32>
      %add3A_124 = arith.addi %add3A_123, %add3A_121 : vector<16xi32>
      %gather3A = tpu.vector_load_idx %arg5[%broadcast_in_dim3A_66, %add3A_121] : memref<50x128xi32, #tpu.memory_space<vmem>>[vector<16xi32>, vector<16xi32>], vector<16xi32>,
      %shift_right_arithmetic3A_125 = arith.constant 18 : i32
      %shift_right_arithmetic3A_126 = vector.broadcast %shift_right_arithmetic3A_125 : i32 to vector<16xi32>
      %shift_right_arithmetic3A_127 = arith.shrsi %gather3A, %shift_right_arithmetic3A_126 : vector<16xi32>
      %mul3A_128 = arith.constant 32 : i32
      %mul3A_129 = vector.broadcast %mul3A_128 : i32 to vector<16xi32>
      %mul3A_130 = arith.muli %shift_right_arithmetic3A_127, %mul3A_129 : vector<16xi32>
      %add3A_131 = arith.constant 0 : i32
      %add3A_132 = vector.broadcast %add3A_131 : i32 to vector<16xi32>
      %add3A_133 = arith.addi %add3A_132, %and3A_56 : vector<16xi32>
      %add3A_134 = arith.addi %mul3A_130, %add3A_133 : vector<16xi32>
      %gather3A_135 = arith.constant 0 : i32
      %gather3A_136 = arith.constant 0 : i32
      %gather3A_137 = tpu.memref_slice %arg7[%scan3A_67, %gather3A_135, %gather3A_136] : memref<2x256x128xf32, #tpu.memory_space<vmem>> -> memref<1x256x128xf32, #tpu.memory_space<vmem>>
      %gather3A_138 = tpu.memref_squeeze %gather3A_137 : memref<1x256x128xf32, #tpu.memory_space<vmem>> -> memref<256x128xf32, #tpu.memory_space<vmem>>
      %gather3A_139 = tpu.vector_load_idx %gather3A_138[%add3A_124, %add3A_134] : memref<256x128xf32, #tpu.memory_space<vmem>>[vector<16xi32>, vector<16xi32>], vector<16xf32>,
      %add3A_140 = arith.constant 32 : i32
      %add3A_141 = vector.broadcast %add3A_140 : i32 to vector<16xi32>
      %add3A_142 = arith.addi %add3A_141, %and3A_56 : vector<16xi32>
      %scatter3A = arith.constant 0 : i32
      %scatter3A_143 = arith.constant 0 : i32
      %scatter3A_144 = tpu.memref_slice %arg8[%scan3A_68, %scatter3A, %scatter3A_143] : memref<2x64x128xf32, #tpu.memory_space<vmem>> -> memref<1x64x128xf32, #tpu.memory_space<vmem>>
      %scatter3A_145 = tpu.memref_squeeze %scatter3A_144 : memref<1x64x128xf32, #tpu.memory_space<vmem>> -> memref<64x128xf32, #tpu.memory_space<vmem>>
      tpu.vector_store_idx %scatter3A_145[%add3A_142, %add3A_121], %gather3A_139 : memref<64x128xf32, #tpu.memory_space<vmem>>[vector<16xi32>, vector<16xi32>], vector<16xf32>,
      %add3A_146 = arith.constant 4 : i32
      %add3A_147 = vector.broadcast %add3A_146 : i32 to vector<16xi32>
      %add3A_148 = arith.addi %add3A_147, %and3A_56 : vector<16xi32>
      %add3A_149 = arith.addi %mul3A_130, %add3A_148 : vector<16xi32>
      %gather3A_150 = arith.constant 0 : i32
      %gather3A_151 = arith.constant 0 : i32
      %gather3A_152 = tpu.memref_slice %arg7[%scan3A_67, %gather3A_150, %gather3A_151] : memref<2x256x128xf32, #tpu.memory_space<vmem>> -> memref<1x256x128xf32, #tpu.memory_space<vmem>>
      %gather3A_153 = tpu.memref_squeeze %gather3A_152 : memref<1x256x128xf32, #tpu.memory_space<vmem>> -> memref<256x128xf32, #tpu.memory_space<vmem>>
      %gather3A_154 = tpu.vector_load_idx %gather3A_153[%add3A_124, %add3A_149] : memref<256x128xf32, #tpu.memory_space<vmem>>[vector<16xi32>, vector<16xi32>], vector<16xf32>,
      %add3A_155 = arith.constant 36 : i32
      %add3A_156 = vector.broadcast %add3A_155 : i32 to vector<16xi32>
      %add3A_157 = arith.addi %add3A_156, %and3A_56 : vector<16xi32>
      %scatter3A_158 = arith.constant 0 : i32
      %scatter3A_159 = arith.constant 0 : i32
      %scatter3A_160 = tpu.memref_slice %arg8[%scan3A_68, %scatter3A_158, %scatter3A_159] : memref<2x64x128xf32, #tpu.memory_space<vmem>> -> memref<1x64x128xf32, #tpu.memory_space<vmem>>
      %scatter3A_161 = tpu.memref_squeeze %scatter3A_160 : memref<1x64x128xf32, #tpu.memory_space<vmem>> -> memref<64x128xf32, #tpu.memory_space<vmem>>
      tpu.vector_store_idx %scatter3A_161[%add3A_157, %add3A_121], %gather3A_154 : memref<64x128xf32, #tpu.memory_space<vmem>>[vector<16xi32>, vector<16xi32>], vector<16xf32>,
      %add3A_162 = arith.constant 8 : i32
      %add3A_163 = vector.broadcast %add3A_162 : i32 to vector<16xi32>
      %add3A_164 = arith.addi %add3A_163, %and3A_56 : vector<16xi32>
      %add3A_165 = arith.addi %mul3A_130, %add3A_164 : vector<16xi32>
      %gather3A_166 = arith.constant 0 : i32
      %gather3A_167 = arith.constant 0 : i32
      %gather3A_168 = tpu.memref_slice %arg7[%scan3A_67, %gather3A_166, %gather3A_167] : memref<2x256x128xf32, #tpu.memory_space<vmem>> -> memref<1x256x128xf32, #tpu.memory_space<vmem>>
      %gather3A_169 = tpu.memref_squeeze %gather3A_168 : memref<1x256x128xf32, #tpu.memory_space<vmem>> -> memref<256x128xf32, #tpu.memory_space<vmem>>
      %gather3A_170 = tpu.vector_load_idx %gather3A_169[%add3A_124, %add3A_165] : memref<256x128xf32, #tpu.memory_space<vmem>>[vector<16xi32>, vector<16xi32>], vector<16xf32>,
      %add3A_171 = arith.constant 40 : i32
      %add3A_172 = vector.broadcast %add3A_171 : i32 to vector<16xi32>
      %add3A_173 = arith.addi %add3A_172, %and3A_56 : vector<16xi32>
      %scatter3A_174 = arith.constant 0 : i32
      %scatter3A_175 = arith.constant 0 : i32
      %scatter3A_176 = tpu.memref_slice %arg8[%scan3A_68, %scatter3A_174, %scatter3A_175] : memref<2x64x128xf32, #tpu.memory_space<vmem>> -> memref<1x64x128xf32, #tpu.memory_space<vmem>>
      %scatter3A_177 = tpu.memref_squeeze %scatter3A_176 : memref<1x64x128xf32, #tpu.memory_space<vmem>> -> memref<64x128xf32, #tpu.memory_space<vmem>>
      tpu.vector_store_idx %scatter3A_177[%add3A_173, %add3A_121], %gather3A_170 : memref<64x128xf32, #tpu.memory_space<vmem>>[vector<16xi32>, vector<16xi32>], vector<16xf32>,
      %add3A_178 = arith.constant 12 : i32
      %add3A_179 = vector.broadcast %add3A_178 : i32 to vector<16xi32>
      %add3A_180 = arith.addi %add3A_179, %and3A_56 : vector<16xi32>
      %add3A_181 = arith.addi %mul3A_130, %add3A_180 : vector<16xi32>
      %gather3A_182 = arith.constant 0 : i32
      %gather3A_183 = arith.constant 0 : i32
      %gather3A_184 = tpu.memref_slice %arg7[%scan3A_67, %gather3A_182, %gather3A_183] : memref<2x256x128xf32, #tpu.memory_space<vmem>> -> memref<1x256x128xf32, #tpu.memory_space<vmem>>
      %gather3A_185 = tpu.memref_squeeze %gather3A_184 : memref<1x256x128xf32, #tpu.memory_space<vmem>> -> memref<256x128xf32, #tpu.memory_space<vmem>>
      %gather3A_186 = tpu.vector_load_idx %gather3A_185[%add3A_124, %add3A_181] : memref<256x128xf32, #tpu.memory_space<vmem>>[vector<16xi32>, vector<16xi32>], vector<16xf32>,
      %add3A_187 = arith.constant 44 : i32
      %add3A_188 = vector.broadcast %add3A_187 : i32 to vector<16xi32>
      %add3A_189 = arith.addi %add3A_188, %and3A_56 : vector<16xi32>
      %scatter3A_190 = arith.constant 0 : i32
      %scatter3A_191 = arith.constant 0 : i32
      %scatter3A_192 = tpu.memref_slice %arg8[%scan3A_68, %scatter3A_190, %scatter3A_191] : memref<2x64x128xf32, #tpu.memory_space<vmem>> -> memref<1x64x128xf32, #tpu.memory_space<vmem>>
      %scatter3A_193 = tpu.memref_squeeze %scatter3A_192 : memref<1x64x128xf32, #tpu.memory_space<vmem>> -> memref<64x128xf32, #tpu.memory_space<vmem>>
      tpu.vector_store_idx %scatter3A_193[%add3A_189, %add3A_121], %gather3A_186 : memref<64x128xf32, #tpu.memory_space<vmem>>[vector<16xi32>, vector<16xi32>], vector<16xf32>,
      %add3A_194 = arith.constant 16 : i32
      %add3A_195 = vector.broadcast %add3A_194 : i32 to vector<16xi32>
      %add3A_196 = arith.addi %add3A_195, %and3A_56 : vector<16xi32>
      %add3A_197 = arith.addi %mul3A_130, %add3A_196 : vector<16xi32>
      %gather3A_198 = arith.constant 0 : i32
      %gather3A_199 = arith.constant 0 : i32
      %gather3A_200 = tpu.memref_slice %arg7[%scan3A_67, %gather3A_198, %gather3A_199] : memref<2x256x128xf32, #tpu.memory_space<vmem>> -> memref<1x256x128xf32, #tpu.memory_space<vmem>>
      %gather3A_201 = tpu.memref_squeeze %gather3A_200 : memref<1x256x128xf32, #tpu.memory_space<vmem>> -> memref<256x128xf32, #tpu.memory_space<vmem>>
      %gather3A_202 = tpu.vector_load_idx %gather3A_201[%add3A_124, %add3A_197] : memref<256x128xf32, #tpu.memory_space<vmem>>[vector<16xi32>, vector<16xi32>], vector<16xf32>,
      %add3A_203 = arith.constant 48 : i32
      %add3A_204 = vector.broadcast %add3A_203 : i32 to vector<16xi32>
      %add3A_205 = arith.addi %add3A_204, %and3A_56 : vector<16xi32>
      %scatter3A_206 = arith.constant 0 : i32
      %scatter3A_207 = arith.constant 0 : i32
      %scatter3A_208 = tpu.memref_slice %arg8[%scan3A_68, %scatter3A_206, %scatter3A_207] : memref<2x64x128xf32, #tpu.memory_space<vmem>> -> memref<1x64x128xf32, #tpu.memory_space<vmem>>
      %scatter3A_209 = tpu.memref_squeeze %scatter3A_208 : memref<1x64x128xf32, #tpu.memory_space<vmem>> -> memref<64x128xf32, #tpu.memory_space<vmem>>
      tpu.vector_store_idx %scatter3A_209[%add3A_205, %add3A_121], %gather3A_202 : memref<64x128xf32, #tpu.memory_space<vmem>>[vector<16xi32>, vector<16xi32>], vector<16xf32>,
      %add3A_210 = arith.constant 20 : i32
      %add3A_211 = vector.broadcast %add3A_210 : i32 to vector<16xi32>
      %add3A_212 = arith.addi %add3A_211, %and3A_56 : vector<16xi32>
      %add3A_213 = arith.addi %mul3A_130, %add3A_212 : vector<16xi32>
      %gather3A_214 = arith.constant 0 : i32
      %gather3A_215 = arith.constant 0 : i32
      %gather3A_216 = tpu.memref_slice %arg7[%scan3A_67, %gather3A_214, %gather3A_215] : memref<2x256x128xf32, #tpu.memory_space<vmem>> -> memref<1x256x128xf32, #tpu.memory_space<vmem>>
      %gather3A_217 = tpu.memref_squeeze %gather3A_216 : memref<1x256x128xf32, #tpu.memory_space<vmem>> -> memref<256x128xf32, #tpu.memory_space<vmem>>
      %gather3A_218 = tpu.vector_load_idx %gather3A_217[%add3A_124, %add3A_213] : memref<256x128xf32, #tpu.memory_space<vmem>>[vector<16xi32>, vector<16xi32>], vector<16xf32>,
      %add3A_219 = arith.constant 52 : i32
      %add3A_220 = vector.broadcast %add3A_219 : i32 to vector<16xi32>
      %add3A_221 = arith.addi %add3A_220, %and3A_56 : vector<16xi32>
      %scatter3A_222 = arith.constant 0 : i32
      %scatter3A_223 = arith.constant 0 : i32
      %scatter3A_224 = tpu.memref_slice %arg8[%scan3A_68, %scatter3A_222, %scatter3A_223] : memref<2x64x128xf32, #tpu.memory_space<vmem>> -> memref<1x64x128xf32, #tpu.memory_space<vmem>>
      %scatter3A_225 = tpu.memref_squeeze %scatter3A_224 : memref<1x64x128xf32, #tpu.memory_space<vmem>> -> memref<64x128xf32, #tpu.memory_space<vmem>>
      tpu.vector_store_idx %scatter3A_225[%add3A_221, %add3A_121], %gather3A_218 : memref<64x128xf32, #tpu.memory_space<vmem>>[vector<16xi32>, vector<16xi32>], vector<16xf32>,
      %add3A_226 = arith.constant 24 : i32
      %add3A_227 = vector.broadcast %add3A_226 : i32 to vector<16xi32>
      %add3A_228 = arith.addi %add3A_227, %and3A_56 : vector<16xi32>
      %add3A_229 = arith.addi %mul3A_130, %add3A_228 : vector<16xi32>
      %gather3A_230 = arith.constant 0 : i32
      %gather3A_231 = arith.constant 0 : i32
      %gather3A_232 = tpu.memref_slice %arg7[%scan3A_67, %gather3A_230, %gather3A_231] : memref<2x256x128xf32, #tpu.memory_space<vmem>> -> memref<1x256x128xf32, #tpu.memory_space<vmem>>
      %gather3A_233 = tpu.memref_squeeze %gather3A_232 : memref<1x256x128xf32, #tpu.memory_space<vmem>> -> memref<256x128xf32, #tpu.memory_space<vmem>>
      %gather3A_234 = tpu.vector_load_idx %gather3A_233[%add3A_124, %add3A_229] : memref<256x128xf32, #tpu.memory_space<vmem>>[vector<16xi32>, vector<16xi32>], vector<16xf32>,
      %add3A_235 = arith.constant 56 : i32
      %add3A_236 = vector.broadcast %add3A_235 : i32 to vector<16xi32>
      %add3A_237 = arith.addi %add3A_236, %and3A_56 : vector<16xi32>
      %scatter3A_238 = arith.constant 0 : i32
      %scatter3A_239 = arith.constant 0 : i32
      %scatter3A_240 = tpu.memref_slice %arg8[%scan3A_68, %scatter3A_238, %scatter3A_239] : memref<2x64x128xf32, #tpu.memory_space<vmem>> -> memref<1x64x128xf32, #tpu.memory_space<vmem>>
      %scatter3A_241 = tpu.memref_squeeze %scatter3A_240 : memref<1x64x128xf32, #tpu.memory_space<vmem>> -> memref<64x128xf32, #tpu.memory_space<vmem>>
      tpu.vector_store_idx %scatter3A_241[%add3A_237, %add3A_121], %gather3A_234 : memref<64x128xf32, #tpu.memory_space<vmem>>[vector<16xi32>, vector<16xi32>], vector<16xf32>,
      %add3A_242 = arith.constant 28 : i32
      %add3A_243 = vector.broadcast %add3A_242 : i32 to vector<16xi32>
      %add3A_244 = arith.addi %add3A_243, %and3A_56 : vector<16xi32>
      %add3A_245 = arith.addi %mul3A_130, %add3A_244 : vector<16xi32>
      %gather3A_246 = arith.constant 0 : i32
      %gather3A_247 = arith.constant 0 : i32
      %gather3A_248 = tpu.memref_slice %arg7[%scan3A_67, %gather3A_246, %gather3A_247] : memref<2x256x128xf32, #tpu.memory_space<vmem>> -> memref<1x256x128xf32, #tpu.memory_space<vmem>>
      %gather3A_249 = tpu.memref_squeeze %gather3A_248 : memref<1x256x128xf32, #tpu.memory_space<vmem>> -> memref<256x128xf32, #tpu.memory_space<vmem>>
      %gather3A_250 = tpu.vector_load_idx %gather3A_249[%add3A_124, %add3A_245] : memref<256x128xf32, #tpu.memory_space<vmem>>[vector<16xi32>, vector<16xi32>], vector<16xf32>,
      %add3A_251 = arith.constant 60 : i32
      %add3A_252 = vector.broadcast %add3A_251 : i32 to vector<16xi32>
      %add3A_253 = arith.addi %add3A_252, %and3A_56 : vector<16xi32>
      %scatter3A_254 = arith.constant 0 : i32
      %scatter3A_255 = arith.constant 0 : i32
      %scatter3A_256 = tpu.memref_slice %arg8[%scan3A_68, %scatter3A_254, %scatter3A_255] : memref<2x64x128xf32, #tpu.memory_space<vmem>> -> memref<1x64x128xf32, #tpu.memory_space<vmem>>
      %scatter3A_257 = tpu.memref_squeeze %scatter3A_256 : memref<1x64x128xf32, #tpu.memory_space<vmem>> -> memref<64x128xf32, #tpu.memory_space<vmem>>
      tpu.vector_store_idx %scatter3A_257[%add3A_253, %add3A_121], %gather3A_250 : memref<64x128xf32, #tpu.memory_space<vmem>>[vector<16xi32>, vector<16xi32>], vector<16xf32>,
    }
    %scan3A_73 = arith.constant 32 : i32
    %dma_start3A_74 = arith.constant 0 : i32
    %dma_start3A_75 = arith.constant 0 : i32
    %dma_start3A_76 = arith.constant 0 : i32
    %dma_start3A_77 = tpu.memref_slice %arg8[%dma_start3A_74, %dma_start3A_75, %dma_start3A_76] : memref<2x64x128xf32, #tpu.memory_space<vmem>> -> memref<1x64x128xf32, #tpu.memory_space<vmem>>
    %dma_start3A_78 = tpu.memref_squeeze %dma_start3A_77 : memref<1x64x128xf32, #tpu.memory_space<vmem>> -> memref<64x128xf32, #tpu.memory_space<vmem>>
    %dma_start3A_79 = arith.constant 1536 : i32
    %dma_start3A_80 = tpu.memref_slice %arg4[%dma_start3A_79, %mul3A_2] : memref<1600x4096xf32, #tpu.memory_space<hbm>> -> memref<64x128xf32, #tpu.memory_space<hbm>>
    %dma_start3A_81 = arith.constant 1536 : i32
    %dma_start3A_82 = tpu.memref_slice %arg4[%dma_start3A_81, %mul3A_2] : memref<1600x4096xf32, #tpu.memory_space<hbm>> -> memref<64x128xf32, #tpu.memory_space<hbm>>
    %dma_start3A_83 = arith.constant 0 : i32
    %dma_start3A_84 = arith.constant 0 : i32
    %dma_start3A_85 = tpu.memref_slice %arg8[%dma_start3A_74, %dma_start3A_83, %dma_start3A_84] : memref<2x64x128xf32, #tpu.memory_space<vmem>> -> memref<1x64x128xf32, #tpu.memory_space<vmem>>
    %dma_start3A_86 = tpu.memref_squeeze %dma_start3A_85 : memref<1x64x128xf32, #tpu.memory_space<vmem>> -> memref<64x128xf32, #tpu.memory_space<vmem>>
    tpu.enqueue_dma source(%dma_start3A_86 : memref<64x128xf32, #tpu.memory_space<vmem>>) target(%dma_start3A_82 : memref<64x128xf32, #tpu.memory_space<hbm>>) target_semaphore(%arg11 : memref<!tpu.dma_semaphore, #tpu.memory_space<semaphore_mem>>)
    %dma_wait3A_87 = arith.constant 0 : i32
    %dma_wait3A_88 = arith.constant 0 : i32
    %dma_wait3A_89 = arith.constant 0 : i32
    %dma_wait3A_90 = tpu.memref_slice %arg8[%dma_wait3A_87, %dma_wait3A_88, %dma_wait3A_89] : memref<2x64x128xf32, #tpu.memory_space<vmem>> -> memref<1x64x128xf32, #tpu.memory_space<vmem>>
    %dma_wait3A_91 = tpu.memref_squeeze %dma_wait3A_90 : memref<1x64x128xf32, #tpu.memory_space<vmem>> -> memref<64x128xf32, #tpu.memory_space<vmem>>
    %dma_wait3A_92 = arith.constant 0 : i32
    %dma_wait3A_93 = tpu.memref_slice %arg4[%dma_wait3A_92, %mul3A_2] : memref<1600x4096xf32, #tpu.memory_space<hbm>> -> memref<64x128xf32, #tpu.memory_space<hbm>>
    %dma_wait3A_94 = arith.constant 0 : i32
    %dma_wait3A_95 = tpu.memref_slice %arg4[%dma_wait3A_94, %mul3A_2] : memref<1600x4096xf32, #tpu.memory_space<hbm>> -> memref<64x128xf32, #tpu.memory_space<hbm>>
    %dma_wait3A_96 = arith.constant 0 : i32
    %dma_wait3A_97 = arith.constant 0 : i32
    %dma_wait3A_98 = tpu.memref_slice %arg8[%dma_wait3A_87, %dma_wait3A_96, %dma_wait3A_97] : memref<2x64x128xf32, #tpu.memory_space<vmem>> -> memref<1x64x128xf32, #tpu.memory_space<vmem>>
    %dma_wait3A_99 = tpu.memref_squeeze %dma_wait3A_98 : memref<1x64x128xf32, #tpu.memory_space<vmem>> -> memref<64x128xf32, #tpu.memory_space<vmem>>
    tpu.wait_dma2 semaphore(%arg11 : memref<!tpu.dma_semaphore, #tpu.memory_space<semaphore_mem>>) src(%dma_wait3A_99 : memref<64x128xf32, #tpu.memory_space<vmem>>) dst(%dma_wait3A_95 : memref<64x128xf32, #tpu.memory_space<hbm>>)
    %dma_wait3A_100 = arith.constant 1 : i32
    %dma_wait3A_101 = arith.constant 0 : i32
    %dma_wait3A_102 = arith.constant 0 : i32
    %dma_wait3A_103 = tpu.memref_slice %arg8[%dma_wait3A_100, %dma_wait3A_101, %dma_wait3A_102] : memref<2x64x128xf32, #tpu.memory_space<vmem>> -> memref<1x64x128xf32, #tpu.memory_space<vmem>>
    %dma_wait3A_104 = tpu.memref_squeeze %dma_wait3A_103 : memref<1x64x128xf32, #tpu.memory_space<vmem>> -> memref<64x128xf32, #tpu.memory_space<vmem>>
    %dma_wait3A_105 = arith.constant 0 : i32
    %dma_wait3A_106 = tpu.memref_slice %arg4[%dma_wait3A_105, %mul3A_2] : memref<1600x4096xf32, #tpu.memory_space<hbm>> -> memref<64x128xf32, #tpu.memory_space<hbm>>
    %dma_wait3A_107 = arith.constant 0 : i32
    %dma_wait3A_108 = tpu.memref_slice %arg4[%dma_wait3A_107, %mul3A_2] : memref<1600x4096xf32, #tpu.memory_space<hbm>> -> memref<64x128xf32, #tpu.memory_space<hbm>>
    %dma_wait3A_109 = arith.constant 0 : i32
    %dma_wait3A_110 = arith.constant 0 : i32
    %dma_wait3A_111 = tpu.memref_slice %arg8[%dma_wait3A_100, %dma_wait3A_109, %dma_wait3A_110] : memref<2x64x128xf32, #tpu.memory_space<vmem>> -> memref<1x64x128xf32, #tpu.memory_space<vmem>>
    %dma_wait3A_112 = tpu.memref_squeeze %dma_wait3A_111 : memref<1x64x128xf32, #tpu.memory_space<vmem>> -> memref<64x128xf32, #tpu.memory_space<vmem>>
    tpu.wait_dma2 semaphore(%arg12 : memref<!tpu.dma_semaphore, #tpu.memory_space<semaphore_mem>>) src(%dma_wait3A_112 : memref<64x128xf32, #tpu.memory_space<vmem>>) dst(%dma_wait3A_108 : memref<64x128xf32, #tpu.memory_space<hbm>>)
    return
  }
}

module attributes {stable_mosaic.version = 14 : i64} {
  func.func @body(%arg0: i32, %arg1: memref<32x8192xf32, #tpu.memory_space<vmem>>, %arg2: memref<32x8192xf32, #tpu.memory_space<vmem>>, %arg3: memref<32x8192xf32, #tpu.memory_space<vmem>>, %arg4: memref<32x8192xf32, #tpu.memory_space<vmem>>, %arg5: memref<8192x128xf32, #tpu.memory_space<vmem>>) attributes {dimension_semantics = [#tpu.dimension_semantics<arbitrary>], iteration_bounds = array<i64: 32>, scalar_prefetch = 0 : i64, scratch_operands = 0 : i64, tpu.core_type = #tpu.core_type<tc>, window_params = [{transform_indices = @transform_0, window_bounds = array<i64: 32, 8192>}, {transform_indices = @transform_1, window_bounds = array<i64: 32, 8192>}, {transform_indices = @transform_2, window_bounds = array<i64: 32, 8192>}, {transform_indices = @transform_3, window_bounds = array<i64: 32, 8192>}, {transform_indices = @transform_4, window_bounds = array<i64: 8192, 128>}]} {
    %get3A = arith.constant 0 : index
    %get3A_0 = arith.constant 0 : index
    %get3A_1 = vector.load %arg1[%get3A, %get3A_0] : memref<32x8192xf32, #tpu.memory_space<vmem>>, vector<32x8192xf32>
    %transpose3A = tpu.transpose %get3A_1, [1, 0] : vector<32x8192xf32> -> vector<8192x32xf32>
    %swap3A = arith.constant 0 : index
    %swap3A_2 = arith.constant 0 : index
    %swap3A_3 = vector.load %arg5[%swap3A, %swap3A_2] : memref<8192x128xf32, #tpu.memory_space<vmem>>, vector<8192x32xf32>
    tpu.vector_store %arg5[%swap3A, %swap3A_2], %transpose3A {strides = array<i32>} : memref<8192x128xf32, #tpu.memory_space<vmem>>, vector<8192x32xf32>,
    %get3A_4 = arith.constant 0 : index
    %get3A_5 = arith.constant 0 : index
    %get3A_6 = vector.load %arg2[%get3A_4, %get3A_5] : memref<32x8192xf32, #tpu.memory_space<vmem>>, vector<32x8192xf32>
    %transpose3A_7 = tpu.transpose %get3A_6, [1, 0] : vector<32x8192xf32> -> vector<8192x32xf32>
    %swap3A_8 = arith.constant 0 : index
    %swap3A_9 = arith.constant 32 : index
    %swap3A_10 = vector.load %arg5[%swap3A_8, %swap3A_9] : memref<8192x128xf32, #tpu.memory_space<vmem>>, vector<8192x32xf32>
    tpu.vector_store %arg5[%swap3A_8, %swap3A_9], %transpose3A_7 {strides = array<i32>} : memref<8192x128xf32, #tpu.memory_space<vmem>>, vector<8192x32xf32>,
    %get3A_11 = arith.constant 0 : index
    %get3A_12 = arith.constant 0 : index
    %get3A_13 = vector.load %arg3[%get3A_11, %get3A_12] : memref<32x8192xf32, #tpu.memory_space<vmem>>, vector<32x8192xf32>
    %transpose3A_14 = tpu.transpose %get3A_13, [1, 0] : vector<32x8192xf32> -> vector<8192x32xf32>
    %swap3A_15 = arith.constant 0 : index
    %swap3A_16 = arith.constant 64 : index
    %swap3A_17 = vector.load %arg5[%swap3A_15, %swap3A_16] : memref<8192x128xf32, #tpu.memory_space<vmem>>, vector<8192x32xf32>
    tpu.vector_store %arg5[%swap3A_15, %swap3A_16], %transpose3A_14 {strides = array<i32>} : memref<8192x128xf32, #tpu.memory_space<vmem>>, vector<8192x32xf32>,
    %get3A_18 = arith.constant 0 : index
    %get3A_19 = arith.constant 0 : index
    %get3A_20 = vector.load %arg4[%get3A_18, %get3A_19] : memref<32x8192xf32, #tpu.memory_space<vmem>>, vector<32x8192xf32>
    %transpose3A_21 = tpu.transpose %get3A_20, [1, 0] : vector<32x8192xf32> -> vector<8192x32xf32>
    %swap3A_22 = arith.constant 0 : index
    %swap3A_23 = arith.constant 96 : index
    %swap3A_24 = vector.load %arg5[%swap3A_22, %swap3A_23] : memref<8192x128xf32, #tpu.memory_space<vmem>>, vector<8192x32xf32>
    tpu.vector_store %arg5[%swap3A_22, %swap3A_23], %transpose3A_21 {strides = array<i32>} : memref<8192x128xf32, #tpu.memory_space<vmem>>, vector<8192x32xf32>,
    return
  }
  func.func @transform_0(%arg0: i32) -> (i32, i32) {
    %add3A = arith.constant 0 : i32
    %add3A_0 = arith.addi %add3A, %arg0 : i32
    %min3A = arith.constant 122 : i32
    %min3A_1 = arith.minsi %add3A_0, %min3A : i32
    %c0_i32 = arith.constant 0 : i32
    %c0_i32_2 = arith.constant 0 : i32
    return %c0_i32, %min3A_1 : i32, i32
  }
  func.func @transform_1(%arg0: i32) -> (i32, i32) {
    %add3A = arith.constant 32 : i32
    %add3A_0 = arith.addi %add3A, %arg0 : i32
    %min3A = arith.constant 122 : i32
    %min3A_1 = arith.minsi %add3A_0, %min3A : i32
    %c0_i32 = arith.constant 0 : i32
    %c0_i32_2 = arith.constant 0 : i32
    return %c0_i32, %min3A_1 : i32, i32
  }
  func.func @transform_2(%arg0: i32) -> (i32, i32) {
    %add3A = arith.constant 64 : i32
    %add3A_0 = arith.addi %add3A, %arg0 : i32
    %min3A = arith.constant 122 : i32
    %min3A_1 = arith.minsi %add3A_0, %min3A : i32
    %c0_i32 = arith.constant 0 : i32
    %c0_i32_2 = arith.constant 0 : i32
    return %c0_i32, %min3A_1 : i32, i32
  }
  func.func @transform_3(%arg0: i32) -> (i32, i32) {
    %add3A = arith.constant 96 : i32
    %add3A_0 = arith.addi %add3A, %arg0 : i32
    %min3A = arith.constant 122 : i32
    %min3A_1 = arith.minsi %add3A_0, %min3A : i32
    %c0_i32 = arith.constant 0 : i32
    %c0_i32_2 = arith.constant 0 : i32
    return %c0_i32, %min3A_1 : i32, i32
  }
  func.func @transform_4(%arg0: i32) -> (i32, i32) {
    %c0_i32 = arith.constant 0 : i32
    %c0_i32_0 = arith.constant 0 : i32
    return %arg0, %c0_i32 : i32, i32
  }
}

</mosaic_0001>

<sc_bundles>
// kernel: kernel.4.cloned.1.call-start
scs
__scs_entry_jumppad:
0x0: {  	(pc) =	sbr.rel $0x88, $3  }
0x1: {  	(tag) =	ssettag $0x0;
	lr =	simm.s32 $0x1  }
0x2: {  	[smem:$0x3F9F] =	sst lr;
	_ =	strace $0xD0000000  }
0x3: {  	_ = 	snop  }
0x4: {  	_ = 	snop  }
0x5: {  	_ = 	snop  }
0x6: {  	_ = 	snop  }
0x7: {  	_ = 	snop  }
__scs_overlays_trampoline_lowered:
0x8: {  	[smem:$0x3FAE] =	sst s0  }
0x9: {  	[smem:$0x3FAF] =	sst s1  }
0xa: {  	[smem:$0x3FB0] =	sst s2  }
0xb: {  	[smem:$0x3FB1] =	sst s3  }
0xc: {  	[smem:$0x3FB2] =	sst s4  }
0xd: {  	[smem:$0x3FB3] =	sst s5  }
0xe: {  	[smem:$0x3FB4] =	sst s6  }
0xf: {  	[smem:$0x3FB5] =	sst s7  }
0x10: {  	[smem:$0x3FB6] =	sst s8  }
0x11: {  	[smem:$0x3FB7] =	sst s9;
	s0 =	simm.s32 @!p0 $0x0  }
0x12: {  	s1 =	sld [smem:$0x3F9D];
	s0 =	simm.s32 @p0 $0x1  }
0x13: {  	[smem:$0x3FB8] =	sst s0;
	s0 =	simm.s32 @!p1 $0x0  }
0x14: {  	s2 =	sld [smem:$0x3F9C];
	s0 =	simm.s32 @p1 $0x1  }
0x15: {  	[smem:$0x3FB9] =	sst s0;
	s0 =	simm.s32 @!p2 $0x0  }
0x16: {  	s3 =	sld [smem:$0x3FDB];
	s0 =	simm.s32 @p2 $0x1  }
0x17: {  	s4 =	simm.s32 $0x1BF5;
	[smem:$0x3FBB] =	sst s0  }
0x18: {  	s0 =	sld [smem:$0x3F9E];
	_ =	swait.ge [sflag:s4], $0x0  }
0x19: {  	s7 =	sld [smem:$0x3F9F]  }
0x1a: {  	s8 =	sadd.s32 $0xFFFFE003, lr  }
0x1b: {  	s9 =	sadd.s32 $0xFFFFFEF7, lr;
	s5 =	simm.s32 $0xFFFFFFFF;
	p2 =	slt.u32 s8, $0xFFFFF086  }
0x1c: {  	p1 =	slt.u32 s9, $0xF7A;
	s5 =	simm.s32 @!p2 $0x0  }
0x1d: {  	s5 =	simm.s32 @p1 $0x1;
	p0 =	seq.s32 s7, s2  }
0x1e: {  	s7 =	smul.u32 @!p0 $0xF7A, s2;
	p2 =	seq.s32 @!p0 s5, $0x0  }
0x1f: {  	s9 =	smul.u32 $0xF7A, s1;
	s8 =	simm.s32 @!p0 $0x1BF5;
	p2 =	por !p2, p0  }
0x20: {  	[sflag:s8] =	ssyncset.s32 @!p0 $0xFFFFF086;
	s6 =	sadd.s32 @!p0 s3, s7;
	s7 =	simm.s32 @!p0 $0x108  }
0x21: {  	s3 =	sadd.s32 s3, s9;
	s6 =	sadd.s32 @!p0 $0x88, s6;
	s7 =	simm.s32 @p2 $0x1082  }
0x22: {  	[simem:s7], [sflag:s8] =	dma.local @!p0 [hbm:s6], $0xF7A  }
0x23: {  	s9 =	sor.u32 $0xD0000000, s2;
	s6 =	simm.s32 $0x108;
	_ =	swait.ge @!p0 [sflag:s8], $0x0  }
0x24: {  	s3 =	sadd.s32 $0x88, s3;
	s6 =	simm.s32 @!p1 $0x1082;
	[sflag:s4] =	ssyncset.s32 $0xFFFFF086  }
0x25: {  	[simem:s6], [sflag:s4] =	dma.local [hbm:s3], $0xF7A  }
0x26: {  	[smem:$0x3F9F] =	sst s1;
	(tag) =	ssettag s2;
	_ =	strace s9  }
0x27: {  	s1 =	sld [smem:$0x3FAF]  }
0x28: {  	s2 =	sld [smem:$0x3FB0]  }
0x29: {  	s4 =	sld [smem:$0x3FB2]  }
0x2a: {  	p0 =	seq.s32 s5, $0x0;
	s5 =	sld [smem:$0x3FB3]  }
0x2b: {  	s6 =	sld [smem:$0x3FB4]  }
0x2c: {  	s7 =	sld [smem:$0x3FB5]  }
0x2d: {  	s3 =	simm.s32 $0x108;
	s8 =	sld [smem:$0x3FB6]  }
0x2e: {  	s3 =	simm.s32 @!p0 $0x1082;
	s9 =	sld [smem:$0x3FB7]  }
0x2f: {  	lr =	sadd.s32 s0, s3;
	s0 =	sld [smem:$0x3FAE]  }
0x30: {  	s3 =	sld [smem:$0x3FB1]  }
0x31: {  	[smem:$0x3FBA] =	sst s10  }
0x32: {  	s10 =	sld [smem:$0x3FB8];
	_ =	sdelay $0x3  }
0x33: {  	p0 =	seq.s32 s10, $0x1;
	s10 =	sld [smem:$0x3FBA];
	_ =	sdelay $0x3  }
0x34: {  	[smem:$0x3FBA] =	sst s10  }
0x35: {  	s10 =	sld [smem:$0x3FB9];
	_ =	sdelay $0x3  }
0x36: {  	p1 =	seq.s32 s10, $0x1;
	s10 =	sld [smem:$0x3FBA];
	_ =	sdelay $0x3  }
0x37: {  	[smem:$0x3FBA] =	sst s10  }
0x38: {  	s10 =	sld [smem:$0x3FBB]  }
0x39: {  	_ = 	snop;
	(pc) =	sbr.ind lr, $3  }
0x3a: {  	_ = 	snop  }
0x3b: {  	_ = 	snop  }
0x3c: {  	p2 =	seq.s32 s10, $0x1;
	s10 =	sld [smem:$0x3FBA]  }
0x3d: {  	_ =	shalt  }
0x3e: {  	_ =	shalt  }
0x3f: {  	_ =	shalt  }
0x40: {  	_ =	shalt  }
0x41: {  	_ =	shalt  }
0x42: {  	_ =	shalt  }
0x43: {  	_ =	shalt  }
0x44: {  	_ =	shalt  }
0x45: {  	_ =	shalt  }
0x46: {  	_ =	shalt  }
0x47: {  	_ =	shalt  }
0x48: {  	_ =	shalt  }
0x49: {  	_ =	shalt  }
0x4a: {  	_ =	shalt  }
0x4b: {  	_ =	shalt  }
0x4c: {  	_ =	shalt  }
0x4d: {  	_ =	shalt  }
0x4e: {  	_ =	shalt  }
0x4f: {  	_ =	shalt  }
0x50: {  	_ =	shalt  }
0x51: {  	_ =	shalt  }
0x52: {  	_ =	shalt  }
0x53: {  	_ =	shalt  }
0x54: {  	_ =	shalt  }
0x55: {  	_ =	shalt  }
0x56: {  	_ =	shalt  }
0x57: {  	_ =	shalt  }
0x58: {  	_ =	shalt  }
0x59: {  	_ =	shalt  }
0x5a: {  	_ =	shalt  }
0x5b: {  	_ =	shalt  }
0x5c: {  	_ =	shalt  }
0x5d: {  	_ =	shalt  }
0x5e: {  	_ =	shalt  }
0x5f: {  	_ =	shalt  }
0x60: {  	_ =	shalt  }
0x61: {  	_ =	shalt  }
0x62: {  	_ =	shalt  }
0x63: {  	_ =	shalt  }
0x64: {  	_ =	shalt  }
0x65: {  	_ =	shalt  }
0x66: {  	_ =	shalt  }
0x67: {  	_ =	shalt  }
0x68: {  	_ =	shalt  }
0x69: {  	_ =	shalt  }
0x6a: {  	_ =	shalt  }
0x6b: {  	_ =	shalt  }
0x6c: {  	_ =	shalt  }
0x6d: {  	_ =	shalt  }
0x6e: {  	_ =	shalt  }
0x6f: {  	_ =	shalt  }
0x70: {  	_ =	shalt  }
0x71: {  	_ =	shalt  }
0x72: {  	_ =	shalt  }
0x73: {  	_ =	shalt  }
0x74: {  	_ =	shalt  }
0x75: {  	_ =	shalt  }
0x76: {  	_ =	shalt  }
0x77: {  	_ =	shalt  }
0x78: {  	_ =	shalt  }
0x79: {  	_ =	shalt  }
0x7a: {  	_ =	shalt  }
0x7b: {  	_ =	shalt  }
0x7c: {  	_ =	shalt  }
0x7d: {  	_ =	shalt  }
0x7e: {  	_ =	shalt  }
0x7f: {  	_ =	shalt  }
0x80: {  	_ =	shalt  }
0x81: {  	_ =	shalt  }
0x82: {  	_ =	shalt  }
0x83: {  	_ =	shalt  }
0x84: {  	_ =	shalt  }
0x85: {  	_ =	shalt  }
0x86: {  	_ =	shalt  }
0x87: {  	_ =	shalt  }
.Lfunc_end0:
.L_simem_size_0:
called_computation_lowered:
.L_overlay_start_0:
0x88: {  	s2 =	sld [smem:$0x3FD9]  }
0x89: {  	s3 =	sld [smem:$0x3FFE];
	_ =	sdelay $0x1  }
0x8a: {  	s1 =	srdreg.scid  }
0x8b: {  	s0 =	sand.u32 $0x1, s1  }
0x8c: {  	s17 =	sshll.u32 s0, $0xA;
	s2 =	sadd.s32 s3, s2  }
0x8d: {  	s2 =	sadd.s32 s2, s17  }
0x8e: {  	[smem:$0x3FC6] =	sst s2  }
0x8f: {  	_ = 	snop  }
0x90: {  	s2 =	sld [smem:$0x3FC9]  }
0x91: {  	s18 =	sld [smem:$0x3FD0];
	(tm) =	ssettm $0x1  }
0x92: {  	s4 =	sld [smem:$0x3FFB];
	_ =	sdelay $0x3  }
0x93: {  	_ =	strace s4  }
0x94: {  	s4 =	sld [smem:$0x3FFC];
	_ =	sdelay $0x3  }
0x95: {  	_ =	strace s4  }
0x96: {  	s4 =	sld [smem:$0x3FFD];
	_ =	sdelay $0x3  }
0x97: {  	_ =	strace s4  }
0x98: {  	_ =	strace $0x8FFFFFFF  }
0x99: {  	s19 =	sld [smem:$0x3FDB];
	_ =	sdelay $0x1  }
0x9a: {  	s5 =	simm.s32 $_scs_section_size  }
0x9b: {  	s6 =	simm.s32 $_size__tile_overlayer_lowered;
	s7 =	simm.s32 $_tile_overlayer_lowered  }
0x9c: {  	s22 =	simm.s32 $0x1BFF;
	s21 =	sshll.u32 s7, $0x1;
	s4 =	sadd.s32 s5, s19  }
0x9d: {  	s8 =	simm.s32 $0x0;
	s20 =	sshll.u32 s6, $0x1;
	s6 =	sadd.s32 s21, s4  }
0x9e: {  	[timem:s8], [sflag:s22] =	dma.local [hbm:s6], s20  }
0x9f: {  	_ =	swait.ge [sflag:s22], s20  }
0xa0: {  	s5 =	ssub.s32 $0x0, s20;
	[sflag:s22] =	ssyncset.done $0x0  }
0xa1: {  	[sflag:s22] =	ssyncadd.s32 s5;
	_ =	sdelay $0x1  }
0xa2: {  	s23 =	simm.s32 $0x1B8B  }
0xa3: {  	_ =	swait.ge [sflag:s23], $0x1  }
0xa4: {  	[sflag:s23] =	ssyncset.done $0x0  }
0xa5: {  	s25 =	simm.s32 $0x1B8E;
	s24 =	sld [smem:$0x3FFE];
	[sflag:s23] =	ssyncadd.s32 $0xFFFFFFFF  }
0xa6: {  	s26 =	simm.s32 $execute0_lowered;
	[smem:$0x3FD2] =	sst s25  }
0xa7: {  	s6 =	sshll.u32 s26, $0x1;
	_ =	strace $0x80000046;
	[dreg:$0x1] =	wrdreg $0xFFFFFFFF  }
0xa8: {  	s28 =	simm.s32 $_size_execute0_lowered;
	s4 =	sadd.s32 s4, s6;
	[dreg:$0x0] =	wrdreg $0x0  }
0xa9: {  	s6 =	sshll.u32 s28, $0x1;
	[dreg:$0x2] =	wrdreg s4  }
0xaa: {  	[dreg:$0x3] =	wrdreg s6  }
0xab: {  	[dreg:$0x4] =	wrdreg $0xC0  }
0xac: {  	_ =	task [dreg:s8], $0x5FFFF  }
0xad: {  	[dreg:$0x1] =	wrdreg $0xFFFFFFFF  }
0xae: {  	[dreg:$0x0] =	wrdreg $0x60  }
0xaf: {  	[dreg:$0x2] =	wrdreg s2  }
0xb0: {  	[dreg:$0x3] =	wrdreg s24  }
0xb1: {  	[dreg:$0x4] =	wrdreg s18  }
0xb2: {  	[dreg:$0x5] =	wrdreg $0x9  }
0xb3: {  	_ =	task.clear_ibuf [dreg:s8], $0x6FFFF;
	_ =	strace $0x90000046  }
0xb4: {  	s29 =	simm.s32 $0x9;
	_ =	strace $0x80000048  }
0xb5: {  	_ =	swait.ge [sflag:s29], $0x1  }
0xb6: {  	[sflag:s29] =	ssyncadd.s32 $0xFFFFFFFF  }
0xb7: {  	_ =	strace $0x90000048  }
0xb8: {  	_ =	sfence  }
0xb9: {  	s30 =	sld [smem:$0x0];
	_ =	sdelay $0x2  }
0xba: {  	s31 =	sshll.u32 s1, $0xD;
	s1 =	sshrl.u32 s1, $0x2  }
0xbb: {  	s3 =	sand.u32 $0x4000, s31;
	s1 =	sadd.s32 s1, s30  }
0xbc: {  	s0 =	sor.u32 s3, s0;
	s1 =	sshll.u32 s1, $0x11  }
0xbd: {  	s0 =	sor.u32 s1, s0  }
0xbe: {  	s0 =	sadd.s32 $0x8F2B, s0  }
0xbf: {  	[sflag:s0] =	ssyncadd.remote.s32 $0x1  }
0xc0: {  	_ =	sfence.sel $0xFFFF  }
0xc1: {  	[dreg:$0x0] =	wrdreg $0xFFFFFFFF;
	(pc) =	sbr.abs _section_cstart, $3  }
0xc2: {  	[dreg:$0x1] =	wrdreg $0xFFFFFFFF  }
0xc3: {  	_ =	task.clear_ibuf [dreg:s8], $0x2FFFF;
	_ =	strace $0x9FFFFFFF  }
0xc4: {  	(tm) =	ssettm $0x7FFFFFFF  }
0xc5: {  	_ =	shalt  }
tec
execute0_lowered:
.L_overlay_start_1:
0x0: {  	(tag) =	ssettag $0x1  }
0x1: {  	v0 =	vimm.s32 $0x183;
	vm14 =	vcmask $0x300;
	vm13 =	vcmask $0x704  }
0x2: {  	vm12 =	vcmask $0xB08;
	vm11 =	vcmask $0xF0C;
	vm10 =	vcmask $0x1310  }
0x3: {  	vm9 =	vcmask $0x1714;
	vm8 =	vcmask $0x1B18;
	vm7 =	vcmask $0x1F1C  }
0x4: {  	vm6 =	vcmask $0x2320;
	vm5 =	vcmask $0x2724;
	vm4 =	vcmask $0x2B28  }
0x5: {  	vm3 =	vcmask $0x2F2C;
	vm2 =	vcmask $0x3330;
	vm0 =	vcmask $0x3734  }
0x6: {  	vm1 =	vcmask $0x3B38;
	v5 =	vimm.s32 $0x383;
	v6 =	vimm.s32 $0x583  }
0x7: {  	v7 =	vimm.s32 $0x783;
	v11 =	vimm.s32 $0x983;
	v12 =	vimm.s32 $0xB83  }
0x8: {  	v13 =	vimm.s32 $0xD83;
	v17 =	vimm.s32 $0xF83;
	v18 =	vimm.s32 $0x1183  }
0x9: {  	v19 =	vimm.s32 $0x1383;
	v22 =	vimm.s32 $0x1783;
	v23 =	vimm.s32 $0x1983  }
0xa: {  	v24 =	vimm.s32 $0x1B83;
	v25 =	vimm.s32 $0x1D83;
	v26 =	vimm.s32 $0x1F83  }
0xb: {  	v0 =	vsel vm14, $0x0, v0;
	v5 =	vsel vm14, $0x200, v5;
	v6 =	vsel vm14, $0x400, v6  }
0xc: {  	v7 =	vsel vm14, $0x600, v7;
	v11 =	vsel vm14, $0x800, v11;
	v12 =	vsel vm14, $0xA00, v12  }
0xd: {  	v13 =	vsel vm14, $0xC00, v13;
	v17 =	vsel vm14, $0xE00, v17;
	v18 =	vsel vm14, $0x1000, v18  }
0xe: {  	v19 =	vsel vm14, $0x1200, v19;
	v22 =	vsel vm14, $0x1600, v22;
	v23 =	vsel vm14, $0x1800, v23  }
0xf: {  	v24 =	vsel vm14, $0x1A00, v24;
	v25 =	vsel vm14, $0x1C00, v25;
	v26 =	vsel vm14, $0x1E00, v26  }
0x10: {  	v0 =	vsel vm13, $0x80, v0;
	v5 =	vsel vm13, $0x280, v5;
	v6 =	vsel vm13, $0x480, v6  }
0x11: {  	v7 =	vsel vm13, $0x680, v7;
	v11 =	vsel vm13, $0x880, v11;
	v12 =	vsel vm13, $0xA80, v12  }
0x12: {  	v13 =	vsel vm13, $0xC80, v13;
	v17 =	vsel vm13, $0xE80, v17;
	v18 =	vsel vm13, $0x1080, v18  }
0x13: {  	v19 =	vsel vm13, $0x1280, v19;
	v22 =	vsel vm13, $0x1680, v22;
	v23 =	vsel vm13, $0x1880, v23  }
0x14: {  	v24 =	vsel vm13, $0x1A80, v24;
	v25 =	vsel vm13, $0x1C80, v25;
	v26 =	vsel vm13, $0x1E80, v26  }
0x15: {  	v0 =	vsel vm12, $0x100, v0;
	v5 =	vsel vm12, $0x300, v5;
	v6 =	vsel vm12, $0x500, v6  }
0x16: {  	v7 =	vsel vm12, $0x700, v7;
	v11 =	vsel vm12, $0x900, v11;
	v12 =	vsel vm12, $0xB00, v12  }
0x17: {  	v13 =	vsel vm12, $0xD00, v13;
	v17 =	vsel vm12, $0xF00, v17;
	v18 =	vsel vm12, $0x1100, v18  }
0x18: {  	v19 =	vsel vm12, $0x1300, v19;
	v22 =	vsel vm12, $0x1700, v22;
	v23 =	vsel vm12, $0x1900, v23  }
0x19: {  	v24 =	vsel vm12, $0x1B00, v24;
	v25 =	vsel vm12, $0x1D00, v25;
	v26 =	vsel vm12, $0x1F00, v26  }
0x1a: {  	v0 =	vsel vm11, $0x180, v0;
	v5 =	vsel vm11, $0x380, v5;
	v6 =	vsel vm11, $0x580, v6  }
0x1b: {  	v7 =	vsel vm11, $0x780, v7;
	v11 =	vsel vm11, $0x980, v11;
	v12 =	vsel vm11, $0xB80, v12  }
0x1c: {  	v13 =	vsel vm11, $0xD80, v13;
	v17 =	vsel vm11, $0xF80, v17;
	v18 =	vsel vm11, $0x1180, v18  }
0x1d: {  	v19 =	vsel vm11, $0x1380, v19;
	v22 =	vsel vm11, $0x1780, v22;
	v23 =	vsel vm11, $0x1980, v23  }
0x1e: {  	v24 =	vsel vm11, $0x1B80, v24;
	v25 =	vsel vm11, $0x1D80, v25;
	v26 =	vsel vm11, $0x1F80, v26  }
0x1f: {  	v0 =	vsel vm10, $0x1, v0;
	v5 =	vsel vm10, $0x201, v5;
	v6 =	vsel vm10, $0x401, v6  }
0x20: {  	v7 =	vsel vm10, $0x601, v7;
	v11 =	vsel vm10, $0x801, v11;
	v12 =	vsel vm10, $0xA01, v12  }
0x21: {  	v13 =	vsel vm10, $0xC01, v13;
	v17 =	vsel vm10, $0xE01, v17;
	v18 =	vsel vm10, $0x1001, v18  }
0x22: {  	v19 =	vsel vm10, $0x1201, v19;
	v22 =	vsel vm10, $0x1601, v22;
	v23 =	vsel vm10, $0x1801, v23  }
0x23: {  	v24 =	vsel vm10, $0x1A01, v24;
	v25 =	vsel vm10, $0x1C01, v25;
	v26 =	vsel vm10, $0x1E01, v26  }
0x24: {  	v0 =	vsel vm9, $0x81, v0;
	v5 =	vsel vm9, $0x281, v5;
	v6 =	vsel vm9, $0x481, v6  }
0x25: {  	v7 =	vsel vm9, $0x681, v7;
	v11 =	vsel vm9, $0x881, v11;
	v12 =	vsel vm9, $0xA81, v12  }
0x26: {  	v13 =	vsel vm9, $0xC81, v13;
	v17 =	vsel vm9, $0xE81, v17;
	v18 =	vsel vm9, $0x1081, v18  }
0x27: {  	v19 =	vsel vm9, $0x1281, v19;
	v22 =	vsel vm9, $0x1681, v22;
	v23 =	vsel vm9, $0x1881, v23  }
0x28: {  	v24 =	vsel vm9, $0x1A81, v24;
	v25 =	vsel vm9, $0x1C81, v25;
	v26 =	vsel vm9, $0x1E81, v26  }
0x29: {  	v0 =	vsel vm8, $0x101, v0;
	v5 =	vsel vm8, $0x301, v5;
	v6 =	vsel vm8, $0x501, v6  }
0x2a: {  	v7 =	vsel vm8, $0x701, v7;
	v11 =	vsel vm8, $0x901, v11;
	v12 =	vsel vm8, $0xB01, v12  }
0x2b: {  	v13 =	vsel vm8, $0xD01, v13;
	v17 =	vsel vm8, $0xF01, v17;
	v18 =	vsel vm8, $0x1101, v18  }
0x2c: {  	v19 =	vsel vm8, $0x1301, v19;
	v22 =	vsel vm8, $0x1701, v22;
	v23 =	vsel vm8, $0x1901, v23  }
0x2d: {  	v24 =	vsel vm8, $0x1B01, v24;
	v25 =	vsel vm8, $0x1D01, v25;
	v26 =	vsel vm8, $0x1F01, v26  }
0x2e: {  	v0 =	vsel vm7, $0x181, v0;
	v5 =	vsel vm7, $0x381, v5;
	v6 =	vsel vm7, $0x581, v6  }
0x2f: {  	v7 =	vsel vm7, $0x781, v7;
	v11 =	vsel vm7, $0x981, v11;
	v12 =	vsel vm7, $0xB81, v12  }
0x30: {  	v13 =	vsel vm7, $0xD81, v13;
	v17 =	vsel vm7, $0xF81, v17;
	v18 =	vsel vm7, $0x1181, v18  }
0x31: {  	v19 =	vsel vm7, $0x1381, v19;
	v22 =	vsel vm7, $0x1781, v22;
	v23 =	vsel vm7, $0x1981, v23  }
0x32: {  	v24 =	vsel vm7, $0x1B81, v24;
	v25 =	vsel vm7, $0x1D81, v25;
	v26 =	vsel vm7, $0x1F81, v26  }
0x33: {  	v0 =	vsel vm6, $0x2, v0;
	v5 =	vsel vm6, $0x202, v5;
	v6 =	vsel vm6, $0x402, v6  }
0x34: {  	v7 =	vsel vm6, $0x602, v7;
	v11 =	vsel vm6, $0x802, v11;
	v12 =	vsel vm6, $0xA02, v12  }
0x35: {  	v13 =	vsel vm6, $0xC02, v13;
	v17 =	vsel vm6, $0xE02, v17;
	v18 =	vsel vm6, $0x1002, v18  }
0x36: {  	v19 =	vsel vm6, $0x1202, v19;
	v22 =	vsel vm6, $0x1602, v22;
	v23 =	vsel vm6, $0x1802, v23  }
0x37: {  	v24 =	vsel vm6, $0x1A02, v24;
	v25 =	vsel vm6, $0x1C02, v25;
	v26 =	vsel vm6, $0x1E02, v26  }
0x38: {  	v0 =	vsel vm5, $0x82, v0;
	v5 =	vsel vm5, $0x282, v5;
	v6 =	vsel vm5, $0x482, v6  }
0x39: {  	v7 =	vsel vm5, $0x682, v7;
	v11 =	vsel vm5, $0x882, v11;
	v12 =	vsel vm5, $0xA82, v12  }
0x3a: {  	v13 =	vsel vm5, $0xC82, v13;
	v17 =	vsel vm5, $0xE82, v17;
	v18 =	vsel vm5, $0x1082, v18  }
0x3b: {  	v19 =	vsel vm5, $0x1282, v19;
	v22 =	vsel vm5, $0x1682, v22;
	v23 =	vsel vm5, $0x1882, v23  }
0x3c: {  	v24 =	vsel vm5, $0x1A82, v24;
	v25 =	vsel vm5, $0x1C82, v25;
	v26 =	vsel vm5, $0x1E82, v26  }
0x3d: {  	v1 =	vsel vm4, $0x102, v0;
	v0 =	vlaneseq.u32;
	v5 =	vsel vm4, $0x302, v5  }
0x3e: {  	v6 =	vsel vm4, $0x502, v6;
	v7 =	vsel vm4, $0x702, v7;
	v11 =	vsel vm4, $0x902, v11  }
0x3f: {  	v12 =	vsel vm4, $0xB02, v12;
	v13 =	vsel vm4, $0xD02, v13;
	v17 =	vsel vm4, $0xF02, v17  }
0x40: {  	v18 =	vsel vm4, $0x1102, v18;
	v19 =	vsel vm4, $0x1302, v19;
	v22 =	vsel vm4, $0x1702, v22  }
0x41: {  	v23 =	vsel vm4, $0x1902, v23;
	v24 =	vsel vm4, $0x1B02, v24;
	v25 =	vsel vm4, $0x1D02, v25  }
0x42: {  	v26 =	vsel vm4, $0x1F02, v26;
	v2 =	vsel vm3, $0x182, v1;
	v1 =	vshrl.u32 v0, $0x2  }
0x43: {  	v14 =	vand.u32 $0x3, v0;
	v5 =	vsel vm3, $0x382, v5;
	v6 =	vsel vm3, $0x582, v6  }
0x44: {  	v7 =	vsel vm3, $0x782, v7;
	v10 =	vor.u32 $0x10, v0;
	v11 =	vsel vm3, $0x982, v11  }
0x45: {  	v12 =	vsel vm3, $0xB82, v12;
	v13 =	vsel vm3, $0xD82, v13;
	v17 =	vsel vm3, $0xF82, v17  }
0x46: {  	v18 =	vsel vm3, $0x1182, v18;
	v19 =	vsel vm3, $0x1382, v19;
	v22 =	vsel vm3, $0x1782, v22  }
0x47: {  	v23 =	vsel vm3, $0x1982, v23;
	v24 =	vsel vm3, $0x1B82, v24;
	v25 =	vsel vm3, $0x1D82, v25  }
0x48: {  	v26 =	vsel vm3, $0x1F82, v26;
	v3 =	vsel vm2, $0x3, v2;
	v2 =	vmul.u32 $0x80, v1  }
0x49: {  	v4 =	vor.u32 $0x4, v14;
	v5 =	vsel vm2, $0x203, v5;
	v6 =	vsel vm2, $0x403, v6  }
0x4a: {  	v9 =	vsel vm2, $0x603, v7;
	v11 =	vsel vm2, $0x803, v11;
	v12 =	vsel vm2, $0xA03, v12  }
0x4b: {  	v16 =	vsel vm2, $0xC03, v13;
	v17 =	vsel vm2, $0xE03, v17;
	v18 =	vsel vm2, $0x1003, v18  }
0x4c: {  	v21 =	vsel vm2, $0x1203, v19;
	v22 =	vsel vm2, $0x1603, v22;
	v23 =	vsel vm2, $0x1803, v23  }
0x4d: {  	v24 =	vsel vm2, $0x1A03, v24;
	v25 =	vsel vm2, $0x1C03, v25;
	v26 =	vsel vm2, $0x1E03, v26  }
0x4e: {  	v27 =	vor.u32 $0x1800, v1;
	v28 =	vor.u32 $0x1880, v1;
	v3 =	vsel vm0, $0x83, v3  }
0x4f: {  	v5 =	vsel vm0, $0x283, v5;
	v8 =	vsel vm0, $0x483, v6;
	v20 =	vsel vm0, $0x1083, v18  }
0x50: {  	v19 =	vsel vm1, $0x1103, v20;
	v20 =	vsel vm0, $0x1283, v21;
	v21 =	vimm.s32 $0x1583  }
0x51: {  	v6 =	vor.u32 $0x8, v14;
	v9 =	vsel vm0, $0x683, v9;
	v21 =	vsel vm14, $0x1400, v21  }
0x52: {  	s0 =	rddreg [dreg:$0x0];
	v11 =	vsel vm0, $0x883, v11;
	v15 =	vsel vm0, $0xA83, v12;
	v21 =	vsel vm13, $0x1480, v21  }
0x53: {  	s2 =	rddreg [dreg:$0x1];
	v12 =	vor.u32 $0x14, v14;
	v17 =	vsel vm0, $0xE83, v17;
	v21 =	vsel vm12, $0x1500, v21  }
0x54: {  	s1 =	rddreg [dreg:$0x2];
	v22 =	vsel vm0, $0x1683, v22;
	v23 =	vsel vm0, $0x1883, v23;
	v21 =	vsel vm11, $0x1580, v21  }
0x55: {  	s3 =	srdreg.scid;
	s4 =	stileid.u32;
	s10 =	simm.s32 $0x400;
	v24 =	vsel vm0, $0x1A83, v24;
	v25 =	vsel vm0, $0x1C83, v25;
	v21 =	vsel vm10, $0x1401, v21  }
0x56: {  	s11 =	simm.s32 $0x8000;
	s13 =	simm.s32 $0x5;
	s14 =	simm.s32 $0x100;
	v26 =	vsel vm0, $0x1E83, v26;
	v3 =	vsel vm1, $0x103, v3;
	v21 =	vsel vm9, $0x1481, v21  }
0x57: {  	s16 =	simm.s32 $0x3500;
	s17 =	simm.s32 $0x1D00;
	s18 =	simm.s32 $0xB500;
	v5 =	vsel vm1, $0x303, v5;
	v7 =	vsel vm1, $0x503, v8;
	v21 =	vsel vm8, $0x1501, v21  }
0x58: {  	s19 =	simm.s32 $0x1;
	s20 =	simm.s32 $0x13500;
	s21 =	simm.s32 $0x2;
	v8 =	vor.u32 $0xC, v14;
	v9 =	vsel vm1, $0x703, v9;
	v21 =	vsel vm7, $0x1581, v21  }
0x59: {  	s22 =	simm.s32 $0x15500;
	s23 =	simm.s32 $0x3;
	s24 =	simm.s32 $0x4;
	v11 =	vsel vm1, $0x903, v11;
	v13 =	vsel vm1, $0xB03, v15;
	v21 =	vsel vm6, $0x1402, v21  }
0x5a: {  	s25 =	simm.s32 $0x0;
	s5 =	sand.u32 $0x1, s3;
	s3 =	simm.s32 $0x0;
	v15 =	vsel vm0, $0xC83, v16;
	v14 =	vor.u32 $0x18, v14;
	v21 =	vsel vm5, $0x1482, v21  }
0x5b: {  	s4 =	sshll.u32 s4, $0xB;
	s6 =	sshll.u32 s5, $0xA;
	[smem:$0x7FF] =	sst s3;
	v16 =	vor.u32 $0x1C, v0;
	v17 =	vsel vm1, $0xF03, v17;
	v21 =	vsel vm4, $0x1502, v21  }
0x5c: {  	s7 =	ssub.s32 $0x2, s5;
	s5 =	sadd.s32 $0x400, s2;
	s4 =	sor.u32 s6, s4;
	v18 =	vor.u32 $0x4000, v2;
	v22 =	vsel vm1, $0x1703, v22;
	v21 =	vsel vm3, $0x1582, v21  }
0x5d: {  	_ =	strace $0x80000047;
	s29 =	sshrl.u32 s7, $0x1;
	s8 =	sshrl.u32 s4, $0x3;
	v23 =	vsel vm1, $0x1903, v23;
	v24 =	vsel vm1, $0x1B03, v24;
	v21 =	vsel vm2, $0x1403, v21  }
0x5e: {  	s30 =	ssub.s32 s7, s29;
	s6 =	sadd.s32 s0, s8;
	s31 =	sadd.s32 s8, s1;
	v25 =	vsel vm1, $0x1D03, v25;
	v26 =	vsel vm1, $0x1F03, v26;
	v21 =	vsel vm0, $0x1483, v21  }
0x5f: {  	s9 =	smax.u32 s30, $0x1;
	s7 =	sadd.s32 $0x6000, s6;
	s8 =	sadd.s32 $0xC0000, s31;
	v15 =	vsel vm1, $0xD03, v15;
	v20 =	vsel vm1, $0x1303, v20;
	v21 =	vsel vm1, $0x1503, v21  }
.LBB2_1:
0x60: {  	[tilespmem:s3], [sflag:$0x5] =	stream.strided.gather [hbm4b:s6+s10], $0x1800, s11, s10, $0x38;
	[tilespmem:$0x17500] =	vst v63  }
0x61: {  	s0 =	simm.s32 $0x1800  }
0x62: {  	[tilespmem:s0], [sflag:$0x5] =	stream.linear.gather [hbm4b:s7+s3], $0x100, $0x38;
	[tilespmem:$0x17500] =	vst v63  }
0x63: {  	_ =	swait.ge [sflag:s13], $0x1900  }
0x64: {  	[sflag:s13] =	ssyncset.done $0x0  }
0x65: {  	s2 =	simm.s32 $0x0;
	[sflag:s13] =	ssyncadd.s32 $0xFFFFE700  }
0x66: {  	v30 =	vld [tilespmem:s2+$0x70]  }
0x67: {  	v33 =	vld [tilespmem:s2+$0x0]  }
0x68: {  	v34 =	vld [tilespmem:s2+$0x10]  }
0x69: {  	v32 =	vld [tilespmem:s2+$0x20]  }
0x6a: {  	v31 =	vld [tilespmem:s2+$0x30]  }
0x6b: {  	v29 =	vld [tilespmem:s2+$0x40];
	v35 =	vand.u32 $0x3FFFF, v30  }
0x6c: {  	v30 =	vld [tilespmem:s2+$0x50];
	v33 =	vand.u32 $0x3FFFF, v33;
	[tilespmem:s2+$0x1C70] =	vst v35  }
0x6d: {  	s12 =	simm.s32 $0x400;
	s0 =	simm.s32 $0x80;
	v34 =	vand.u32 $0x3FFFF, v34;
	[tilespmem:s2+$0x1C00] =	vst v33;
	v33 =	vld [tilespmem:s2+$0x60]  }
.LBB2_2:
0x6e: {  	p0 =	sne.s32 s12, $0x6200;
	v35 =	vld [tilespmem:s0+$0x70];
	[tilespmem:s2+$0x1C10] =	vst v34;
	v32 =	vand.u32 $0x3FFFF, v32  }
0x6f: {  	v34 =	vld [tilespmem:s0+$0x0];
	[tilespmem:s2+$0x1C20] =	vst v32;
	v31 =	vand.u32 $0x3FFFF, v31  }
0x70: {  	v36 =	vld [tilespmem:s0+$0x10];
	[tilespmem:s2+$0x1C30] =	vst v31;
	v29 =	vand.u32 $0x3FFFF, v29  }
.Ltmp0:
0x71: {  	v32 =	vld [tilespmem:s0+$0x20];
	[tilespmem:s2+$0x1C40] =	vst v29;
	v29 =	vand.u32 $0x3FFFF, v30;
	(pc) =	sbr.rel @p0 .LBB2_2-.Ltmp0, $4  }
0x72: {  	v31 =	vld [tilespmem:s0+$0x30];
	[tilespmem:s2+$0x1C50] =	vst v29;
	v30 =	vand.u32 $0x3FFFF, v33  }
0x73: {  	v29 =	vld [tilespmem:s0+$0x40];
	v33 =	vand.u32 $0x3FFFF, v35;
	[tilespmem:s2+$0x1C60] =	vst v30;
	s2 =	smov.u32 s0  }
0x74: {  	v34 =	vand.u32 $0x3FFFF, v34;
	v30 =	vld [tilespmem:s2+$0x50];
	[tilespmem:s2+$0x1C70] =	vst v33  }
0x75: {  	s0 =	sshra.s32 s12, $0x2;
	s12 =	sadd.s32 $0x200, s12;
	[tilespmem:s2+$0x1C00] =	vst v34;
	v34 =	vand.u32 $0x3FFFF, v36;
	v33 =	vld [tilespmem:s2+$0x60]  }
0x76: {  	v35 =	vld [tilespmem:s0+$0x70];
	[tilespmem:s2+$0x1C10] =	vst v34;
	v32 =	vand.u32 $0x3FFFF, v32  }
0x77: {  	v34 =	vld [tilespmem:s0+$0x0];
	[tilespmem:s2+$0x1C20] =	vst v32;
	v31 =	vand.u32 $0x3FFFF, v31  }
0x78: {  	v32 =	vld [tilespmem:s0+$0x10];
	[tilespmem:s2+$0x1C30] =	vst v31;
	v29 =	vand.u32 $0x3FFFF, v29  }
0x79: {  	v31 =	vld [tilespmem:s0+$0x20];
	[tilespmem:s2+$0x1C40] =	vst v29;
	v29 =	vand.u32 $0x3FFFF, v30  }
0x7a: {  	v30 =	vld [tilespmem:s0+$0x30];
	[tilespmem:s2+$0x1C50] =	vst v29;
	v29 =	vand.u32 $0x3FFFF, v33  }
0x7b: {  	v61 =	vld [tilespmem:s0+$0x40];
	[tilespmem:s2+$0x1C60] =	vst v29;
	v29 =	vand.u32 $0x3FFFF, v35  }
0x7c: {  	v62 =	vld [tilespmem:s0+$0x50];
	v34 =	vand.u32 $0x3FFFF, v34;
	[tilespmem:s0+$0x1C70] =	vst v29  }
0x7d: {  	v63 =	vld [tilespmem:s0+$0x60];
	[tilespmem:s0+$0x1C00] =	vst v34;
	v29 =	vand.u32 $0x3FFFF, v32  }
0x7e: {  	[tilespmem:s0+$0x1C10] =	vst v29;
	v29 =	vand.u32 $0x3FFFF, v31  }
0x7f: {  	[tilespmem:s0+$0x1C20] =	vst v29;
	v29 =	vand.u32 $0x3FFFF, v30  }
0x80: {  	[tilespmem:s0+$0x1C30] =	vst v29;
	v29 =	vand.u32 $0x3FFFF, v61  }
0x81: {  	[tilespmem:s0+$0x1C40] =	vst v29;
	v29 =	vand.u32 $0x3FFFF, v62  }
0x82: {  	[tilespmem:s0+$0x1C50] =	vst v29;
	v29 =	vand.u32 $0x3FFFF, v63  }
0x83: {  	s31 =	simm.s32 $0x1C00;
	[tilespmem:s0+$0x1C60] =	vst v29  }
0x84: {  	[tilespmem:s16], [sflag:$0x1] =	stream.indirect.gather [hbm4b:s5+s14], $0x80, s31, s14, $0xb8;
	[tilespmem:$0x17500] =	vst v63  }
0x85: {  	s26 =	simm.s32 $0x0;
	s28 =	simm.s32 $0x0  }
0x86: {  	[tilespmem:s18], [sflag:$0x2] =	stream.indirect.gather [hbm4b:s5+s14], $0x80, s17, s14, $0xb8;
	[tilespmem:$0x17500] =	vst v63  }
.LBB2_4:
0x87: {  	s29 =	sshll.u32 s28, $0x9  }
0x88: {  	_ =	swait.ge [sflag:s19], $0x8000;
	v29 =	vor.u32 s29, v1  }
0x89: {  	p0 =	seq.s32 s28, $0x0;
	[sflag:s19] =	ssyncset.done $0x0;
	v30 =	vor.u32 s26, v29  }
0x8a: {  	s0 =	simm.s32 @!p0 $0x3;
	[sflag:s19] =	ssyncadd.s32 $0xFFFF8000  }
0x8b: {  	_ =	swait.ge @!p0 [sflag:s0], $0x2000  }
0x8c: {  	[sflag:s0] =	ssyncset.done @!p0 $0x0  }
0x8d: {  	[sflag:s0] =	ssyncadd.s32 @!p0 $0xFFFFE000  }
0x8e: {  	v30 =	vld.idx.msk [tilespmem:v30+s3+$0x0], $0xffff;
	_ =	sdelay $0x4  }
0x8f: {  	v31 =	vmov s26;
	v30 =	vshra.s32 v30, $0xD  }
0x90: {  	v31 =	vshll.u32 v31, $0x7;
	v32 =	vand.u32 $0xFFFFFFE0, v30  }
0x91: {  	v31 =	vor.u32 v2, v31;
	v30 =	vand.u32 $0xFFFFFF80, v30;
	v33 =	vor.u32 v0, v32  }
0x92: {  	v30 =	vadd.s32 v31, v30;
	v33 =	vand.u32 $0x63, v33  }
0x93: {  	v31 =	vor.u32 v30, v33;
	_ =	sdelay $0x3  }
0x94: {  	v51 =	vor.u32 v4, v32  }
0x95: {  	v34 =	vor.u32 s26, v3;
	v33 =	vand.u32 $0x67, v51;
	v31 =	vld.idx.msk [tilespmem:v31+s16+$0x0], $0xffff  }
0x96: {  	v33 =	vor.u32 v30, v33;
	_ =	sdelay $0x3  }
0x97: {  	v35 =	vor.u32 v6, v32;
	[tilespmem:v34+s20+$0x0] =	vst.idx.msk $0xffff, v31  }
0x98: {  	v52 =	vor.u32 s26, v5;
	v31 =	vand.u32 $0x6B, v35;
	v33 =	vld.idx.msk [tilespmem:v33+s16+$0x0], $0xffff  }
0x99: {  	v31 =	vor.u32 v30, v31;
	_ =	sdelay $0x3  }
0x9a: {  	v53 =	vor.u32 v8, v32;
	[tilespmem:v52+s20+$0x0] =	vst.idx.msk $0xffff, v33  }
0x9b: {  	v55 =	vor.u32 s26, v7;
	v54 =	vand.u32 $0x6F, v53;
	v31 =	vld.idx.msk [tilespmem:v31+s16+$0x0], $0xffff  }
0x9c: {  	v33 =	vor.u32 v30, v54;
	_ =	sdelay $0x3  }
0x9d: {  	v56 =	vor.u32 v10, v32;
	[tilespmem:v55+s20+$0x0] =	vst.idx.msk $0xffff, v31  }
0x9e: {  	v57 =	vor.u32 s26, v9;
	v31 =	vand.u32 $0x73, v56;
	v33 =	vld.idx.msk [tilespmem:v33+s16+$0x0], $0xffff  }
0x9f: {  	v31 =	vor.u32 v30, v31;
	_ =	sdelay $0x3  }
0xa0: {  	v58 =	vor.u32 v12, v32;
	[tilespmem:v57+s20+$0x0] =	vst.idx.msk $0xffff, v33  }
0xa1: {  	v60 =	vor.u32 s26, v11;
	v59 =	vand.u32 $0x77, v58;
	v31 =	vld.idx.msk [tilespmem:v31+s16+$0x0], $0xffff  }
0xa2: {  	v33 =	vor.u32 v30, v59;
	_ =	sdelay $0x3  }
0xa3: {  	v61 =	vor.u32 v14, v32;
	[tilespmem:v60+s20+$0x0] =	vst.idx.msk $0xffff, v31  }
0xa4: {  	v62 =	vor.u32 s26, v13;
	v31 =	vand.u32 $0x7B, v61;
	v33 =	vld.idx.msk [tilespmem:v33+s16+$0x0], $0xffff  }
0xa5: {  	v31 =	vor.u32 v30, v31;
	_ =	sdelay $0x3  }
0xa6: {  	v32 =	vor.u32 v16, v32;
	[tilespmem:v62+s20+$0x0] =	vst.idx.msk $0xffff, v33  }
0xa7: {  	v63 =	vor.u32 s26, v15;
	v32 =	vand.u32 $0x7F, v32;
	v31 =	vld.idx.msk [tilespmem:v31+s16+$0x0], $0xffff  }
0xa8: {  	v30 =	vor.u32 v30, v32;
	_ =	sdelay $0x3  }
0xa9: {  	[tilespmem:v63+s20+$0x0] =	vst.idx.msk $0xffff, v31  }
0xaa: {  	s0 =	simm.s32 $0x4;
	v31 =	vor.u32 s26, v17;
	v30 =	vld.idx.msk [tilespmem:v30+s16+$0x0], $0xffff  }
0xab: {  	s30 =	sshll.u32 s28, $0x1;
	s31 =	sshll.u32 s28, $0x2;
	s2 =	simm.s32 $0x8;
	v32 =	vor.u32 s0, v29  }
.LBB2_5:
0xac: {  	_ =	sdelay $0x1  }
0xad: {  	p1 =	sne.s32 s2, $0x7C;
	s12 =	smov.u32 s2;
	s2 =	sadd.s32 $0x4, s2  }
0xae: {  	[tilespmem:v31+s20+$0x0] =	vst.idx.msk $0xffff, v30  }
0xaf: {  	v30 =	vld.idx.msk [tilespmem:v32+s3+$0x0], $0xffff;
	_ =	sdelay $0x4  }
0xb0: {  	v31 =	vmov s0  }
0xb1: {  	v31 =	vshll.u32 v31, $0x7;
	v30 =	vshra.s32 v30, $0xD  }
0xb2: {  	v33 =	vor.u32 s0, v3;
	v32 =	vand.u32 $0xFFFFFFE0, v30  }
0xb3: {  	v31 =	vor.u32 v2, v31;
	v30 =	vand.u32 $0xFFFFFF80, v30;
	v34 =	vor.u32 v0, v32  }
0xb4: {  	v30 =	vadd.s32 v31, v30;
	v31 =	vor.u32 v4, v32;
	v34 =	vand.u32 $0x63, v34  }
0xb5: {  	v35 =	vor.u32 v6, v32;
	v31 =	vand.u32 $0x67, v31;
	v34 =	vor.u32 v30, v34  }
0xb6: {  	v36 =	vor.u32 v8, v32;
	v35 =	vand.u32 $0x6B, v35;
	v31 =	vor.u32 v30, v31  }
0xb7: {  	v37 =	vor.u32 v10, v32;
	v36 =	vand.u32 $0x6F, v36;
	v35 =	vor.u32 v30, v35  }
0xb8: {  	v38 =	vor.u32 v12, v32;
	v37 =	vand.u32 $0x73, v37;
	v36 =	vor.u32 v30, v36  }
0xb9: {  	v39 =	vor.u32 v14, v32;
	v38 =	vand.u32 $0x77, v38;
	v37 =	vor.u32 v30, v37  }
0xba: {  	v32 =	vor.u32 v16, v32;
	v39 =	vand.u32 $0x7B, v39;
	v38 =	vor.u32 v30, v38;
	v34 =	vld.idx.msk [tilespmem:v34+s16+$0x0], $0xffff  }
0xbb: {  	v32 =	vand.u32 $0x7F, v32;
	v39 =	vor.u32 v30, v39  }
0xbc: {  	v30 =	vor.u32 v30, v32;
	_ =	sdelay $0x3  }
0xbd: {  	[tilespmem:v33+s20+$0x0] =	vst.idx.msk $0xffff, v34  }
0xbe: {  	v32 =	vor.u32 s0, v5;
	v31 =	vld.idx.msk [tilespmem:v31+s16+$0x0], $0xffff;
	_ =	sdelay $0x5  }
0xbf: {  	[tilespmem:v32+s20+$0x0] =	vst.idx.msk $0xffff, v31  }
0xc0: {  	v32 =	vor.u32 s0, v7;
	v31 =	vld.idx.msk [tilespmem:v35+s16+$0x0], $0xffff;
	_ =	sdelay $0x5  }
0xc1: {  	[tilespmem:v32+s20+$0x0] =	vst.idx.msk $0xffff, v31  }
0xc2: {  	v32 =	vor.u32 s0, v9;
	v31 =	vld.idx.msk [tilespmem:v36+s16+$0x0], $0xffff;
	_ =	sdelay $0x5  }
0xc3: {  	[tilespmem:v32+s20+$0x0] =	vst.idx.msk $0xffff, v31  }
0xc4: {  	v32 =	vor.u32 s0, v11;
	v31 =	vld.idx.msk [tilespmem:v37+s16+$0x0], $0xffff;
	_ =	sdelay $0x5  }
0xc5: {  	[tilespmem:v32+s20+$0x0] =	vst.idx.msk $0xffff, v31  }
0xc6: {  	v32 =	vor.u32 s0, v13;
	v31 =	vld.idx.msk [tilespmem:v38+s16+$0x0], $0xffff;
	_ =	sdelay $0x5  }
0xc7: {  	[tilespmem:v32+s20+$0x0] =	vst.idx.msk $0xffff, v31  }
0xc8: {  	v32 =	vor.u32 s0, v15;
	v31 =	vld.idx.msk [tilespmem:v39+s16+$0x0], $0xffff;
	_ =	sdelay $0x3  }
.Ltmp1:
0xc9: {  	(pc) =	sbr.rel @p1 .LBB2_5-.Ltmp1, $4  }
0xca: {  	_ = 	snop  }
0xcb: {  	[tilespmem:v32+s20+$0x0] =	vst.idx.msk $0xffff, v31  }
0xcc: {  	v31 =	vor.u32 s0, v17;
	s0 =	smov.u32 s12;
	v30 =	vld.idx.msk [tilespmem:v30+s16+$0x0], $0xffff  }
0xcd: {  	v32 =	vor.u32 s0, v29  }
0xce: {  	_ =	sdelay $0x3  }
0xcf: {  	[tilespmem:v31+s20+$0x0] =	vst.idx.msk $0xffff, v30  }
0xd0: {  	v29 =	vld.idx.msk [tilespmem:v32+s3+$0x0], $0xffff;
	_ =	sdelay $0x4  }
0xd1: {  	v30 =	vmov s0;
	v29 =	vshra.s32 v29, $0xD  }
0xd2: {  	v30 =	vshll.u32 v30, $0x7;
	v31 =	vand.u32 $0xFFFFFFE0, v29  }
0xd3: {  	v30 =	vor.u32 v2, v30;
	v29 =	vand.u32 $0xFFFFFF80, v29;
	v62 =	vor.u32 v0, v31  }
0xd4: {  	v29 =	vadd.s32 v30, v29;
	v32 =	vand.u32 $0x63, v62  }
0xd5: {  	v30 =	vor.u32 v29, v32;
	_ =	sdelay $0x3  }
0xd6: {  	v63 =	vor.u32 v4, v31  }
0xd7: {  	v33 =	vor.u32 s0, v3;
	v32 =	vand.u32 $0x67, v63;
	v30 =	vld.idx.msk [tilespmem:v30+s16+$0x0], $0xffff  }
0xd8: {  	v32 =	vor.u32 v29, v32;
	_ =	sdelay $0x3  }
0xd9: {  	v34 =	vor.u32 v6, v31;
	[tilespmem:v33+s20+$0x0] =	vst.idx.msk $0xffff, v30  }
0xda: {  	v36 =	vor.u32 s0, v5;
	v30 =	vand.u32 $0x6B, v34;
	v32 =	vld.idx.msk [tilespmem:v32+s16+$0x0], $0xffff  }
0xdb: {  	v30 =	vor.u32 v29, v30;
	_ =	sdelay $0x3  }
0xdc: {  	v37 =	vor.u32 v8, v31;
	[tilespmem:v36+s20+$0x0] =	vst.idx.msk $0xffff, v32  }
0xdd: {  	v39 =	vor.u32 s0, v7;
	v38 =	vand.u32 $0x6F, v37;
	v30 =	vld.idx.msk [tilespmem:v30+s16+$0x0], $0xffff  }
0xde: {  	v32 =	vor.u32 v29, v38;
	_ =	sdelay $0x3  }
0xdf: {  	v40 =	vor.u32 v10, v31;
	[tilespmem:v39+s20+$0x0] =	vst.idx.msk $0xffff, v30  }
0xe0: {  	v41 =	vor.u32 s0, v9;
	v30 =	vand.u32 $0x73, v40;
	v32 =	vld.idx.msk [tilespmem:v32+s16+$0x0], $0xffff  }
0xe1: {  	v30 =	vor.u32 v29, v30;
	_ =	sdelay $0x3  }
0xe2: {  	v42 =	vor.u32 v12, v31;
	[tilespmem:v41+s20+$0x0] =	vst.idx.msk $0xffff, v32  }
0xe3: {  	v44 =	vor.u32 s0, v11;
	v43 =	vand.u32 $0x77, v42;
	v30 =	vld.idx.msk [tilespmem:v30+s16+$0x0], $0xffff  }
0xe4: {  	v32 =	vor.u32 v29, v43;
	_ =	sdelay $0x3  }
0xe5: {  	v45 =	vor.u32 v14, v31;
	[tilespmem:v44+s20+$0x0] =	vst.idx.msk $0xffff, v30  }
0xe6: {  	v46 =	vor.u32 s0, v13;
	v30 =	vand.u32 $0x7B, v45;
	v32 =	vld.idx.msk [tilespmem:v32+s16+$0x0], $0xffff  }
0xe7: {  	v30 =	vor.u32 v29, v30;
	_ =	sdelay $0x3  }
0xe8: {  	v31 =	vor.u32 v16, v31;
	[tilespmem:v46+s20+$0x0] =	vst.idx.msk $0xffff, v32  }
0xe9: {  	v47 =	vor.u32 s0, v15;
	v31 =	vand.u32 $0x7F, v31;
	v30 =	vld.idx.msk [tilespmem:v30+s16+$0x0], $0xffff  }
0xea: {  	v29 =	vor.u32 v29, v31;
	_ =	sdelay $0x2  }
0xeb: {  	s2 =	sshll.u32 s31, $0x7  }
0xec: {  	s12 =	simm.s32 $0x0;
	s31 =	sor.u32 $0x80, s2;
	[tilespmem:v47+s20+$0x0] =	vst.idx.msk $0xffff, v30  }
0xed: {  	s15 =	sor.u32 s31, s12;
	v30 =	vor.u32 s0, v17;
	v29 =	vld.idx.msk [tilespmem:v29+s16+$0x0], $0xffff  }
0xee: {  	v31 =	vor.u32 s15, v1;
	_ =	sdelay $0x3  }
0xef: {  	[tilespmem:v30+s20+$0x0] =	vst.idx.msk $0xffff, v29  }
0xf0: {  	v29 =	vld.idx.msk [tilespmem:v31+s3+$0x0], $0xffff;
	_ =	sdelay $0x4  }
0xf1: {  	v30 =	vmov s12;
	v29 =	vshra.s32 v29, $0xD  }
0xf2: {  	v30 =	vshll.u32 v30, $0x7;
	v31 =	vand.u32 $0xFFFFFFE0, v29  }
0xf3: {  	v30 =	vadd.s32 v18, v30;
	v29 =	vand.u32 $0xFFFFFF80, v29;
	v48 =	vor.u32 v0, v31  }
0xf4: {  	v29 =	vadd.s32 v30, v29;
	v32 =	vand.u32 $0x63, v48  }
0xf5: {  	v30 =	vor.u32 v29, v32;
	_ =	sdelay $0x3  }
0xf6: {  	v49 =	vor.u32 v4, v31  }
0xf7: {  	v50 =	vor.u32 s12, v19;
	v32 =	vand.u32 $0x67, v49;
	v30 =	vld.idx.msk [tilespmem:v30+s16+$0x0], $0xffff  }
0xf8: {  	v32 =	vor.u32 v29, v32;
	_ =	sdelay $0x3  }
0xf9: {  	v51 =	vor.u32 v6, v31;
	[tilespmem:v50+s20+$0x0] =	vst.idx.msk $0xffff, v30  }
0xfa: {  	v52 =	vor.u32 s12, v20;
	v30 =	vand.u32 $0x6B, v51;
	v32 =	vld.idx.msk [tilespmem:v32+s16+$0x0], $0xffff  }
0xfb: {  	v30 =	vor.u32 v29, v30;
	_ =	sdelay $0x3  }
0xfc: {  	v53 =	vor.u32 v8, v31;
	[tilespmem:v52+s20+$0x0] =	vst.idx.msk $0xffff, v32  }
0xfd: {  	v55 =	vor.u32 s12, v21;
	v54 =	vand.u32 $0x6F, v53;
	v30 =	vld.idx.msk [tilespmem:v30+s16+$0x0], $0xffff  }
0xfe: {  	v32 =	vor.u32 v29, v54;
	_ =	sdelay $0x3  }
0xff: {  	v56 =	vor.u32 v10, v31;
	[tilespmem:v55+s20+$0x0] =	vst.idx.msk $0xffff, v30  }
0x100: {  	v57 =	vor.u32 s12, v22;
	v30 =	vand.u32 $0x73, v56;
	v32 =	vld.idx.msk [tilespmem:v32+s16+$0x0], $0xffff  }
0x101: {  	v30 =	vor.u32 v29, v30;
	_ =	sdelay $0x3  }
0x102: {  	v58 =	vor.u32 v12, v31;
	[tilespmem:v57+s20+$0x0] =	vst.idx.msk $0xffff, v32  }
0x103: {  	v60 =	vor.u32 s12, v23;
	v59 =	vand.u32 $0x77, v58;
	v30 =	vld.idx.msk [tilespmem:v30+s16+$0x0], $0xffff  }
0x104: {  	v32 =	vor.u32 v29, v59;
	_ =	sdelay $0x3  }
0x105: {  	v61 =	vor.u32 v14, v31;
	[tilespmem:v60+s20+$0x0] =	vst.idx.msk $0xffff, v30  }
0x106: {  	v62 =	vor.u32 s12, v24;
	v30 =	vand.u32 $0x7B, v61;
	v32 =	vld.idx.msk [tilespmem:v32+s16+$0x0], $0xffff  }
0x107: {  	v30 =	vor.u32 v29, v30;
	_ =	sdelay $0x3  }
0x108: {  	v31 =	vor.u32 v16, v31;
	[tilespmem:v62+s20+$0x0] =	vst.idx.msk $0xffff, v32  }
0x109: {  	v63 =	vor.u32 s12, v25;
	v31 =	vand.u32 $0x7F, v31;
	v30 =	vld.idx.msk [tilespmem:v30+s16+$0x0], $0xffff  }
0x10a: {  	v29 =	vor.u32 v29, v31;
	_ =	sdelay $0x3  }
0x10b: {  	s0 =	simm.s32 $0x4;
	[tilespmem:v63+s20+$0x0] =	vst.idx.msk $0xffff, v30  }
0x10c: {  	s15 =	sor.u32 s31, s0;
	v30 =	vor.u32 s12, v26;
	v29 =	vld.idx.msk [tilespmem:v29+s16+$0x0], $0xffff  }
0x10d: {  	s2 =	simm.s32 $0x8;
	v31 =	vor.u32 s15, v1  }
.LBB2_7:
0x10e: {  	_ =	sdelay $0x1  }
0x10f: {  	p1 =	sne.s32 s2, $0x7C;
	s12 =	smov.u32 s2;
	s2 =	sadd.s32 $0x4, s2  }
0x110: {  	[tilespmem:v30+s20+$0x0] =	vst.idx.msk $0xffff, v29  }
0x111: {  	v29 =	vld.idx.msk [tilespmem:v31+s3+$0x0], $0xffff;
	_ =	sdelay $0x4  }
0x112: {  	v30 =	vmov s0  }
0x113: {  	v30 =	vshll.u32 v30, $0x7;
	v29 =	vshra.s32 v29, $0xD  }
0x114: {  	v32 =	vor.u32 s0, v19;
	v31 =	vand.u32 $0xFFFFFFE0, v29  }
0x115: {  	v30 =	vadd.s32 v18, v30;
	v29 =	vand.u32 $0xFFFFFF80, v29;
	v33 =	vor.u32 v0, v31  }
0x116: {  	v29 =	vadd.s32 v30, v29;
	v30 =	vor.u32 v4, v31;
	v33 =	vand.u32 $0x63, v33  }
0x117: {  	v34 =	vor.u32 v6, v31;
	v30 =	vand.u32 $0x67, v30;
	v33 =	vor.u32 v29, v33  }
0x118: {  	v35 =	vor.u32 v8, v31;
	v34 =	vand.u32 $0x6B, v34;
	v30 =	vor.u32 v29, v30  }
0x119: {  	v36 =	vor.u32 v10, v31;
	v35 =	vand.u32 $0x6F, v35;
	v34 =	vor.u32 v29, v34  }
0x11a: {  	v37 =	vor.u32 v12, v31;
	v36 =	vand.u32 $0x73, v36;
	v35 =	vor.u32 v29, v35  }
0x11b: {  	v38 =	vor.u32 v14, v31;
	v37 =	vand.u32 $0x77, v37;
	v36 =	vor.u32 v29, v36  }
0x11c: {  	v31 =	vor.u32 v16, v31;
	v38 =	vand.u32 $0x7B, v38;
	v37 =	vor.u32 v29, v37;
	v33 =	vld.idx.msk [tilespmem:v33+s16+$0x0], $0xffff  }
0x11d: {  	v31 =	vand.u32 $0x7F, v31;
	v38 =	vor.u32 v29, v38  }
0x11e: {  	v29 =	vor.u32 v29, v31;
	_ =	sdelay $0x3  }
0x11f: {  	[tilespmem:v32+s20+$0x0] =	vst.idx.msk $0xffff, v33  }
0x120: {  	v31 =	vor.u32 s0, v20;
	v30 =	vld.idx.msk [tilespmem:v30+s16+$0x0], $0xffff;
	_ =	sdelay $0x5  }
0x121: {  	[tilespmem:v31+s20+$0x0] =	vst.idx.msk $0xffff, v30  }
0x122: {  	v31 =	vor.u32 s0, v21;
	v30 =	vld.idx.msk [tilespmem:v34+s16+$0x0], $0xffff;
	_ =	sdelay $0x5  }
0x123: {  	[tilespmem:v31+s20+$0x0] =	vst.idx.msk $0xffff, v30  }
0x124: {  	v31 =	vor.u32 s0, v22;
	v30 =	vld.idx.msk [tilespmem:v35+s16+$0x0], $0xffff;
	_ =	sdelay $0x5  }
0x125: {  	[tilespmem:v31+s20+$0x0] =	vst.idx.msk $0xffff, v30  }
0x126: {  	v31 =	vor.u32 s0, v23;
	v30 =	vld.idx.msk [tilespmem:v36+s16+$0x0], $0xffff;
	_ =	sdelay $0x5  }
0x127: {  	[tilespmem:v31+s20+$0x0] =	vst.idx.msk $0xffff, v30  }
0x128: {  	v31 =	vor.u32 s0, v24;
	v30 =	vld.idx.msk [tilespmem:v37+s16+$0x0], $0xffff;
	_ =	sdelay $0x5  }
0x129: {  	[tilespmem:v31+s20+$0x0] =	vst.idx.msk $0xffff, v30  }
0x12a: {  	v31 =	vor.u32 s0, v25;
	v30 =	vld.idx.msk [tilespmem:v38+s16+$0x0], $0xffff;
	_ =	sdelay $0x3  }
.Ltmp2:
0x12b: {  	(pc) =	sbr.rel @p1 .LBB2_7-.Ltmp2, $4  }
0x12c: {  	_ = 	snop  }
0x12d: {  	[tilespmem:v31+s20+$0x0] =	vst.idx.msk $0xffff, v30  }
0x12e: {  	s15 =	sor.u32 s31, s12;
	v30 =	vor.u32 s0, v26;
	s0 =	smov.u32 s12;
	v29 =	vld.idx.msk [tilespmem:v29+s16+$0x0], $0xffff  }
0x12f: {  	v31 =	vor.u32 s15, v1  }
0x130: {  	_ =	sdelay $0x3  }
0x131: {  	[tilespmem:v30+s20+$0x0] =	vst.idx.msk $0xffff, v29  }
0x132: {  	v29 =	vld.idx.msk [tilespmem:v31+s3+$0x0], $0xffff;
	_ =	sdelay $0x4  }
0x133: {  	v30 =	vmov s0;
	v29 =	vshra.s32 v29, $0xD  }
0x134: {  	v30 =	vshll.u32 v30, $0x7;
	v31 =	vand.u32 $0xFFFFFFE0, v29  }
0x135: {  	v30 =	vadd.s32 v18, v30;
	v29 =	vand.u32 $0xFFFFFF80, v29;
	v32 =	vor.u32 v0, v31  }
0x136: {  	v29 =	vadd.s32 v30, v29;
	v32 =	vand.u32 $0x63, v32  }
0x137: {  	v30 =	vor.u32 v29, v32;
	_ =	sdelay $0x3  }
0x138: {  	v63 =	vor.u32 v4, v31  }
0x139: {  	v33 =	vor.u32 s0, v19;
	v32 =	vand.u32 $0x67, v63;
	v30 =	vld.idx.msk [tilespmem:v30+s16+$0x0], $0xffff  }
0x13a: {  	v32 =	vor.u32 v29, v32;
	_ =	sdelay $0x3  }
0x13b: {  	v34 =	vor.u32 v6, v31;
	[tilespmem:v33+s20+$0x0] =	vst.idx.msk $0xffff, v30  }
0x13c: {  	v36 =	vor.u32 s0, v20;
	v30 =	vand.u32 $0x6B, v34;
	v32 =	vld.idx.msk [tilespmem:v32+s16+$0x0], $0xffff  }
0x13d: {  	v30 =	vor.u32 v29, v30;
	_ =	sdelay $0x3  }
0x13e: {  	v37 =	vor.u32 v8, v31;
	[tilespmem:v36+s20+$0x0] =	vst.idx.msk $0xffff, v32  }
0x13f: {  	v39 =	vor.u32 s0, v21;
	v38 =	vand.u32 $0x6F, v37;
	v30 =	vld.idx.msk [tilespmem:v30+s16+$0x0], $0xffff  }
0x140: {  	v32 =	vor.u32 v29, v38;
	_ =	sdelay $0x3  }
0x141: {  	v40 =	vor.u32 v10, v31;
	[tilespmem:v39+s20+$0x0] =	vst.idx.msk $0xffff, v30  }
0x142: {  	v41 =	vor.u32 s0, v22;
	v30 =	vand.u32 $0x73, v40;
	v32 =	vld.idx.msk [tilespmem:v32+s16+$0x0], $0xffff  }
0x143: {  	v30 =	vor.u32 v29, v30;
	_ =	sdelay $0x3  }
0x144: {  	v42 =	vor.u32 v12, v31;
	[tilespmem:v41+s20+$0x0] =	vst.idx.msk $0xffff, v32  }
0x145: {  	v44 =	vor.u32 s0, v23;
	v43 =	vand.u32 $0x77, v42;
	v30 =	vld.idx.msk [tilespmem:v30+s16+$0x0], $0xffff  }
0x146: {  	v32 =	vor.u32 v29, v43;
	_ =	sdelay $0x3  }
0x147: {  	v45 =	vor.u32 v14, v31;
	[tilespmem:v44+s20+$0x0] =	vst.idx.msk $0xffff, v30  }
0x148: {  	v46 =	vor.u32 s0, v24;
	v30 =	vand.u32 $0x7B, v45;
	v32 =	vld.idx.msk [tilespmem:v32+s16+$0x0], $0xffff  }
0x149: {  	v30 =	vor.u32 v29, v30;
	_ =	sdelay $0x3  }
0x14a: {  	v31 =	vor.u32 v16, v31;
	[tilespmem:v46+s20+$0x0] =	vst.idx.msk $0xffff, v32  }
0x14b: {  	v47 =	vor.u32 s0, v25;
	v31 =	vand.u32 $0x7F, v31;
	v30 =	vld.idx.msk [tilespmem:v30+s16+$0x0], $0xffff  }
0x14c: {  	v29 =	vor.u32 v29, v31;
	_ =	sdelay $0x3  }
0x14d: {  	[tilespmem:v47+s20+$0x0] =	vst.idx.msk $0xffff, v30  }
0x14e: {  	v30 =	vor.u32 s0, v26;
	v29 =	vld.idx.msk [tilespmem:v29+s16+$0x0], $0xffff;
	_ =	sdelay $0x1  }
0x14f: {  	s2 =	sshll.u32 s28, $0x13  }
0x150: {  	s0 =	sor.u32 s4, s2  }
0x151: {  	s0 =	sshrl.u32 s0, $0x3  }
0x152: {  	s29 =	sand.u32 $0x3FFFFE00, s29;
	s30 =	sor.u32 $0x1, s30;
	s0 =	sadd.s32 s1, s0;
	[tilespmem:v30+s20+$0x0] =	vst.idx.msk $0xffff, v29  }
0x153: {  	[hbm4b:s0+s10] =	stream.strided.scatter [tilespmem:s20], [sflag:$0x3], $0x2000, s11, s10, $0x38;
	[tilespmem:$0x17500] =	vst v63  }
0x154: {  	s12 =	sadd.s32 $0x1E00, s29;
	s15 =	sshll.u32 s30, $0x8  }
0x155: {  	[tilespmem:s16], [sflag:$0x1] =	stream.indirect.gather [hbm4b:s5+s14], $0x80, s12, s14, $0xb8;
	[tilespmem:$0x17500] =	vst v63  }
0x156: {  	v29 =	vor.u32 s15, v1;
	s12 =	simm.s32 $0x0;
	_ =	swait.ge [sflag:s21], $0x8000  }
0x157: {  	v30 =	vor.u32 s12, v29;
	[sflag:s21] =	ssyncset.done $0x0  }
0x158: {  	s0 =	simm.s32 @!p0 $0x4;
	[sflag:s21] =	ssyncadd.s32 $0xFFFF8000  }
0x159: {  	_ =	swait.ge @!p0 [sflag:s0], $0x2000  }
0x15a: {  	[sflag:s0] =	ssyncset.done @!p0 $0x0  }
0x15b: {  	[sflag:s0] =	ssyncadd.s32 @!p0 $0xFFFFE000  }
0x15c: {  	v30 =	vld.idx.msk [tilespmem:v30+s3+$0x0], $0xffff;
	_ =	sdelay $0x4  }
0x15d: {  	v31 =	vmov s12;
	v30 =	vshra.s32 v30, $0xD  }
0x15e: {  	v31 =	vshll.u32 v31, $0x7;
	v48 =	vand.u32 $0xFFFFFFE0, v30  }
0x15f: {  	v31 =	vor.u32 v2, v31;
	v30 =	vand.u32 $0xFFFFFF80, v30;
	v49 =	vor.u32 v0, v48  }
0x160: {  	v30 =	vadd.s32 v31, v30;
	v33 =	vand.u32 $0x63, v49  }
0x161: {  	v31 =	vor.u32 v30, v33;
	_ =	sdelay $0x3  }
0x162: {  	v50 =	vor.u32 v4, v48  }
0x163: {  	v51 =	vor.u32 s12, v3;
	v33 =	vand.u32 $0x67, v50;
	v31 =	vld.idx.msk [tilespmem:v31+s18+$0x0], $0xffff  }
0x164: {  	v33 =	vor.u32 v30, v33;
	_ =	sdelay $0x3  }
0x165: {  	v35 =	vor.u32 v6, v48;
	[tilespmem:v51+s22+$0x0] =	vst.idx.msk $0xffff, v31  }
0x166: {  	v52 =	vor.u32 s12, v5;
	v31 =	vand.u32 $0x6B, v35;
	v33 =	vld.idx.msk [tilespmem:v33+s18+$0x0], $0xffff  }
0x167: {  	v31 =	vor.u32 v30, v31;
	_ =	sdelay $0x3  }
0x168: {  	v53 =	vor.u32 v8, v48;
	[tilespmem:v52+s22+$0x0] =	vst.idx.msk $0xffff, v33  }
0x169: {  	v55 =	vor.u32 s12, v7;
	v54 =	vand.u32 $0x6F, v53;
	v31 =	vld.idx.msk [tilespmem:v31+s18+$0x0], $0xffff  }
0x16a: {  	v33 =	vor.u32 v30, v54;
	_ =	sdelay $0x3  }
0x16b: {  	v56 =	vor.u32 v10, v48;
	[tilespmem:v55+s22+$0x0] =	vst.idx.msk $0xffff, v31  }
0x16c: {  	v57 =	vor.u32 s12, v9;
	v31 =	vand.u32 $0x73, v56;
	v33 =	vld.idx.msk [tilespmem:v33+s18+$0x0], $0xffff  }
0x16d: {  	v31 =	vor.u32 v30, v31;
	_ =	sdelay $0x3  }
0x16e: {  	v58 =	vor.u32 v12, v48;
	[tilespmem:v57+s22+$0x0] =	vst.idx.msk $0xffff, v33  }
0x16f: {  	v60 =	vor.u32 s12, v11;
	v59 =	vand.u32 $0x77, v58;
	v31 =	vld.idx.msk [tilespmem:v31+s18+$0x0], $0xffff  }
0x170: {  	v33 =	vor.u32 v30, v59;
	_ =	sdelay $0x3  }
0x171: {  	v61 =	vor.u32 v14, v48;
	[tilespmem:v60+s22+$0x0] =	vst.idx.msk $0xffff, v31  }
0x172: {  	v62 =	vor.u32 s12, v13;
	v31 =	vand.u32 $0x7B, v61;
	v33 =	vld.idx.msk [tilespmem:v33+s18+$0x0], $0xffff  }
0x173: {  	v31 =	vor.u32 v30, v31;
	_ =	sdelay $0x3  }
0x174: {  	v32 =	vor.u32 v16, v48;
	[tilespmem:v62+s22+$0x0] =	vst.idx.msk $0xffff, v33  }
0x175: {  	v63 =	vor.u32 s12, v15;
	v32 =	vand.u32 $0x7F, v32;
	v31 =	vld.idx.msk [tilespmem:v31+s18+$0x0], $0xffff  }
0x176: {  	v30 =	vor.u32 v30, v32;
	_ =	sdelay $0x3  }
0x177: {  	[tilespmem:v63+s22+$0x0] =	vst.idx.msk $0xffff, v31  }
0x178: {  	s0 =	simm.s32 $0x4;
	v31 =	vor.u32 s12, v17;
	v30 =	vld.idx.msk [tilespmem:v30+s18+$0x0], $0xffff  }
0x179: {  	s31 =	sshll.u32 s30, $0x1;
	s2 =	simm.s32 $0x8;
	v32 =	vor.u32 s0, v29  }
.LBB2_9:
0x17a: {  	_ =	sdelay $0x1  }
0x17b: {  	p0 =	sne.s32 s2, $0x7C;
	s12 =	smov.u32 s2;
	s2 =	sadd.s32 $0x4, s2  }
0x17c: {  	[tilespmem:v31+s22+$0x0] =	vst.idx.msk $0xffff, v30  }
0x17d: {  	v30 =	vld.idx.msk [tilespmem:v32+s3+$0x0], $0xffff;
	_ =	sdelay $0x4  }
0x17e: {  	v31 =	vmov s0  }
0x17f: {  	v31 =	vshll.u32 v31, $0x7;
	v30 =	vshra.s32 v30, $0xD  }
0x180: {  	v33 =	vor.u32 s0, v3;
	v32 =	vand.u32 $0xFFFFFFE0, v30  }
0x181: {  	v31 =	vor.u32 v2, v31;
	v30 =	vand.u32 $0xFFFFFF80, v30;
	v34 =	vor.u32 v0, v32  }
0x182: {  	v30 =	vadd.s32 v31, v30;
	v31 =	vor.u32 v4, v32;
	v34 =	vand.u32 $0x63, v34  }
0x183: {  	v35 =	vor.u32 v6, v32;
	v31 =	vand.u32 $0x67, v31;
	v34 =	vor.u32 v30, v34  }
0x184: {  	v36 =	vor.u32 v8, v32;
	v35 =	vand.u32 $0x6B, v35;
	v31 =	vor.u32 v30, v31  }
0x185: {  	v37 =	vor.u32 v10, v32;
	v36 =	vand.u32 $0x6F, v36;
	v35 =	vor.u32 v30, v35  }
0x186: {  	v38 =	vor.u32 v12, v32;
	v37 =	vand.u32 $0x73, v37;
	v36 =	vor.u32 v30, v36  }
0x187: {  	v39 =	vor.u32 v14, v32;
	v38 =	vand.u32 $0x77, v38;
	v37 =	vor.u32 v30, v37  }
0x188: {  	v32 =	vor.u32 v16, v32;
	v39 =	vand.u32 $0x7B, v39;
	v38 =	vor.u32 v30, v38;
	v34 =	vld.idx.msk [tilespmem:v34+s18+$0x0], $0xffff  }
0x189: {  	v32 =	vand.u32 $0x7F, v32;
	v39 =	vor.u32 v30, v39  }
0x18a: {  	v30 =	vor.u32 v30, v32;
	_ =	sdelay $0x3  }
0x18b: {  	[tilespmem:v33+s22+$0x0] =	vst.idx.msk $0xffff, v34  }
0x18c: {  	v32 =	vor.u32 s0, v5;
	v31 =	vld.idx.msk [tilespmem:v31+s18+$0x0], $0xffff;
	_ =	sdelay $0x5  }
0x18d: {  	[tilespmem:v32+s22+$0x0] =	vst.idx.msk $0xffff, v31  }
0x18e: {  	v32 =	vor.u32 s0, v7;
	v31 =	vld.idx.msk [tilespmem:v35+s18+$0x0], $0xffff;
	_ =	sdelay $0x5  }
0x18f: {  	[tilespmem:v32+s22+$0x0] =	vst.idx.msk $0xffff, v31  }
0x190: {  	v32 =	vor.u32 s0, v9;
	v31 =	vld.idx.msk [tilespmem:v36+s18+$0x0], $0xffff;
	_ =	sdelay $0x5  }
0x191: {  	[tilespmem:v32+s22+$0x0] =	vst.idx.msk $0xffff, v31  }
0x192: {  	v32 =	vor.u32 s0, v11;
	v31 =	vld.idx.msk [tilespmem:v37+s18+$0x0], $0xffff;
	_ =	sdelay $0x5  }
0x193: {  	[tilespmem:v32+s22+$0x0] =	vst.idx.msk $0xffff, v31  }
0x194: {  	v32 =	vor.u32 s0, v13;
	v31 =	vld.idx.msk [tilespmem:v38+s18+$0x0], $0xffff;
	_ =	sdelay $0x5  }
0x195: {  	[tilespmem:v32+s22+$0x0] =	vst.idx.msk $0xffff, v31  }
0x196: {  	v32 =	vor.u32 s0, v15;
	v31 =	vld.idx.msk [tilespmem:v39+s18+$0x0], $0xffff;
	_ =	sdelay $0x3  }
.Ltmp3:
0x197: {  	(pc) =	sbr.rel @p0 .LBB2_9-.Ltmp3, $4  }
0x198: {  	_ = 	snop  }
0x199: {  	[tilespmem:v32+s22+$0x0] =	vst.idx.msk $0xffff, v31  }
0x19a: {  	v31 =	vor.u32 s0, v17;
	s0 =	smov.u32 s12;
	v30 =	vld.idx.msk [tilespmem:v30+s18+$0x0], $0xffff  }
0x19b: {  	v32 =	vor.u32 s0, v29  }
0x19c: {  	_ =	sdelay $0x3  }
0x19d: {  	[tilespmem:v31+s22+$0x0] =	vst.idx.msk $0xffff, v30  }
0x19e: {  	v29 =	vld.idx.msk [tilespmem:v32+s3+$0x0], $0xffff;
	_ =	sdelay $0x4  }
0x19f: {  	v30 =	vmov s0;
	v29 =	vshra.s32 v29, $0xD  }
0x1a0: {  	v30 =	vshll.u32 v30, $0x7;
	v31 =	vand.u32 $0xFFFFFFE0, v29  }
0x1a1: {  	v30 =	vor.u32 v2, v30;
	v29 =	vand.u32 $0xFFFFFF80, v29;
	v62 =	vor.u32 v0, v31  }
0x1a2: {  	v29 =	vadd.s32 v30, v29;
	v32 =	vand.u32 $0x63, v62  }
0x1a3: {  	v30 =	vor.u32 v29, v32;
	_ =	sdelay $0x3  }
0x1a4: {  	v63 =	vor.u32 v4, v31  }
0x1a5: {  	v33 =	vor.u32 s0, v3;
	v32 =	vand.u32 $0x67, v63;
	v30 =	vld.idx.msk [tilespmem:v30+s18+$0x0], $0xffff  }
0x1a6: {  	v32 =	vor.u32 v29, v32;
	_ =	sdelay $0x3  }
0x1a7: {  	v34 =	vor.u32 v6, v31;
	[tilespmem:v33+s22+$0x0] =	vst.idx.msk $0xffff, v30  }
0x1a8: {  	v36 =	vor.u32 s0, v5;
	v30 =	vand.u32 $0x6B, v34;
	v32 =	vld.idx.msk [tilespmem:v32+s18+$0x0], $0xffff  }
0x1a9: {  	v30 =	vor.u32 v29, v30;
	_ =	sdelay $0x3  }
0x1aa: {  	v37 =	vor.u32 v8, v31;
	[tilespmem:v36+s22+$0x0] =	vst.idx.msk $0xffff, v32  }
0x1ab: {  	v39 =	vor.u32 s0, v7;
	v38 =	vand.u32 $0x6F, v37;
	v30 =	vld.idx.msk [tilespmem:v30+s18+$0x0], $0xffff  }
0x1ac: {  	v32 =	vor.u32 v29, v38;
	_ =	sdelay $0x3  }
0x1ad: {  	v40 =	vor.u32 v10, v31;
	[tilespmem:v39+s22+$0x0] =	vst.idx.msk $0xffff, v30  }
0x1ae: {  	v41 =	vor.u32 s0, v9;
	v30 =	vand.u32 $0x73, v40;
	v32 =	vld.idx.msk [tilespmem:v32+s18+$0x0], $0xffff  }
0x1af: {  	v30 =	vor.u32 v29, v30;
	_ =	sdelay $0x3  }
0x1b0: {  	v42 =	vor.u32 v12, v31;
	[tilespmem:v41+s22+$0x0] =	vst.idx.msk $0xffff, v32  }
0x1b1: {  	v44 =	vor.u32 s0, v11;
	v43 =	vand.u32 $0x77, v42;
	v30 =	vld.idx.msk [tilespmem:v30+s18+$0x0], $0xffff  }
0x1b2: {  	v32 =	vor.u32 v29, v43;
	_ =	sdelay $0x3  }
0x1b3: {  	v45 =	vor.u32 v14, v31;
	[tilespmem:v44+s22+$0x0] =	vst.idx.msk $0xffff, v30  }
0x1b4: {  	v46 =	vor.u32 s0, v13;
	v30 =	vand.u32 $0x7B, v45;
	v32 =	vld.idx.msk [tilespmem:v32+s18+$0x0], $0xffff  }
0x1b5: {  	v30 =	vor.u32 v29, v30;
	_ =	sdelay $0x3  }
0x1b6: {  	v31 =	vor.u32 v16, v31;
	[tilespmem:v46+s22+$0x0] =	vst.idx.msk $0xffff, v32  }
0x1b7: {  	v47 =	vor.u32 s0, v15;
	v31 =	vand.u32 $0x7F, v31;
	v30 =	vld.idx.msk [tilespmem:v30+s18+$0x0], $0xffff  }
0x1b8: {  	v29 =	vor.u32 v29, v31;
	_ =	sdelay $0x2  }
0x1b9: {  	s2 =	sshll.u32 s31, $0x7  }
0x1ba: {  	s12 =	simm.s32 $0x0;
	s31 =	sor.u32 $0x80, s2;
	[tilespmem:v47+s22+$0x0] =	vst.idx.msk $0xffff, v30  }
0x1bb: {  	s15 =	sor.u32 s31, s12;
	v30 =	vor.u32 s0, v17;
	v29 =	vld.idx.msk [tilespmem:v29+s18+$0x0], $0xffff  }
0x1bc: {  	v31 =	vor.u32 s15, v1;
	_ =	sdelay $0x3  }
0x1bd: {  	[tilespmem:v30+s22+$0x0] =	vst.idx.msk $0xffff, v29  }
0x1be: {  	v29 =	vld.idx.msk [tilespmem:v31+s3+$0x0], $0xffff;
	_ =	sdelay $0x4  }
0x1bf: {  	v30 =	vmov s12;
	v29 =	vshra.s32 v29, $0xD  }
0x1c0: {  	v30 =	vshll.u32 v30, $0x7;
	v31 =	vand.u32 $0xFFFFFFE0, v29  }
0x1c1: {  	v30 =	vadd.s32 v18, v30;
	v29 =	vand.u32 $0xFFFFFF80, v29;
	v48 =	vor.u32 v0, v31  }
0x1c2: {  	v29 =	vadd.s32 v30, v29;
	v32 =	vand.u32 $0x63, v48  }
0x1c3: {  	v30 =	vor.u32 v29, v32;
	_ =	sdelay $0x3  }
0x1c4: {  	v49 =	vor.u32 v4, v31  }
0x1c5: {  	v50 =	vor.u32 s12, v19;
	v32 =	vand.u32 $0x67, v49;
	v30 =	vld.idx.msk [tilespmem:v30+s18+$0x0], $0xffff  }
0x1c6: {  	v32 =	vor.u32 v29, v32;
	_ =	sdelay $0x3  }
0x1c7: {  	v51 =	vor.u32 v6, v31;
	[tilespmem:v50+s22+$0x0] =	vst.idx.msk $0xffff, v30  }
0x1c8: {  	v52 =	vor.u32 s12, v20;
	v30 =	vand.u32 $0x6B, v51;
	v32 =	vld.idx.msk [tilespmem:v32+s18+$0x0], $0xffff  }
0x1c9: {  	v30 =	vor.u32 v29, v30;
	_ =	sdelay $0x3  }
0x1ca: {  	v53 =	vor.u32 v8, v31;
	[tilespmem:v52+s22+$0x0] =	vst.idx.msk $0xffff, v32  }
0x1cb: {  	v55 =	vor.u32 s12, v21;
	v54 =	vand.u32 $0x6F, v53;
	v30 =	vld.idx.msk [tilespmem:v30+s18+$0x0], $0xffff  }
0x1cc: {  	v32 =	vor.u32 v29, v54;
	_ =	sdelay $0x3  }
0x1cd: {  	v56 =	vor.u32 v10, v31;
	[tilespmem:v55+s22+$0x0] =	vst.idx.msk $0xffff, v30  }
0x1ce: {  	v57 =	vor.u32 s12, v22;
	v30 =	vand.u32 $0x73, v56;
	v32 =	vld.idx.msk [tilespmem:v32+s18+$0x0], $0xffff  }
0x1cf: {  	v30 =	vor.u32 v29, v30;
	_ =	sdelay $0x3  }
0x1d0: {  	v58 =	vor.u32 v12, v31;
	[tilespmem:v57+s22+$0x0] =	vst.idx.msk $0xffff, v32  }
0x1d1: {  	v60 =	vor.u32 s12, v23;
	v59 =	vand.u32 $0x77, v58;
	v30 =	vld.idx.msk [tilespmem:v30+s18+$0x0], $0xffff  }
0x1d2: {  	v32 =	vor.u32 v29, v59;
	_ =	sdelay $0x3  }
0x1d3: {  	v61 =	vor.u32 v14, v31;
	[tilespmem:v60+s22+$0x0] =	vst.idx.msk $0xffff, v30  }
0x1d4: {  	v62 =	vor.u32 s12, v24;
	v30 =	vand.u32 $0x7B, v61;
	v32 =	vld.idx.msk [tilespmem:v32+s18+$0x0], $0xffff  }
0x1d5: {  	v30 =	vor.u32 v29, v30;
	_ =	sdelay $0x3  }
0x1d6: {  	v31 =	vor.u32 v16, v31;
	[tilespmem:v62+s22+$0x0] =	vst.idx.msk $0xffff, v32  }
0x1d7: {  	v63 =	vor.u32 s12, v25;
	v31 =	vand.u32 $0x7F, v31;
	v30 =	vld.idx.msk [tilespmem:v30+s18+$0x0], $0xffff  }
0x1d8: {  	v29 =	vor.u32 v29, v31;
	_ =	sdelay $0x3  }
0x1d9: {  	s0 =	simm.s32 $0x4;
	[tilespmem:v63+s22+$0x0] =	vst.idx.msk $0xffff, v30  }
0x1da: {  	s15 =	sor.u32 s31, s0;
	v30 =	vor.u32 s12, v26;
	v29 =	vld.idx.msk [tilespmem:v29+s18+$0x0], $0xffff  }
0x1db: {  	s2 =	simm.s32 $0x8;
	v31 =	vor.u32 s15, v1  }
.LBB2_11:
0x1dc: {  	_ =	sdelay $0x1  }
0x1dd: {  	p0 =	sne.s32 s2, $0x7C;
	s12 =	smov.u32 s2;
	s2 =	sadd.s32 $0x4, s2  }
0x1de: {  	[tilespmem:v30+s22+$0x0] =	vst.idx.msk $0xffff, v29  }
0x1df: {  	v29 =	vld.idx.msk [tilespmem:v31+s3+$0x0], $0xffff;
	_ =	sdelay $0x4  }
0x1e0: {  	v30 =	vmov s0  }
0x1e1: {  	v30 =	vshll.u32 v30, $0x7;
	v29 =	vshra.s32 v29, $0xD  }
0x1e2: {  	v32 =	vor.u32 s0, v19;
	v31 =	vand.u32 $0xFFFFFFE0, v29  }
0x1e3: {  	v30 =	vadd.s32 v18, v30;
	v29 =	vand.u32 $0xFFFFFF80, v29;
	v33 =	vor.u32 v0, v31  }
0x1e4: {  	v29 =	vadd.s32 v30, v29;
	v30 =	vor.u32 v4, v31;
	v33 =	vand.u32 $0x63, v33  }
0x1e5: {  	v34 =	vor.u32 v6, v31;
	v30 =	vand.u32 $0x67, v30;
	v33 =	vor.u32 v29, v33  }
0x1e6: {  	v35 =	vor.u32 v8, v31;
	v34 =	vand.u32 $0x6B, v34;
	v30 =	vor.u32 v29, v30  }
0x1e7: {  	v36 =	vor.u32 v10, v31;
	v35 =	vand.u32 $0x6F, v35;
	v34 =	vor.u32 v29, v34  }
0x1e8: {  	v37 =	vor.u32 v12, v31;
	v36 =	vand.u32 $0x73, v36;
	v35 =	vor.u32 v29, v35  }
0x1e9: {  	v38 =	vor.u32 v14, v31;
	v37 =	vand.u32 $0x77, v37;
	v36 =	vor.u32 v29, v36  }
0x1ea: {  	v31 =	vor.u32 v16, v31;
	v38 =	vand.u32 $0x7B, v38;
	v37 =	vor.u32 v29, v37;
	v33 =	vld.idx.msk [tilespmem:v33+s18+$0x0], $0xffff  }
0x1eb: {  	v31 =	vand.u32 $0x7F, v31;
	v38 =	vor.u32 v29, v38  }
0x1ec: {  	v29 =	vor.u32 v29, v31;
	_ =	sdelay $0x3  }
0x1ed: {  	[tilespmem:v32+s22+$0x0] =	vst.idx.msk $0xffff, v33  }
0x1ee: {  	v31 =	vor.u32 s0, v20;
	v30 =	vld.idx.msk [tilespmem:v30+s18+$0x0], $0xffff;
	_ =	sdelay $0x5  }
0x1ef: {  	[tilespmem:v31+s22+$0x0] =	vst.idx.msk $0xffff, v30  }
0x1f0: {  	v31 =	vor.u32 s0, v21;
	v30 =	vld.idx.msk [tilespmem:v34+s18+$0x0], $0xffff;
	_ =	sdelay $0x5  }
0x1f1: {  	[tilespmem:v31+s22+$0x0] =	vst.idx.msk $0xffff, v30  }
0x1f2: {  	v31 =	vor.u32 s0, v22;
	v30 =	vld.idx.msk [tilespmem:v35+s18+$0x0], $0xffff;
	_ =	sdelay $0x5  }
0x1f3: {  	[tilespmem:v31+s22+$0x0] =	vst.idx.msk $0xffff, v30  }
0x1f4: {  	v31 =	vor.u32 s0, v23;
	v30 =	vld.idx.msk [tilespmem:v36+s18+$0x0], $0xffff;
	_ =	sdelay $0x5  }
0x1f5: {  	[tilespmem:v31+s22+$0x0] =	vst.idx.msk $0xffff, v30  }
0x1f6: {  	v31 =	vor.u32 s0, v24;
	v30 =	vld.idx.msk [tilespmem:v37+s18+$0x0], $0xffff;
	_ =	sdelay $0x5  }
0x1f7: {  	[tilespmem:v31+s22+$0x0] =	vst.idx.msk $0xffff, v30  }
0x1f8: {  	v31 =	vor.u32 s0, v25;
	v30 =	vld.idx.msk [tilespmem:v38+s18+$0x0], $0xffff;
	_ =	sdelay $0x3  }
.Ltmp4:
0x1f9: {  	(pc) =	sbr.rel @p0 .LBB2_11-.Ltmp4, $4  }
0x1fa: {  	_ = 	snop  }
0x1fb: {  	[tilespmem:v31+s22+$0x0] =	vst.idx.msk $0xffff, v30  }
0x1fc: {  	s15 =	sor.u32 s31, s12;
	v30 =	vor.u32 s0, v26;
	s0 =	smov.u32 s12;
	v29 =	vld.idx.msk [tilespmem:v29+s18+$0x0], $0xffff  }
0x1fd: {  	v31 =	vor.u32 s15, v1  }
0x1fe: {  	_ =	sdelay $0x3  }
0x1ff: {  	[tilespmem:v30+s22+$0x0] =	vst.idx.msk $0xffff, v29  }
0x200: {  	v29 =	vld.idx.msk [tilespmem:v31+s3+$0x0], $0xffff;
	_ =	sdelay $0x4  }
0x201: {  	v30 =	vmov s0;
	v29 =	vshra.s32 v29, $0xD  }
0x202: {  	v30 =	vshll.u32 v30, $0x7;
	v31 =	vand.u32 $0xFFFFFFE0, v29  }
0x203: {  	v30 =	vadd.s32 v18, v30;
	v29 =	vand.u32 $0xFFFFFF80, v29;
	v32 =	vor.u32 v0, v31  }
0x204: {  	v29 =	vadd.s32 v30, v29;
	v32 =	vand.u32 $0x63, v32  }
0x205: {  	v30 =	vor.u32 v29, v32;
	_ =	sdelay $0x3  }
0x206: {  	v51 =	vor.u32 v4, v31  }
0x207: {  	v33 =	vor.u32 s0, v19;
	v32 =	vand.u32 $0x67, v51;
	v30 =	vld.idx.msk [tilespmem:v30+s18+$0x0], $0xffff  }
0x208: {  	v32 =	vor.u32 v29, v32;
	_ =	sdelay $0x3  }
0x209: {  	v34 =	vor.u32 v6, v31;
	[tilespmem:v33+s22+$0x0] =	vst.idx.msk $0xffff, v30  }
0x20a: {  	v52 =	vor.u32 s0, v20;
	v30 =	vand.u32 $0x6B, v34;
	v32 =	vld.idx.msk [tilespmem:v32+s18+$0x0], $0xffff  }
0x20b: {  	v30 =	vor.u32 v29, v30;
	_ =	sdelay $0x3  }
0x20c: {  	v53 =	vor.u32 v8, v31;
	[tilespmem:v52+s22+$0x0] =	vst.idx.msk $0xffff, v32  }
0x20d: {  	v55 =	vor.u32 s0, v21;
	v54 =	vand.u32 $0x6F, v53;
	v30 =	vld.idx.msk [tilespmem:v30+s18+$0x0], $0xffff  }
0x20e: {  	v32 =	vor.u32 v29, v54;
	_ =	sdelay $0x3  }
0x20f: {  	v56 =	vor.u32 v10, v31;
	[tilespmem:v55+s22+$0x0] =	vst.idx.msk $0xffff, v30  }
0x210: {  	v57 =	vor.u32 s0, v22;
	v30 =	vand.u32 $0x73, v56;
	v32 =	vld.idx.msk [tilespmem:v32+s18+$0x0], $0xffff  }
0x211: {  	v30 =	vor.u32 v29, v30;
	_ =	sdelay $0x3  }
0x212: {  	v58 =	vor.u32 v12, v31;
	[tilespmem:v57+s22+$0x0] =	vst.idx.msk $0xffff, v32  }
0x213: {  	v60 =	vor.u32 s0, v23;
	v59 =	vand.u32 $0x77, v58;
	v30 =	vld.idx.msk [tilespmem:v30+s18+$0x0], $0xffff  }
0x214: {  	v32 =	vor.u32 v29, v59;
	_ =	sdelay $0x3  }
0x215: {  	v61 =	vor.u32 v14, v31;
	[tilespmem:v60+s22+$0x0] =	vst.idx.msk $0xffff, v30  }
0x216: {  	v62 =	vor.u32 s0, v24;
	v30 =	vand.u32 $0x7B, v61;
	v32 =	vld.idx.msk [tilespmem:v32+s18+$0x0], $0xffff  }
0x217: {  	v30 =	vor.u32 v29, v30;
	_ =	sdelay $0x3  }
0x218: {  	v31 =	vor.u32 v16, v31;
	[tilespmem:v62+s22+$0x0] =	vst.idx.msk $0xffff, v32  }
0x219: {  	v63 =	vor.u32 s0, v25;
	v31 =	vand.u32 $0x7F, v31;
	v30 =	vld.idx.msk [tilespmem:v30+s18+$0x0], $0xffff  }
0x21a: {  	v29 =	vor.u32 v29, v31;
	_ =	sdelay $0x3  }
0x21b: {  	[tilespmem:v63+s22+$0x0] =	vst.idx.msk $0xffff, v30  }
0x21c: {  	v30 =	vor.u32 s0, v26;
	v29 =	vld.idx.msk [tilespmem:v29+s18+$0x0], $0xffff  }
0x21d: {  	p0 =	seq.s32 s28, $0xB  }
.Ltmp5:
0x21e: {  	s31 =	sshll.u32 s30, $0x12;
	(pc) =	sbr.rel @p0 .LBB2_14-.Ltmp5, $4  }
0x21f: {  	s0 =	sor.u32 s4, s31  }
0x220: {  	s0 =	sshrl.u32 s0, $0x3  }
0x221: {  	s0 =	sadd.s32 s1, s0;
	[tilespmem:v30+s22+$0x0] =	vst.idx.msk $0xffff, v29  }
0x222: {  	[hbm4b:s0+s10] =	stream.strided.scatter [tilespmem:s22], [sflag:$0x4], $0x2000, s11, s10, $0x38;
	[tilespmem:$0x17500] =	vst v63  }
.Ltmp6:
0x223: {  	(pc) =	sbr.rel .LBB2_4-.Ltmp6, $3  }
0x224: {  	_ =	sdelay $0x1  }
0x225: {  	s0 =	sadd.s32 $0x1F00, s29;
	s28 =	sadd.s32 $0x1, s28  }
0x226: {  	[tilespmem:s18], [sflag:$0x2] =	stream.indirect.gather [hbm4b:s5+s14], $0x80, s0, s14, $0xb8;
	[tilespmem:$0x17500] =	vst v63  }
.LBB2_14:
0x227: {  	_ =	swait.ge [sflag:s19], $0x8000;
	s28 =	simm.s32 $0x0  }
0x228: {  	[sflag:s19] =	ssyncset.done $0x0;
	v29 =	vor.u32 s28, v27  }
0x229: {  	[sflag:s19] =	ssyncadd.s32 $0xFFFF8000  }
0x22a: {  	_ =	swait.ge [sflag:s23], $0x2000  }
0x22b: {  	[sflag:s23] =	ssyncset.done $0x0  }
0x22c: {  	[sflag:s23] =	ssyncadd.s32 $0xFFFFE000  }
0x22d: {  	v29 =	vld.idx.msk [tilespmem:v29+s28+$0x0], $0xffff;
	_ =	sdelay $0x4  }
0x22e: {  	v30 =	vmov s28;
	v31 =	vshra.s32 v29, $0xD  }
0x22f: {  	v29 =	vshll.u32 v30, $0x7;
	v30 =	vand.u32 $0xFFFFFFE0, v31  }
0x230: {  	v31 =	vand.u32 $0xFFFFFF80, v31;
	v33 =	vor.u32 v2, v29;
	v32 =	vor.u32 v0, v30  }
0x231: {  	v31 =	vadd.s32 v33, v31;
	v32 =	vand.u32 $0x63, v32  }
0x232: {  	v32 =	vor.u32 v31, v32;
	_ =	sdelay $0x3  }
0x233: {  	v48 =	vor.u32 v4, v30  }
0x234: {  	v34 =	vor.u32 s28, v3;
	v33 =	vand.u32 $0x67, v48;
	v32 =	vld.idx.msk [tilespmem:v32+s16+$0x0], $0xffff  }
0x235: {  	v33 =	vor.u32 v31, v33;
	_ =	sdelay $0x3  }
0x236: {  	v35 =	vor.u32 v6, v30;
	[tilespmem:v34+s20+$0x0] =	vst.idx.msk $0xffff, v32  }
0x237: {  	v50 =	vor.u32 s28, v5;
	v49 =	vand.u32 $0x6B, v35;
	v33 =	vld.idx.msk [tilespmem:v33+s16+$0x0], $0xffff  }
0x238: {  	v32 =	vor.u32 v31, v49;
	_ =	sdelay $0x3  }
0x239: {  	v51 =	vor.u32 v8, v30;
	[tilespmem:v50+s20+$0x0] =	vst.idx.msk $0xffff, v33  }
0x23a: {  	v53 =	vor.u32 s28, v7;
	v52 =	vand.u32 $0x6F, v51;
	v32 =	vld.idx.msk [tilespmem:v32+s16+$0x0], $0xffff  }
0x23b: {  	v33 =	vor.u32 v31, v52;
	_ =	sdelay $0x3  }
0x23c: {  	v54 =	vor.u32 v10, v30;
	[tilespmem:v53+s20+$0x0] =	vst.idx.msk $0xffff, v32  }
0x23d: {  	v56 =	vor.u32 s28, v9;
	v55 =	vand.u32 $0x73, v54;
	v33 =	vld.idx.msk [tilespmem:v33+s16+$0x0], $0xffff  }
0x23e: {  	v32 =	vor.u32 v31, v55;
	_ =	sdelay $0x3  }
0x23f: {  	v57 =	vor.u32 v12, v30;
	[tilespmem:v56+s20+$0x0] =	vst.idx.msk $0xffff, v33  }
0x240: {  	v59 =	vor.u32 s28, v11;
	v58 =	vand.u32 $0x77, v57;
	v32 =	vld.idx.msk [tilespmem:v32+s16+$0x0], $0xffff  }
0x241: {  	v33 =	vor.u32 v31, v58;
	_ =	sdelay $0x3  }
0x242: {  	v60 =	vor.u32 v14, v30;
	[tilespmem:v59+s20+$0x0] =	vst.idx.msk $0xffff, v32  }
0x243: {  	v62 =	vor.u32 s28, v13;
	v61 =	vand.u32 $0x7B, v60;
	v33 =	vld.idx.msk [tilespmem:v33+s16+$0x0], $0xffff  }
0x244: {  	v32 =	vor.u32 v31, v61;
	_ =	sdelay $0x3  }
0x245: {  	v30 =	vor.u32 v16, v30;
	[tilespmem:v62+s20+$0x0] =	vst.idx.msk $0xffff, v33  }
0x246: {  	v63 =	vor.u32 s28, v15;
	v30 =	vand.u32 $0x7F, v30;
	v32 =	vld.idx.msk [tilespmem:v32+s16+$0x0], $0xffff  }
0x247: {  	v30 =	vor.u32 v31, v30;
	_ =	sdelay $0x3  }
0x248: {  	[tilespmem:v63+s20+$0x0] =	vst.idx.msk $0xffff, v32  }
0x249: {  	s26 =	simm.s32 $0x4;
	v31 =	vor.u32 s28, v17;
	v30 =	vld.idx.msk [tilespmem:v30+s16+$0x0], $0xffff  }
0x24a: {  	s2 =	simm.s32 $0x8;
	s0 =	simm.s32 $0x4;
	v32 =	vor.u32 s26, v27  }
.LBB2_15:
0x24b: {  	_ =	sdelay $0x1  }
0x24c: {  	p0 =	sne.s32 s2, $0x7C;
	s12 =	smov.u32 s2;
	s2 =	sadd.s32 $0x4, s2  }
0x24d: {  	[tilespmem:v31+s20+$0x0] =	vst.idx.msk $0xffff, v30  }
0x24e: {  	v30 =	vld.idx.msk [tilespmem:v32+s28+$0x0], $0xffff;
	_ =	sdelay $0x4  }
0x24f: {  	v31 =	vmov s0  }
0x250: {  	v31 =	vshll.u32 v31, $0x7;
	v30 =	vshra.s32 v30, $0xD  }
0x251: {  	v33 =	vor.u32 s0, v3;
	v32 =	vand.u32 $0xFFFFFFE0, v30  }
0x252: {  	v31 =	vor.u32 v2, v31;
	v30 =	vand.u32 $0xFFFFFF80, v30;
	v34 =	vor.u32 v0, v32  }
0x253: {  	v30 =	vadd.s32 v31, v30;
	v31 =	vor.u32 v4, v32;
	v34 =	vand.u32 $0x63, v34  }
0x254: {  	v35 =	vor.u32 v6, v32;
	v31 =	vand.u32 $0x67, v31;
	v34 =	vor.u32 v30, v34  }
0x255: {  	v36 =	vor.u32 v8, v32;
	v35 =	vand.u32 $0x6B, v35;
	v31 =	vor.u32 v30, v31  }
0x256: {  	v37 =	vor.u32 v10, v32;
	v36 =	vand.u32 $0x6F, v36;
	v35 =	vor.u32 v30, v35  }
0x257: {  	v38 =	vor.u32 v12, v32;
	v37 =	vand.u32 $0x73, v37;
	v36 =	vor.u32 v30, v36  }
0x258: {  	v39 =	vor.u32 v14, v32;
	v38 =	vand.u32 $0x77, v38;
	v37 =	vor.u32 v30, v37  }
0x259: {  	v32 =	vor.u32 v16, v32;
	v39 =	vand.u32 $0x7B, v39;
	v38 =	vor.u32 v30, v38;
	v34 =	vld.idx.msk [tilespmem:v34+s16+$0x0], $0xffff  }
0x25a: {  	v32 =	vand.u32 $0x7F, v32;
	v39 =	vor.u32 v30, v39  }
0x25b: {  	v30 =	vor.u32 v30, v32;
	_ =	sdelay $0x3  }
0x25c: {  	[tilespmem:v33+s20+$0x0] =	vst.idx.msk $0xffff, v34  }
0x25d: {  	v32 =	vor.u32 s0, v5;
	v31 =	vld.idx.msk [tilespmem:v31+s16+$0x0], $0xffff;
	_ =	sdelay $0x5  }
0x25e: {  	[tilespmem:v32+s20+$0x0] =	vst.idx.msk $0xffff, v31  }
0x25f: {  	v32 =	vor.u32 s0, v7;
	v31 =	vld.idx.msk [tilespmem:v35+s16+$0x0], $0xffff;
	_ =	sdelay $0x5  }
0x260: {  	[tilespmem:v32+s20+$0x0] =	vst.idx.msk $0xffff, v31  }
0x261: {  	v32 =	vor.u32 s0, v9;
	v31 =	vld.idx.msk [tilespmem:v36+s16+$0x0], $0xffff;
	_ =	sdelay $0x5  }
0x262: {  	[tilespmem:v32+s20+$0x0] =	vst.idx.msk $0xffff, v31  }
0x263: {  	v32 =	vor.u32 s0, v11;
	v31 =	vld.idx.msk [tilespmem:v37+s16+$0x0], $0xffff;
	_ =	sdelay $0x5  }
0x264: {  	[tilespmem:v32+s20+$0x0] =	vst.idx.msk $0xffff, v31  }
0x265: {  	v32 =	vor.u32 s0, v13;
	v31 =	vld.idx.msk [tilespmem:v38+s16+$0x0], $0xffff;
	_ =	sdelay $0x5  }
0x266: {  	[tilespmem:v32+s20+$0x0] =	vst.idx.msk $0xffff, v31  }
0x267: {  	v32 =	vor.u32 s0, v15;
	v31 =	vld.idx.msk [tilespmem:v39+s16+$0x0], $0xffff;
	_ =	sdelay $0x3  }
.Ltmp7:
0x268: {  	(pc) =	sbr.rel @p0 .LBB2_15-.Ltmp7, $4  }
0x269: {  	_ = 	snop  }
0x26a: {  	[tilespmem:v32+s20+$0x0] =	vst.idx.msk $0xffff, v31  }
0x26b: {  	v31 =	vor.u32 s0, v17;
	s0 =	smov.u32 s12;
	v30 =	vld.idx.msk [tilespmem:v30+s16+$0x0], $0xffff  }
0x26c: {  	v32 =	vor.u32 s0, v27  }
0x26d: {  	_ =	sdelay $0x3  }
0x26e: {  	[tilespmem:v31+s20+$0x0] =	vst.idx.msk $0xffff, v30  }
0x26f: {  	v30 =	vld.idx.msk [tilespmem:v32+s28+$0x0], $0xffff;
	_ =	sdelay $0x4  }
0x270: {  	v31 =	vmov s0;
	v30 =	vshra.s32 v30, $0xD  }
0x271: {  	v31 =	vshll.u32 v31, $0x7;
	v61 =	vand.u32 $0xFFFFFFE0, v30  }
0x272: {  	v31 =	vor.u32 v2, v31;
	v30 =	vand.u32 $0xFFFFFF80, v30;
	v33 =	vor.u32 v0, v61  }
0x273: {  	v30 =	vadd.s32 v31, v30;
	v33 =	vand.u32 $0x63, v33  }
0x274: {  	v31 =	vor.u32 v30, v33;
	_ =	sdelay $0x3  }
0x275: {  	v62 =	vor.u32 v4, v61  }
0x276: {  	v34 =	vor.u32 s0, v3;
	v33 =	vand.u32 $0x67, v62;
	v31 =	vld.idx.msk [tilespmem:v31+s16+$0x0], $0xffff  }
0x277: {  	v33 =	vor.u32 v30, v33;
	_ =	sdelay $0x3  }
0x278: {  	v35 =	vor.u32 v6, v61;
	[tilespmem:v34+s20+$0x0] =	vst.idx.msk $0xffff, v31  }
0x279: {  	v63 =	vor.u32 s0, v5;
	v31 =	vand.u32 $0x6B, v35;
	v33 =	vld.idx.msk [tilespmem:v33+s16+$0x0], $0xffff  }
0x27a: {  	v31 =	vor.u32 v30, v31;
	_ =	sdelay $0x3  }
0x27b: {  	v36 =	vor.u32 v8, v61;
	[tilespmem:v63+s20+$0x0] =	vst.idx.msk $0xffff, v33  }
0x27c: {  	v38 =	vor.u32 s0, v7;
	v37 =	vand.u32 $0x6F, v36;
	v31 =	vld.idx.msk [tilespmem:v31+s16+$0x0], $0xffff  }
0x27d: {  	v33 =	vor.u32 v30, v37;
	_ =	sdelay $0x3  }
0x27e: {  	v39 =	vor.u32 v10, v61;
	[tilespmem:v38+s20+$0x0] =	vst.idx.msk $0xffff, v31  }
0x27f: {  	v40 =	vor.u32 s0, v9;
	v31 =	vand.u32 $0x73, v39;
	v33 =	vld.idx.msk [tilespmem:v33+s16+$0x0], $0xffff  }
0x280: {  	v31 =	vor.u32 v30, v31;
	_ =	sdelay $0x3  }
0x281: {  	v41 =	vor.u32 v12, v61;
	[tilespmem:v40+s20+$0x0] =	vst.idx.msk $0xffff, v33  }
0x282: {  	v43 =	vor.u32 s0, v11;
	v42 =	vand.u32 $0x77, v41;
	v31 =	vld.idx.msk [tilespmem:v31+s16+$0x0], $0xffff  }
0x283: {  	v33 =	vor.u32 v30, v42;
	_ =	sdelay $0x3  }
0x284: {  	v44 =	vor.u32 v14, v61;
	[tilespmem:v43+s20+$0x0] =	vst.idx.msk $0xffff, v31  }
0x285: {  	v45 =	vor.u32 s0, v13;
	v31 =	vand.u32 $0x7B, v44;
	v33 =	vld.idx.msk [tilespmem:v33+s16+$0x0], $0xffff  }
0x286: {  	v31 =	vor.u32 v30, v31;
	_ =	sdelay $0x3  }
0x287: {  	v32 =	vor.u32 v16, v61;
	[tilespmem:v45+s20+$0x0] =	vst.idx.msk $0xffff, v33  }
0x288: {  	v46 =	vor.u32 s0, v15;
	v32 =	vand.u32 $0x7F, v32;
	v31 =	vld.idx.msk [tilespmem:v31+s16+$0x0], $0xffff  }
0x289: {  	v30 =	vor.u32 v30, v32;
	_ =	sdelay $0x3  }
0x28a: {  	[tilespmem:v46+s20+$0x0] =	vst.idx.msk $0xffff, v31  }
0x28b: {  	v31 =	vor.u32 s0, v17;
	v30 =	vld.idx.msk [tilespmem:v30+s16+$0x0], $0xffff  }
0x28c: {  	v47 =	vor.u32 s28, v28;
	_ =	sdelay $0x3  }
0x28d: {  	[tilespmem:v31+s20+$0x0] =	vst.idx.msk $0xffff, v30  }
0x28e: {  	v30 =	vld.idx.msk [tilespmem:v47+s3+$0x0], $0xffff;
	_ =	sdelay $0x4  }
0x28f: {  	v30 =	vshra.s32 v30, $0xD  }
0x290: {  	v31 =	vand.u32 $0xFFFFFFE0, v30  }
0x291: {  	v29 =	vadd.s32 v18, v29;
	v30 =	vand.u32 $0xFFFFFF80, v30;
	v48 =	vor.u32 v0, v31  }
0x292: {  	v29 =	vadd.s32 v29, v30;
	v32 =	vand.u32 $0x63, v48  }
0x293: {  	v30 =	vor.u32 v29, v32;
	_ =	sdelay $0x3  }
0x294: {  	v49 =	vor.u32 v4, v31  }
0x295: {  	v50 =	vor.u32 s28, v19;
	v32 =	vand.u32 $0x67, v49;
	v30 =	vld.idx.msk [tilespmem:v30+s16+$0x0], $0xffff  }
0x296: {  	v32 =	vor.u32 v29, v32;
	_ =	sdelay $0x3  }
0x297: {  	v51 =	vor.u32 v6, v31;
	[tilespmem:v50+s20+$0x0] =	vst.idx.msk $0xffff, v30  }
0x298: {  	v52 =	vor.u32 s28, v20;
	v30 =	vand.u32 $0x6B, v51;
	v32 =	vld.idx.msk [tilespmem:v32+s16+$0x0], $0xffff  }
0x299: {  	v30 =	vor.u32 v29, v30;
	_ =	sdelay $0x3  }
0x29a: {  	v53 =	vor.u32 v8, v31;
	[tilespmem:v52+s20+$0x0] =	vst.idx.msk $0xffff, v32  }
0x29b: {  	v55 =	vor.u32 s28, v21;
	v54 =	vand.u32 $0x6F, v53;
	v30 =	vld.idx.msk [tilespmem:v30+s16+$0x0], $0xffff  }
0x29c: {  	v32 =	vor.u32 v29, v54;
	_ =	sdelay $0x3  }
0x29d: {  	v56 =	vor.u32 v10, v31;
	[tilespmem:v55+s20+$0x0] =	vst.idx.msk $0xffff, v30  }
0x29e: {  	v57 =	vor.u32 s28, v22;
	v30 =	vand.u32 $0x73, v56;
	v32 =	vld.idx.msk [tilespmem:v32+s16+$0x0], $0xffff  }
0x29f: {  	v30 =	vor.u32 v29, v30;
	_ =	sdelay $0x3  }
0x2a0: {  	v58 =	vor.u32 v12, v31;
	[tilespmem:v57+s20+$0x0] =	vst.idx.msk $0xffff, v32  }
0x2a1: {  	v60 =	vor.u32 s28, v23;
	v59 =	vand.u32 $0x77, v58;
	v30 =	vld.idx.msk [tilespmem:v30+s16+$0x0], $0xffff  }
0x2a2: {  	v32 =	vor.u32 v29, v59;
	_ =	sdelay $0x3  }
0x2a3: {  	v61 =	vor.u32 v14, v31;
	[tilespmem:v60+s20+$0x0] =	vst.idx.msk $0xffff, v30  }
0x2a4: {  	v62 =	vor.u32 s28, v24;
	v30 =	vand.u32 $0x7B, v61;
	v32 =	vld.idx.msk [tilespmem:v32+s16+$0x0], $0xffff  }
0x2a5: {  	v30 =	vor.u32 v29, v30;
	_ =	sdelay $0x3  }
0x2a6: {  	v31 =	vor.u32 v16, v31;
	[tilespmem:v62+s20+$0x0] =	vst.idx.msk $0xffff, v32  }
0x2a7: {  	v63 =	vor.u32 s28, v25;
	v31 =	vand.u32 $0x7F, v31;
	v30 =	vld.idx.msk [tilespmem:v30+s16+$0x0], $0xffff  }
0x2a8: {  	v29 =	vor.u32 v29, v31;
	_ =	sdelay $0x3  }
0x2a9: {  	[tilespmem:v63+s20+$0x0] =	vst.idx.msk $0xffff, v30  }
0x2aa: {  	v30 =	vor.u32 s28, v26;
	v29 =	vld.idx.msk [tilespmem:v29+s16+$0x0], $0xffff  }
0x2ab: {  	s0 =	simm.s32 $0x8;
	v31 =	vor.u32 s26, v28  }
.LBB2_17:
0x2ac: {  	_ =	sdelay $0x1  }
0x2ad: {  	p0 =	sne.s32 s0, $0x7C;
	s2 =	smov.u32 s0;
	s0 =	sadd.s32 $0x4, s0  }
0x2ae: {  	[tilespmem:v30+s20+$0x0] =	vst.idx.msk $0xffff, v29  }
0x2af: {  	v29 =	vld.idx.msk [tilespmem:v31+s3+$0x0], $0xffff;
	_ =	sdelay $0x4  }
0x2b0: {  	v30 =	vmov s26  }
0x2b1: {  	v30 =	vshll.u32 v30, $0x7;
	v29 =	vshra.s32 v29, $0xD  }
0x2b2: {  	v32 =	vor.u32 s26, v19;
	v31 =	vand.u32 $0xFFFFFFE0, v29  }
0x2b3: {  	v30 =	vadd.s32 v18, v30;
	v29 =	vand.u32 $0xFFFFFF80, v29;
	v33 =	vor.u32 v0, v31  }
0x2b4: {  	v29 =	vadd.s32 v30, v29;
	v30 =	vor.u32 v4, v31;
	v33 =	vand.u32 $0x63, v33  }
0x2b5: {  	v34 =	vor.u32 v6, v31;
	v30 =	vand.u32 $0x67, v30;
	v33 =	vor.u32 v29, v33  }
0x2b6: {  	v35 =	vor.u32 v8, v31;
	v34 =	vand.u32 $0x6B, v34;
	v30 =	vor.u32 v29, v30  }
0x2b7: {  	v36 =	vor.u32 v10, v31;
	v35 =	vand.u32 $0x6F, v35;
	v34 =	vor.u32 v29, v34  }
0x2b8: {  	v37 =	vor.u32 v12, v31;
	v36 =	vand.u32 $0x73, v36;
	v35 =	vor.u32 v29, v35  }
0x2b9: {  	v38 =	vor.u32 v14, v31;
	v37 =	vand.u32 $0x77, v37;
	v36 =	vor.u32 v29, v36  }
0x2ba: {  	v31 =	vor.u32 v16, v31;
	v38 =	vand.u32 $0x7B, v38;
	v37 =	vor.u32 v29, v37;
	v33 =	vld.idx.msk [tilespmem:v33+s16+$0x0], $0xffff  }
0x2bb: {  	v31 =	vand.u32 $0x7F, v31;
	v38 =	vor.u32 v29, v38  }
0x2bc: {  	v29 =	vor.u32 v29, v31;
	_ =	sdelay $0x3  }
0x2bd: {  	[tilespmem:v32+s20+$0x0] =	vst.idx.msk $0xffff, v33  }
0x2be: {  	v31 =	vor.u32 s26, v20;
	v30 =	vld.idx.msk [tilespmem:v30+s16+$0x0], $0xffff;
	_ =	sdelay $0x5  }
0x2bf: {  	[tilespmem:v31+s20+$0x0] =	vst.idx.msk $0xffff, v30  }
0x2c0: {  	v31 =	vor.u32 s26, v21;
	v30 =	vld.idx.msk [tilespmem:v34+s16+$0x0], $0xffff;
	_ =	sdelay $0x5  }
0x2c1: {  	[tilespmem:v31+s20+$0x0] =	vst.idx.msk $0xffff, v30  }
0x2c2: {  	v31 =	vor.u32 s26, v22;
	v30 =	vld.idx.msk [tilespmem:v35+s16+$0x0], $0xffff;
	_ =	sdelay $0x5  }
0x2c3: {  	[tilespmem:v31+s20+$0x0] =	vst.idx.msk $0xffff, v30  }
0x2c4: {  	v31 =	vor.u32 s26, v23;
	v30 =	vld.idx.msk [tilespmem:v36+s16+$0x0], $0xffff;
	_ =	sdelay $0x5  }
0x2c5: {  	[tilespmem:v31+s20+$0x0] =	vst.idx.msk $0xffff, v30  }
0x2c6: {  	v31 =	vor.u32 s26, v24;
	v30 =	vld.idx.msk [tilespmem:v37+s16+$0x0], $0xffff;
	_ =	sdelay $0x5  }
0x2c7: {  	[tilespmem:v31+s20+$0x0] =	vst.idx.msk $0xffff, v30  }
0x2c8: {  	v31 =	vor.u32 s26, v25;
	v30 =	vld.idx.msk [tilespmem:v38+s16+$0x0], $0xffff;
	_ =	sdelay $0x3  }
.Ltmp8:
0x2c9: {  	(pc) =	sbr.rel @p0 .LBB2_17-.Ltmp8, $4  }
0x2ca: {  	_ = 	snop  }
0x2cb: {  	[tilespmem:v31+s20+$0x0] =	vst.idx.msk $0xffff, v30  }
0x2cc: {  	v30 =	vor.u32 s26, v26;
	s26 =	smov.u32 s2;
	v29 =	vld.idx.msk [tilespmem:v29+s16+$0x0], $0xffff  }
0x2cd: {  	v31 =	vor.u32 s26, v28  }
0x2ce: {  	_ =	sdelay $0x3  }
0x2cf: {  	[tilespmem:v30+s20+$0x0] =	vst.idx.msk $0xffff, v29  }
0x2d0: {  	v29 =	vld.idx.msk [tilespmem:v31+s3+$0x0], $0xffff;
	_ =	sdelay $0x4  }
0x2d1: {  	v30 =	vmov s26;
	v29 =	vshra.s32 v29, $0xD  }
0x2d2: {  	v30 =	vshll.u32 v30, $0x7;
	v31 =	vand.u32 $0xFFFFFFE0, v29  }
0x2d3: {  	v30 =	vadd.s32 v18, v30;
	v29 =	vand.u32 $0xFFFFFF80, v29;
	v32 =	vor.u32 v0, v31  }
0x2d4: {  	v29 =	vadd.s32 v30, v29;
	v32 =	vand.u32 $0x63, v32  }
0x2d5: {  	v30 =	vor.u32 v29, v32;
	_ =	sdelay $0x3  }
0x2d6: {  	v51 =	vor.u32 v4, v31  }
0x2d7: {  	v33 =	vor.u32 s26, v19;
	v32 =	vand.u32 $0x67, v51;
	v30 =	vld.idx.msk [tilespmem:v30+s16+$0x0], $0xffff  }
0x2d8: {  	v32 =	vor.u32 v29, v32;
	_ =	sdelay $0x3  }
0x2d9: {  	v34 =	vor.u32 v6, v31;
	[tilespmem:v33+s20+$0x0] =	vst.idx.msk $0xffff, v30  }
0x2da: {  	v52 =	vor.u32 s26, v20;
	v30 =	vand.u32 $0x6B, v34;
	v32 =	vld.idx.msk [tilespmem:v32+s16+$0x0], $0xffff  }
0x2db: {  	v30 =	vor.u32 v29, v30;
	_ =	sdelay $0x3  }
0x2dc: {  	v53 =	vor.u32 v8, v31;
	[tilespmem:v52+s20+$0x0] =	vst.idx.msk $0xffff, v32  }
0x2dd: {  	v55 =	vor.u32 s26, v21;
	v54 =	vand.u32 $0x6F, v53;
	v30 =	vld.idx.msk [tilespmem:v30+s16+$0x0], $0xffff  }
0x2de: {  	v32 =	vor.u32 v29, v54;
	_ =	sdelay $0x3  }
0x2df: {  	v56 =	vor.u32 v10, v31;
	[tilespmem:v55+s20+$0x0] =	vst.idx.msk $0xffff, v30  }
0x2e0: {  	v57 =	vor.u32 s26, v22;
	v30 =	vand.u32 $0x73, v56;
	v32 =	vld.idx.msk [tilespmem:v32+s16+$0x0], $0xffff  }
0x2e1: {  	v30 =	vor.u32 v29, v30;
	_ =	sdelay $0x3  }
0x2e2: {  	v58 =	vor.u32 v12, v31;
	[tilespmem:v57+s20+$0x0] =	vst.idx.msk $0xffff, v32  }
0x2e3: {  	v60 =	vor.u32 s26, v23;
	v59 =	vand.u32 $0x77, v58;
	v30 =	vld.idx.msk [tilespmem:v30+s16+$0x0], $0xffff  }
0x2e4: {  	v32 =	vor.u32 v29, v59;
	_ =	sdelay $0x3  }
0x2e5: {  	v61 =	vor.u32 v14, v31;
	[tilespmem:v60+s20+$0x0] =	vst.idx.msk $0xffff, v30  }
0x2e6: {  	v62 =	vor.u32 s26, v24;
	v30 =	vand.u32 $0x7B, v61;
	v32 =	vld.idx.msk [tilespmem:v32+s16+$0x0], $0xffff  }
0x2e7: {  	v30 =	vor.u32 v29, v30;
	_ =	sdelay $0x3  }
0x2e8: {  	v31 =	vor.u32 v16, v31;
	[tilespmem:v62+s20+$0x0] =	vst.idx.msk $0xffff, v32  }
0x2e9: {  	v63 =	vor.u32 s26, v25;
	v31 =	vand.u32 $0x7F, v31;
	v30 =	vld.idx.msk [tilespmem:v30+s16+$0x0], $0xffff  }
0x2ea: {  	v29 =	vor.u32 v29, v31;
	_ =	sdelay $0x3  }
0x2eb: {  	[tilespmem:v63+s20+$0x0] =	vst.idx.msk $0xffff, v30  }
0x2ec: {  	v30 =	vor.u32 s26, v26;
	v29 =	vld.idx.msk [tilespmem:v29+s16+$0x0], $0xffff;
	_ =	sdelay $0x4  }
0x2ed: {  	s25 =	sadd.s32 $0x1, s25;
	[tilespmem:v30+s20+$0x0] =	vst.idx.msk $0xffff, v29  }
0x2ee: {  	[hbm4b:s8+s10] =	stream.strided.scatter [tilespmem:s20], [sflag:$0x3], $0x2000, s11, s10, $0x38;
	[tilespmem:$0x17500] =	vst v63  }
0x2ef: {  	p0 =	sne.s32 s25, s9;
	_ =	swait.ge [sflag:s23], $0x2000  }
.Ltmp9:
0x2f0: {  	[sflag:s23] =	ssyncset.done $0x0;
	(pc) =	sbr.rel @p0 .LBB2_1-.Ltmp9, $4  }
0x2f1: {  	[sflag:s23] =	ssyncadd.s32 $0xFFFFE000  }
0x2f2: {  	_ =	swait.ge [sflag:s24], $0x2000  }
0x2f3: {  	[sflag:s24] =	ssyncset.done $0x0  }
0x2f4: {  	[sflag:s24] =	ssyncadd.s32 $0xFFFFE000  }
0x2f5: {  	_ =	sfence.sel $0x180000  }
0x2f6: {  	[bflag:$0x0] =	sbarrier.arrive $0xFFFF  }
0x2f7: {  	_ =	strace $0x90000047  }
0x2f8: {  	s0 =	stileid.u32;
	[bflag:$0x2] =	sbarrier.arrive $0xFFFF  }
0x2f9: {  	p0 =	sne.s32 s0, $0x0;
	s0 =	rddreg [dreg:$0x3]  }
0x2fa: {  	s0 =	sadd.s32 @!p0 $0x100000, s0  }
0x2fb: {  	[sflag:s0] =	ssyncadd.tile.s32 @!p0 $0x1;
	_ =	shalt  }
.Lfunc_end2:
_tile_overlayer_lowered:
.L_overlay_start_2:
0x2fc: {  	(tag) =	ssettag $0x2  }
0x2fd: {  	s0 =	rddreg [dreg:$0x0];
	s2 =	stileid.u32  }
0x2fe: {  	s1 =	rddreg [dreg:$0x1];
	p0 =	sne.s32 s2, $0x0  }
0x2ff: {  	s3 =	rddreg [dreg:$0x2];
	[bflag:$0x3] =	sbarrier.arrive $0xFFFF;
	s2 =	simm.s32 @!p0 $0x1C05  }
0x300: {  	[timem:s3], [sflag:s2] =	dma.local @!p0 [hbm:s0], s1  }
0x301: {  	s0 =	simm.s32 @!p0 $0x5  }
0x302: {  	_ =	swait.ge @!p0 [sflag:s0], s1  }
0x303: {  	s1 =	ssub.s32 @!p0 $0x0, s1;
	[sflag:s0] =	ssyncset.done @!p0 $0x0  }
0x304: {  	[sflag:s0] =	ssyncadd.s32 @!p0 s1  }
0x305: {  	[bflag:$0x3] =	sbarrier.arrive $0xFFFF  }
0x306: {  	_ =	shalt  }

</sc_bundles>
